<compile_context>
chip_gen: v7x
topology: tpu7x:2x2x1
jax: 0.10.2.dev20260603
libtpu: 0.0.44.dev20260713+nightly
codegen_flags: <defaults>
</compile_context>

<pallas_src>
import jax
import jax.numpy as jnp
from jax import lax
from jax.experimental import pallas as pl
from jax.experimental.pallas import tpu as pltpu, tpu_sc as plsc

N = 10000
E = 320000
F = 128
FE = 3
ND = 10240
FW = 144
NW = 32
EPT = E // NW
CH = 80
NCH = EPT // CH
SLAB = ND // 16
CHA = 32
CHB = 48

_SC_MESH = dict(core_axis_name="c", subcore_axis_name="s",
                num_cores=2, num_subcores=16)


def _proj_body(hv_ref, hk_ref, wvt_ref, wkt_ref, ba_ref, a_ref, b_ref):
    a_ref[...] = jnp.dot(hv_ref[...], wvt_ref[...],
                         preferred_element_type=jnp.float32,
                         precision=lax.Precision.HIGHEST)
    b_ref[...] = jnp.dot(hk_ref[...], wkt_ref[...],
                         preferred_element_type=jnp.float32,
                         precision=lax.Precision.HIGHEST) + ba_ref[...]


def _proj(hv, hk, wvt, wkt, ba):
    grid = 25
    blk = N // grid
    return pl.pallas_call(
        _proj_body,
        grid=(grid,),
        in_specs=[
            pl.BlockSpec((blk, F), lambda i: (i, 0)),
            pl.BlockSpec((blk, F), lambda i: (i, 0)),
            pl.BlockSpec((F, F), lambda i: (0, 0)),
            pl.BlockSpec((F, F), lambda i: (0, 0)),
            pl.BlockSpec((1, F), lambda i: (0, 0)),
        ],
        out_specs=[
            pl.BlockSpec((blk, F), lambda i: (i, 0)),
            pl.BlockSpec((blk, F), lambda i: (i, 0)),
        ],
        out_shape=[
            jax.ShapeDtypeStruct((N, F), jnp.float32),
            jax.ShapeDtypeStruct((N, F), jnp.float32),
        ],
    )(hv, hk, wvt, wkt, ba)


def _gat_body(a_hbm, b_hbm, src_hbm, dst_hbm,
              g_hbm,
              sbuf0, dbuf0, arow0, brow0,
              sbuf1, dbuf1, arow1, brow1,
              sa0, sb0, sa1, sb1):
    cid = lax.axis_index("c")
    sid = lax.axis_index("s")
    wid = cid * 16 + sid
    base = wid * EPT

    def prefetch(ci, sb, db, ar, br, sema, semb):
        off = base + ci * CH
        pltpu.sync_copy(src_hbm.at[pl.ds(off, CH)], sb)
        pltpu.sync_copy(dst_hbm.at[pl.ds(off, CH)], db)
        pltpu.async_copy(a_hbm.at[sb], ar, sema)
        pltpu.async_copy(b_hbm.at[db], br, semb)

    def compute(ci, sb, db, ar, br, sema, semb):
        pltpu.make_async_copy(a_hbm.at[sb], ar, sema).wait()
        pltpu.make_async_copy(b_hbm.at[db], br, semb).wait()

        @plsc.parallel_loop(0, CH)
        def _(e):
            for k in range(8):
                sl = pl.ds(k * 16, 16)
                ar[e, sl] = ar[e, sl] + br[e, sl]

        pltpu.sync_copy(ar, g_hbm.at[pl.ds(base + ci * CH, CH)])

    bank0 = (sbuf0, dbuf0, arow0, brow0, sa0, sb0)
    bank1 = (sbuf1, dbuf1, arow1, brow1, sa1, sb1)

    prefetch(0, *bank0)

    def body2(t, _):
        ci0 = 2 * t
        ci1 = 2 * t + 1
        prefetch(ci1, *bank1)
        compute(ci0, *bank0)

        @pl.when(ci1 + 1 < NCH)
        def _():
            prefetch(ci1 + 1, *bank0)

        compute(ci1, *bank1)
        return 0

    lax.fori_loop(0, NCH // 2, body2, 0)
    compute(NCH - 1, *bank0)


def _gat(a, b, src, dst):
    mesh = plsc.VectorSubcoreMesh(**_SC_MESH)
    return pl.kernel(
        _gat_body,
        out_type=[jax.ShapeDtypeStruct((E, F), jnp.float32)],
        mesh=mesh,
        compiler_params=pltpu.CompilerParams(needs_layout_passes=False),
        scratch_types=[
            pltpu.VMEM((CH,), jnp.int32),
            pltpu.VMEM((CH,), jnp.int32),
            pltpu.VMEM((CH, F), jnp.float32),
            pltpu.VMEM((CH, F), jnp.float32),
            pltpu.VMEM((CH,), jnp.int32),
            pltpu.VMEM((CH,), jnp.int32),
            pltpu.VMEM((CH, F), jnp.float32),
            pltpu.VMEM((CH, F), jnp.float32),
            pltpu.SemaphoreType.DMA,
            pltpu.SemaphoreType.DMA,
            pltpu.SemaphoreType.DMA,
            pltpu.SemaphoreType.DMA,
        ],
    )(a, b, src, dst)


ABLK = 2000


def _attc_body(g_ref, ef_ref, wf_ref, vac_ref, att_ref, bm_ref):
    z = g_ref[...] + jnp.dot(ef_ref[...], wf_ref[...],
                             preferred_element_type=jnp.float32,
                             precision=lax.Precision.HIGHEST)
    t = jnp.tanh(z)
    av = jnp.sum(t * vac_ref[...].reshape(1, F), axis=1, keepdims=True)
    att_ref[...] = av

    @pl.when(pl.program_id(0) == 0)
    def _():
        bm_ref[...] = jnp.full((8, F), -3.0e38, jnp.float32)

    bm_ref[...] = jnp.maximum(bm_ref[...], jnp.max(av))


def _attc(g, ef, wf16, vac):
    grid = E // ABLK
    return pl.pallas_call(
        _attc_body,
        grid=(grid,),
        in_specs=[
            pl.BlockSpec((ABLK, F), lambda i: (i, 0)),
            pl.BlockSpec((ABLK, 16), lambda i: (i, 0)),
            pl.BlockSpec((16, F), lambda i: (0, 0)),
            pl.BlockSpec((F, 1), lambda i: (0, 0)),
        ],
        out_specs=[
            pl.BlockSpec((ABLK, 1), lambda i: (i, 0)),
            pl.BlockSpec((8, F), lambda i: (0, 0)),
        ],
        out_shape=[
            jax.ShapeDtypeStruct((E, 1), jnp.float32),
            jax.ShapeDtypeStruct((8, F), jnp.float32),
        ],
    )(g, ef, wf16, vac)


def _exp_body(att_ref, bm_ref, ex_ref):
    ex_ref[...] = jnp.exp(att_ref[...] - bm_ref[0, 0])


def _exp(att2, bmax):
    grid = E // ABLK
    return pl.pallas_call(
        _exp_body,
        grid=(grid,),
        in_specs=[
            pl.BlockSpec((ABLK, 1), lambda i: (i, 0)),
            pl.BlockSpec((8, F), lambda i: (0, 0)),
        ],
        out_specs=pl.BlockSpec((ABLK, 1), lambda i: (i, 0)),
        out_shape=jax.ShapeDtypeStruct((E, 1), jnp.float32),
    )(att2, bmax)


def _den_body(ex_hbm, dst_hbm, ef_hbm,
              denp_hbm,
              exb, dstb, acc4, efb0, efb1, tmpb, accb, shared,
              se0, se1):
    cid = lax.axis_index("c")
    sid = lax.axis_index("s")
    wid = cid * 16 + sid
    base = wid * EPT
    pltpu.sync_copy(ex_hbm.at[pl.ds(base, EPT)], exb)
    pltpu.sync_copy(dst_hbm.at[pl.ds(base, EPT)], dstb)

    lanes = lax.broadcasted_iota(jnp.int32, (16,), 0)

    def zero_body(i, _):
        acc4[pl.ds(i * 16, 16)] = jnp.zeros((16,), jnp.float32)
        return 0

    lax.fori_loop(0, 4 * ND // 16, zero_body, 0)

    pltpu.async_copy(ef_hbm.at[pl.ds(base * 16, CH * 16)], efb0, se0)

    def work(ci, eb, sem):
        pltpu.make_async_copy(
            ef_hbm.at[pl.ds((base + ci * CH) * 16, CH * 16)], eb, sem).wait()

        @plsc.parallel_loop(0, CH // 16)
        def _(g):
            sl = pl.ds(ci * CH + g * 16, 16)
            ex = exb[sl]
            dv = dstb[sl]
            plsc.addupdate_scatter(acc4, [dv], ex)
            rid16 = (g * 16 + lanes) * 16
            for c in range(FE):
                efc = plsc.load_gather(eb, [rid16 + c])
                plsc.addupdate_scatter(acc4, [dv + (c + 1) * ND], ex * efc)

    def chunk_body(ci, _):
        @pl.when(jnp.logical_and(ci + 1 < NCH, ci % 2 == 0))
        def _():
            pltpu.async_copy(
                ef_hbm.at[pl.ds((base + (ci + 1) * CH) * 16, CH * 16)],
                efb1, se1)

        @pl.when(jnp.logical_and(ci + 1 < NCH, ci % 2 == 1))
        def _():
            pltpu.async_copy(
                ef_hbm.at[pl.ds((base + (ci + 1) * CH) * 16, CH * 16)],
                efb0, se0)

        @pl.when(ci % 2 == 0)
        def _():
            work(ci, efb0, se0)

        @pl.when(ci % 2 == 1)
        def _():
            work(ci, efb1, se1)

        return 0

    lax.fori_loop(0, NCH, chunk_body, 0)

    col0 = sid * SLAB
    for p in range(4):
        pltpu.sync_copy(acc4.at[pl.ds(p * ND, ND)], shared.at[sid])
        plsc.subcore_barrier()

        def zacc_body(i, _):
            accb[pl.ds(i * 16, 16)] = jnp.zeros((16,), jnp.float32)
            return 0

        lax.fori_loop(0, SLAB // 16, zacc_body, 0)

        def red_body(t, _):
            pltpu.sync_copy(shared.at[t, pl.ds(col0, SLAB)], tmpb)

            def add_body(j, _):
                sl = pl.ds(j * 16, 16)
                accb[sl] = accb[sl] + tmpb[sl]
                return 0

            lax.fori_loop(0, SLAB // 16, add_body, 0)
            return 0

        lax.fori_loop(0, 16, red_body, 0)
        pltpu.sync_copy(accb, denp_hbm.at[cid, p, pl.ds(col0, SLAB)])
        plsc.subcore_barrier()


def _den(ex, dst, ef):
    mesh = plsc.VectorSubcoreMesh(**_SC_MESH)
    return pl.kernel(
        _den_body,
        out_type=[jax.ShapeDtypeStruct((2, 4, ND), jnp.float32)],
        mesh=mesh,
        compiler_params=pltpu.CompilerParams(needs_layout_passes=False),
        scratch_types=[
            pltpu.VMEM((EPT,), jnp.float32),
            pltpu.VMEM((EPT,), jnp.int32),
            pltpu.VMEM((4 * ND,), jnp.float32),
            pltpu.VMEM((CH * 16,), jnp.float32),
            pltpu.VMEM((CH * 16,), jnp.float32),
            pltpu.VMEM((SLAB,), jnp.float32),
            pltpu.VMEM((SLAB,), jnp.float32),
            pltpu.VMEM_SHARED((16, ND), jnp.float32),
            pltpu.SemaphoreType.DMA,
            pltpu.SemaphoreType.DMA,
        ],
    )(ex, dst, ef)


SCH = 2000
NSCH = E // SCH
CPT = 4


def _scat_body(src_hbm, dst_hbm, ex_hbm, hvt_hbm,
               hout_hbm,
               sbig0, dbig0, exbig0, sbig1, dbig1, exbig1,
               hvT, accT,
               ss0, sd0, sx0, ss1, sd1, sx1):
    cid = lax.axis_index("c")
    sid = lax.axis_index("s")
    wid = cid * 16 + sid

    pltpu.sync_copy(hvt_hbm.at[pl.ds(wid * CPT * N, CPT * N)], hvT)

    def zb(i, _):
        accT[pl.ds(i * 16, 16)] = jnp.zeros((16,), jnp.float32)
        return 0

    lax.fori_loop(0, CPT * ND // 16, zb, 0)

    def prefetch(ci, sb, db, xb, s1, s2, s3):
        off = ci * SCH
        pltpu.async_copy(src_hbm.at[pl.ds(off, SCH)], sb, s1)
        pltpu.async_copy(dst_hbm.at[pl.ds(off, SCH)], db, s2)
        pltpu.async_copy(ex_hbm.at[pl.ds(off, SCH)], xb, s3)

    def compute(ci, sb, db, xb, s1, s2, s3):
        off = ci * SCH
        pltpu.make_async_copy(src_hbm.at[pl.ds(off, SCH)], sb, s1).wait()
        pltpu.make_async_copy(dst_hbm.at[pl.ds(off, SCH)], db, s2).wait()
        pltpu.make_async_copy(ex_hbm.at[pl.ds(off, SCH)], xb, s3).wait()

        @plsc.parallel_loop(0, SCH // 16)
        def _(g):
            sl = pl.ds(g * 16, 16)
            sv = sb[sl]
            dv = db[sl]
            xv = xb[sl]
            for c in range(CPT):
                hc = plsc.load_gather(hvT, [sv + c * N])
                plsc.addupdate_scatter(accT, [dv + c * ND], xv * hc)

    bank0 = (sbig0, dbig0, exbig0, ss0, sd0, sx0)
    bank1 = (sbig1, dbig1, exbig1, ss1, sd1, sx1)

    prefetch(0, *bank0)

    def body2(t, _):
        ci0 = 2 * t
        ci1 = 2 * t + 1
        prefetch(ci1, *bank1)
        compute(ci0, *bank0)

        @pl.when(ci1 + 1 < NSCH)
        def _():
            prefetch(ci1 + 1, *bank0)

        compute(ci1, *bank1)
        return 0

    lax.fori_loop(0, NSCH // 2, body2, 0)
    pltpu.sync_copy(accT, hout_hbm.at[wid])


def _scat(src, dst, ex, hvt):
    mesh = plsc.VectorSubcoreMesh(**_SC_MESH)
    return pl.kernel(
        _scat_body,
        out_type=[jax.ShapeDtypeStruct((NW, CPT * ND), jnp.float32)],
        mesh=mesh,
        compiler_params=pltpu.CompilerParams(needs_layout_passes=False),
        scratch_types=[
            pltpu.VMEM((SCH,), jnp.int32),
            pltpu.VMEM((SCH,), jnp.int32),
            pltpu.VMEM((SCH,), jnp.float32),
            pltpu.VMEM((SCH,), jnp.int32),
            pltpu.VMEM((SCH,), jnp.int32),
            pltpu.VMEM((SCH,), jnp.float32),
            pltpu.VMEM((CPT * N,), jnp.float32),
            pltpu.VMEM((CPT * ND,), jnp.float32),
            pltpu.SemaphoreType.DMA,
            pltpu.SemaphoreType.DMA,
            pltpu.SemaphoreType.DMA,
            pltpu.SemaphoreType.DMA,
            pltpu.SemaphoreType.DMA,
            pltpu.SemaphoreType.DMA,
        ],
    )(src, dst, ex, hvt)


def _mlp_body(h_ref, dn_ref, w1t_ref, w1e_ref, b1_ref, w2t_ref, b2_ref,
              o_ref):
    den8 = dn_ref[:, 0:4] + dn_ref[:, 4:8]
    den = den8[:, 0:1]
    den = jnp.where(den > 0.0, den, 1.0)
    inv = 1.0 / den
    h = h_ref[...] * inv
    z1 = jnp.dot(h, w1t_ref[...], preferred_element_type=jnp.float32,
                 precision=lax.Precision.HIGHEST) + b1_ref[...]
    for c in range(FE):
        ec = den8[:, c + 1:c + 2] * inv
        z1 = z1 + ec * w1e_ref[pl.ds(c, 1), :]
    h1 = jax.nn.relu(z1)
    o_ref[...] = jax.nn.relu(jnp.dot(h1, w2t_ref[...],
                                     preferred_element_type=jnp.float32,
                                     precision=lax.Precision.HIGHEST)
                             + b2_ref[...])


def _mlp(hatt, denp, w1t, w1e, b1, w2t, b2):
    grid = 16
    blk = ND // grid
    return pl.pallas_call(
        _mlp_body,
        grid=(grid,),
        in_specs=[
            pl.BlockSpec((blk, F), lambda i: (i, 0)),
            pl.BlockSpec((blk, 8), lambda i: (i, 0)),
            pl.BlockSpec((F, F), lambda i: (0, 0)),
            pl.BlockSpec((8, F), lambda i: (0, 0)),
            pl.BlockSpec((1, F), lambda i: (0, 0)),
            pl.BlockSpec((F, F), lambda i: (0, 0)),
            pl.BlockSpec((1, F), lambda i: (0, 0)),
        ],
        out_specs=pl.BlockSpec((blk, F), lambda i: (i, 0)),
        out_shape=jax.ShapeDtypeStruct((ND, F), jnp.float32),
    )(hatt, denp, w1t, w1e, b1, w2t, b2)


def kernel(X_key, X_value, edge_index, edge_feature, W_att, b_att, va,
           W1, b1, W2, b2):
    hk = X_key.reshape(N, F)
    hv = X_value.reshape(N, F)
    src = edge_index[0]
    dst = edge_index[1]
    wvt = W_att[:, :F].T
    wkt = W_att[:, F:2 * F].T
    wft = W_att[:, 2 * F:].T
    va1 = va.reshape(F)

    ef16 = jnp.zeros((E, 16), jnp.float32).at[:, :FE].set(edge_feature)
    wf16 = jnp.zeros((16, F), jnp.float32).at[:FE, :].set(wft)
    a, b = _proj(hv, hk, wvt, wkt, b_att.reshape(1, F))
    (g,) = _gat(a, b, src, dst)
    att2, bmax = _attc(g, ef16, wf16, va1.reshape(F, 1))
    ex2 = _exp(att2, bmax)
    ex = ex2.reshape(E)
    (denp,) = _den(ex, dst, ef16.reshape(E * 16))
    dn8 = jnp.transpose(denp.reshape(8, ND), (1, 0))
    (houtp,) = _scat(src, dst, ex, hv.T.reshape(F * N))
    hatt = jnp.transpose(houtp.reshape(NW, CPT, ND), (2, 0, 1)).reshape(ND, F)

    w1t = W1[:, :F].T
    w1e = jnp.zeros((8, F), jnp.float32).at[:FE, :].set(W1[:, F:].T)
    out = _mlp(hatt, dn8, w1t, w1e, b1.reshape(1, F), W2.T,
               b2.reshape(1, F))
    return out[:N].reshape(1, N, F)

# --- scband reference (transcript-rebuilt; emitter-appended) ---
"""Pipeline reference for scband-sp-graph-attention-layer-81827716924046 (READ-ONLY COPY).

The authoritative reference and input builder live on the scoring server;
editing this copy changes nothing except your own understanding.
"""

import jax, jax.numpy as jnp
import numpy as np

N = 10000
E = 320000
IN_FEAT = 128
NHID = 128
FE = 3  # edge feature dim: 3 - (graphtype == 'competition') -> 3


def setup_inputs(seed: int = 0) -> dict:
    key = jax.random.key(seed)
    ks = jax.random.split(key, 12)
    X_key = jax.random.normal(ks[0], (1, N, IN_FEAT), dtype=jnp.float32)
    X_value = jax.random.normal(ks[1], (1, N, IN_FEAT), dtype=jnp.float32)
    edge_index = jax.random.randint(ks[2], (2, E), 0, N, dtype=jnp.int32)
    edge_feature = jax.random.normal(ks[3], (E, FE), dtype=jnp.float32)
    # learned params (torch nn.Linear convention: W [out, in], y = x @ W.T + b)
    s_att = 1.0 / np.sqrt(2 * IN_FEAT + FE)
    W_att = jax.random.uniform(ks[4], (NHID, 2 * IN_FEAT + FE), jnp.float32, -s_att, s_att)
    b_att = jax.random.uniform(ks[5], (NHID,), jnp.float32, -s_att, s_att)
    va = jax.random.normal(ks[6], (1, NHID), dtype=jnp.float32)
    s1 = 1.0 / np.sqrt(IN_FEAT + FE)
    W1 = jax.random.uniform(ks[7], (NHID, IN_FEAT + FE), jnp.float32, -s1, s1)
    b1 = jax.random.uniform(ks[8], (NHID,), jnp.float32, -s1, s1)
    s2 = 1.0 / np.sqrt(NHID)
    W2 = jax.random.uniform(ks[9], (NHID, NHID), jnp.float32, -s2, s2)
    b2 = jax.random.uniform(ks[10], (NHID,), jnp.float32, -s2, s2)
    return {"X_key": X_key, "X_value": X_value, "edge_index": edge_index,
            "edge_feature": edge_feature, "W_att": W_att, "b_att": b_att,
            "va": va, "W1": W1, "b1": b1, "W2": W2, "b2": b2}


def reference(X_key, X_value, edge_index, edge_feature, W_att, b_att, va, W1, b1, W2, b2):
    B, n, _ = X_key.shape
    num_nodes = B * n
    h_key = X_key.reshape(num_nodes, -1)
    h_value = X_value.reshape(num_nodes, -1)
    src = edge_index[0]
    dst = edge_index[1]
    # edge_attention: att_sim = sum(va * tanh(w_att(cat[src h_value, dst h_key, f_edge])))
    cat_e = jnp.concatenate([h_value[src], h_key[dst], edge_feature], axis=-1)
    z = jnp.tanh(cat_e @ W_att.T + b_att)
    att_sim = jnp.sum(va * z, axis=-1)  # [E]
    # reduce: softmax over incoming edges per dst node
    seg_max = jax.ops.segment_max(att_sim, dst, num_segments=num_nodes)
    seg_max = jnp.where(jnp.isfinite(seg_max), seg_max, 0.0)
    ex = jnp.exp(att_sim - seg_max[dst])
    denom = jax.ops.segment_sum(ex, dst, num_segments=num_nodes)
    denom_safe = jnp.where(denom > 0, denom, 1.0)
    alpha = ex / denom_safe[dst]
    msgs = jnp.concatenate([h_value[src], edge_feature], axis=-1)  # [E, IN+FE]
    h_att = jax.ops.segment_sum(alpha[:, None] * msgs, dst, num_segments=num_nodes)
    # mlp: Linear -> ReLU -> Linear -> ReLU
    h = jax.nn.relu(h_att @ W1.T + b1)
    h = jax.nn.relu(h @ W2.T + b2)
    return h.reshape(B, n, -1)

if __name__ == "__main__":
    import jax
    _d = setup_inputs()
    print(jax.jit(kernel)(*tuple(_d.values())))

</pallas_src>

<mosaic_0001>
#map = affine_map<(d0, d1) -> (0)>
#map1 = affine_map<(d0, d1) -> (0, 0)>
module attributes {stable_mosaic.version = 14 : i64} {
  func.func @_scat_body(%arg0: i32, %arg1: i32, %arg2: memref<320000xi32, #tpu.memory_space<hbm>>, %arg3: memref<320000xi32, #tpu.memory_space<hbm>>, %arg4: memref<320000xf32, #tpu.memory_space<hbm>>, %arg5: memref<1280000xf32, #tpu.memory_space<hbm>>, %arg6: memref<32x40960xf32, #tpu.memory_space<hbm>>, %arg7: memref<2000xi32, #tpu.memory_space<vmem>>, %arg8: memref<2000xi32, #tpu.memory_space<vmem>>, %arg9: memref<2000xf32, #tpu.memory_space<vmem>>, %arg10: memref<2000xi32, #tpu.memory_space<vmem>>, %arg11: memref<2000xi32, #tpu.memory_space<vmem>>, %arg12: memref<2000xf32, #tpu.memory_space<vmem>>, %arg13: memref<40000xf32, #tpu.memory_space<vmem>>, %arg14: memref<40960xf32, #tpu.memory_space<vmem>>, %arg15: memref<!tpu.dma_semaphore, #tpu.memory_space<semaphore_mem>>, %arg16: memref<!tpu.dma_semaphore, #tpu.memory_space<semaphore_mem>>, %arg17: memref<!tpu.dma_semaphore, #tpu.memory_space<semaphore_mem>>, %arg18: memref<!tpu.dma_semaphore, #tpu.memory_space<semaphore_mem>>, %arg19: memref<!tpu.dma_semaphore, #tpu.memory_space<semaphore_mem>>, %arg20: memref<!tpu.dma_semaphore, #tpu.memory_space<semaphore_mem>>) attributes {dimension_semantics = [#tpu.dimension_semantics<core_parallel>, #tpu.dimension_semantics<subcore_parallel>], iteration_bounds = array<i64: 2, 16>, scalar_prefetch = 0 : i64, scratch_operands = 14 : i64, tpu.core_type = #tpu.core_type<sc_vector_subcore>, window_params = [{transform_indices = #map}, {transform_indices = #map}, {transform_indices = #map}, {transform_indices = #map}, {transform_indices = #map1}]} {
    %mul3A = arith.constant 16 : i32
    %mul3A_0 = arith.muli %arg0, %mul3A : i32
    %add3A = arith.addi %mul3A_0, %arg1 : i32
    %mul3A_1 = arith.constant 4 : i32
    %mul3A_2 = arith.muli %add3A, %mul3A_1 : i32
    %mul3A_3 = arith.constant 10000 : i32
    %mul3A_4 = arith.muli %mul3A_2, %mul3A_3 : i32
    "tpu.region"() ({
      %run_scoped3A = tpu.sem_alloc : memref<!tpu.dma_semaphore, #tpu.memory_space<semaphore_mem>>
      %dma_start3A_29 = tpu.memref_slice %arg5[%mul3A_4] : memref<1280000xf32, #tpu.memory_space<hbm>> -> memref<40000xf32, #tpu.memory_space<hbm>>
      %dma_start3A_30 = tpu.memref_slice %arg5[%mul3A_4] : memref<1280000xf32, #tpu.memory_space<hbm>> -> memref<40000xf32, #tpu.memory_space<hbm>>
      tpu.enqueue_dma source(%dma_start3A_30 : memref<40000xf32, #tpu.memory_space<hbm>>) target(%arg13 : memref<40000xf32, #tpu.memory_space<vmem>>) target_semaphore(%run_scoped3A : memref<!tpu.dma_semaphore, #tpu.memory_space<semaphore_mem>>)
      %dma_wait3A = tpu.memref_slice %arg5[%mul3A_4] : memref<1280000xf32, #tpu.memory_space<hbm>> -> memref<40000xf32, #tpu.memory_space<hbm>>
      %dma_wait3A_31 = tpu.memref_slice %arg5[%mul3A_4] : memref<1280000xf32, #tpu.memory_space<hbm>> -> memref<40000xf32, #tpu.memory_space<hbm>>
      tpu.wait_dma2 semaphore(%run_scoped3A : memref<!tpu.dma_semaphore, #tpu.memory_space<semaphore_mem>>) src(%dma_wait3A_31 : memref<40000xf32, #tpu.memory_space<hbm>>) dst(%arg13 : memref<40000xf32, #tpu.memory_space<vmem>>)
      tpu.yield
    }) : () -> ()
    %scan3A = arith.constant 0 : i32
    %scan3A_5 = arith.constant 0 : i32
    %scan3A_6 = arith.constant 2560 : i32
    %scan3A_7 = arith.addi %scan3A_5, %scan3A_6 : i32
    %scan3A_8 = arith.constant 1 : i32
    %scan3A_9 = scf.for %scan3A_29 = %scan3A_5 to %scan3A_7 step %scan3A_8 iter_args(%scan3A_30 = %scan3A) -> (i32)  : i32 {
      %broadcast_in_dim3A = arith.constant 0.000000e+00 : f32
      %broadcast_in_dim3A_31 = vector.broadcast %broadcast_in_dim3A : f32 to vector<16xf32>
      %mul3A_32 = arith.constant 16 : i32
      %mul3A_33 = arith.muli %scan3A_29, %mul3A_32 : i32
      %swap3A = arith.index_cast %mul3A_33 : i32 to index
      %swap3A_34 = tpu.vector_load %arg14[%swap3A] {strides = array<i32>} : memref<40960xf32, #tpu.memory_space<vmem>>, vector<16xf32>,
      tpu.vector_store %arg14[%swap3A], %broadcast_in_dim3A_31 {strides = array<i32>} : memref<40960xf32, #tpu.memory_space<vmem>>, vector<16xf32>,
      %scan3A_35 = arith.constant 0 : i32
      scf.yield %scan3A_35 : i32
    }
    %scan3A_10 = arith.constant 2560 : i32
    %dma_start3A = arith.constant 0 : i32
    %dma_start3A_11 = tpu.memref_slice %arg2[%dma_start3A] : memref<320000xi32, #tpu.memory_space<hbm>> -> memref<2000xi32, #tpu.memory_space<hbm>>
    %dma_start3A_12 = arith.constant 0 : i32
    %dma_start3A_13 = tpu.memref_slice %arg2[%dma_start3A_12] : memref<320000xi32, #tpu.memory_space<hbm>> -> memref<2000xi32, #tpu.memory_space<hbm>>
    tpu.enqueue_dma source(%dma_start3A_13 : memref<2000xi32, #tpu.memory_space<hbm>>) target(%arg7 : memref<2000xi32, #tpu.memory_space<vmem>>) target_semaphore(%arg15 : memref<!tpu.dma_semaphore, #tpu.memory_space<semaphore_mem>>)
    %dma_start3A_14 = arith.constant 0 : i32
    %dma_start3A_15 = tpu.memref_slice %arg3[%dma_start3A_14] : memref<320000xi32, #tpu.memory_space<hbm>> -> memref<2000xi32, #tpu.memory_space<hbm>>
    %dma_start3A_16 = arith.constant 0 : i32
    %dma_start3A_17 = tpu.memref_slice %arg3[%dma_start3A_16] : memref<320000xi32, #tpu.memory_space<hbm>> -> memref<2000xi32, #tpu.memory_space<hbm>>
    tpu.enqueue_dma source(%dma_start3A_17 : memref<2000xi32, #tpu.memory_space<hbm>>) target(%arg8 : memref<2000xi32, #tpu.memory_space<vmem>>) target_semaphore(%arg16 : memref<!tpu.dma_semaphore, #tpu.memory_space<semaphore_mem>>)
    %dma_start3A_18 = arith.constant 0 : i32
    %dma_start3A_19 = tpu.memref_slice %arg4[%dma_start3A_18] : memref<320000xf32, #tpu.memory_space<hbm>> -> memref<2000xf32, #tpu.memory_space<hbm>>
    %dma_start3A_20 = arith.constant 0 : i32
    %dma_start3A_21 = tpu.memref_slice %arg4[%dma_start3A_20] : memref<320000xf32, #tpu.memory_space<hbm>> -> memref<2000xf32, #tpu.memory_space<hbm>>
    tpu.enqueue_dma source(%dma_start3A_21 : memref<2000xf32, #tpu.memory_space<hbm>>) target(%arg9 : memref<2000xf32, #tpu.memory_space<vmem>>) target_semaphore(%arg17 : memref<!tpu.dma_semaphore, #tpu.memory_space<semaphore_mem>>)
    %scan3A_22 = arith.constant 0 : i32
    %scan3A_23 = arith.constant 0 : i32
    %scan3A_24 = arith.constant 80 : i32
    %scan3A_25 = arith.addi %scan3A_23, %scan3A_24 : i32
    %scan3A_26 = arith.constant 1 : i32
    %scan3A_27 = scf.for %scan3A_29 = %scan3A_23 to %scan3A_25 step %scan3A_26 iter_args(%scan3A_30 = %scan3A_22) -> (i32)  : i32 {
      %mul3A_31 = arith.constant 2 : i32
      %mul3A_32 = arith.muli %mul3A_31, %scan3A_29 : i32
      %mul3A_33 = arith.constant 2 : i32
      %mul3A_34 = arith.muli %mul3A_33, %scan3A_29 : i32
      %add3A_35 = arith.constant 1 : i32
      %add3A_36 = arith.addi %mul3A_34, %add3A_35 : i32
      %mul3A_37 = arith.constant 2000 : i32
      %mul3A_38 = arith.muli %add3A_36, %mul3A_37 : i32
      %dma_start3A_39 = tpu.memref_slice %arg2[%mul3A_38] : memref<320000xi32, #tpu.memory_space<hbm>> -> memref<2000xi32, #tpu.memory_space<hbm>>
      %dma_start3A_40 = tpu.memref_slice %arg2[%mul3A_38] : memref<320000xi32, #tpu.memory_space<hbm>> -> memref<2000xi32, #tpu.memory_space<hbm>>
      tpu.enqueue_dma source(%dma_start3A_40 : memref<2000xi32, #tpu.memory_space<hbm>>) target(%arg10 : memref<2000xi32, #tpu.memory_space<vmem>>) target_semaphore(%arg18 : memref<!tpu.dma_semaphore, #tpu.memory_space<semaphore_mem>>)
      %dma_start3A_41 = tpu.memref_slice %arg3[%mul3A_38] : memref<320000xi32, #tpu.memory_space<hbm>> -> memref<2000xi32, #tpu.memory_space<hbm>>
      %dma_start3A_42 = tpu.memref_slice %arg3[%mul3A_38] : memref<320000xi32, #tpu.memory_space<hbm>> -> memref<2000xi32, #tpu.memory_space<hbm>>
      tpu.enqueue_dma source(%dma_start3A_42 : memref<2000xi32, #tpu.memory_space<hbm>>) target(%arg11 : memref<2000xi32, #tpu.memory_space<vmem>>) target_semaphore(%arg19 : memref<!tpu.dma_semaphore, #tpu.memory_space<semaphore_mem>>)
      %dma_start3A_43 = tpu.memref_slice %arg4[%mul3A_38] : memref<320000xf32, #tpu.memory_space<hbm>> -> memref<2000xf32, #tpu.memory_space<hbm>>
      %dma_start3A_44 = tpu.memref_slice %arg4[%mul3A_38] : memref<320000xf32, #tpu.memory_space<hbm>> -> memref<2000xf32, #tpu.memory_space<hbm>>
      tpu.enqueue_dma source(%dma_start3A_44 : memref<2000xf32, #tpu.memory_space<hbm>>) target(%arg12 : memref<2000xf32, #tpu.memory_space<vmem>>) target_semaphore(%arg20 : memref<!tpu.dma_semaphore, #tpu.memory_space<semaphore_mem>>)
      %mul3A_45 = arith.constant 2000 : i32
      %mul3A_46 = arith.muli %mul3A_32, %mul3A_45 : i32
      %dma_wait3A = tpu.memref_slice %arg2[%mul3A_46] : memref<320000xi32, #tpu.memory_space<hbm>> -> memref<2000xi32, #tpu.memory_space<hbm>>
      %dma_wait3A_47 = tpu.memref_slice %arg2[%mul3A_46] : memref<320000xi32, #tpu.memory_space<hbm>> -> memref<2000xi32, #tpu.memory_space<hbm>>
      tpu.wait_dma2 semaphore(%arg15 : memref<!tpu.dma_semaphore, #tpu.memory_space<semaphore_mem>>) src(%dma_wait3A_47 : memref<2000xi32, #tpu.memory_space<hbm>>) dst(%arg7 : memref<2000xi32, #tpu.memory_space<vmem>>)
      %dma_wait3A_48 = tpu.memref_slice %arg3[%mul3A_46] : memref<320000xi32, #tpu.memory_space<hbm>> -> memref<2000xi32, #tpu.memory_space<hbm>>
      %dma_wait3A_49 = tpu.memref_slice %arg3[%mul3A_46] : memref<320000xi32, #tpu.memory_space<hbm>> -> memref<2000xi32, #tpu.memory_space<hbm>>
      tpu.wait_dma2 semaphore(%arg16 : memref<!tpu.dma_semaphore, #tpu.memory_space<semaphore_mem>>) src(%dma_wait3A_49 : memref<2000xi32, #tpu.memory_space<hbm>>) dst(%arg8 : memref<2000xi32, #tpu.memory_space<vmem>>)
      %dma_wait3A_50 = tpu.memref_slice %arg4[%mul3A_46] : memref<320000xf32, #tpu.memory_space<hbm>> -> memref<2000xf32, #tpu.memory_space<hbm>>
      %dma_wait3A_51 = tpu.memref_slice %arg4[%mul3A_46] : memref<320000xf32, #tpu.memory_space<hbm>> -> memref<2000xf32, #tpu.memory_space<hbm>>
      tpu.wait_dma2 semaphore(%arg17 : memref<!tpu.dma_semaphore, #tpu.memory_space<semaphore_mem>>) src(%dma_wait3A_51 : memref<2000xf32, #tpu.memory_space<hbm>>) dst(%arg9 : memref<2000xf32, #tpu.memory_space<vmem>>)
      %parallel_loop3A = arith.constant 0 : i32
      %parallel_loop3A_52 = arith.constant 125 : i32
      %parallel_loop3A_53 = arith.constant 1 : i32
      scf.for %parallel_loop3A_70 = %parallel_loop3A to %parallel_loop3A_52 step %parallel_loop3A_53  : i32 {
        %parallel_loop3A_71 = arith.constant 16 : i32
        %parallel_loop3A_72 = arith.muli %parallel_loop3A_70, %parallel_loop3A_71 : i32
        %parallel_loop3A_73 = arith.index_cast %parallel_loop3A_72 : i32 to index
        %parallel_loop3A_74 = tpu.vector_load %arg7[%parallel_loop3A_73] {strides = array<i32>} : memref<2000xi32, #tpu.memory_space<vmem>>, vector<16xi32>,
        %parallel_loop3A_75 = arith.index_cast %parallel_loop3A_72 : i32 to index
        %parallel_loop3A_76 = tpu.vector_load %arg8[%parallel_loop3A_75] {strides = array<i32>} : memref<2000xi32, #tpu.memory_space<vmem>>, vector<16xi32>,
        %parallel_loop3A_77 = arith.index_cast %parallel_loop3A_72 : i32 to index
        %parallel_loop3A_78 = tpu.vector_load %arg9[%parallel_loop3A_77] {strides = array<i32>} : memref<2000xf32, #tpu.memory_space<vmem>>, vector<16xf32>,
        %parallel_loop3A_79 = arith.constant 0 : i32
        %parallel_loop3A_80 = vector.broadcast %parallel_loop3A_79 : i32 to vector<16xi32>
        %parallel_loop3A_81 = arith.addi %parallel_loop3A_74, %parallel_loop3A_80 : vector<16xi32>
        %parallel_loop3A_82 = tpu.vector_load_idx %arg13[%parallel_loop3A_81] : memref<40000xf32, #tpu.memory_space<vmem>>[vector<16xi32>], vector<16xf32>,
        %parallel_loop3A_83 = arith.constant 0 : i32
        %parallel_loop3A_84 = vector.broadcast %parallel_loop3A_83 : i32 to vector<16xi32>
        %parallel_loop3A_85 = arith.addi %parallel_loop3A_76, %parallel_loop3A_84 : vector<16xi32>
        %parallel_loop3A_86 = arith.mulf %parallel_loop3A_78, %parallel_loop3A_82 : vector<16xf32>
        tpu.vector_store_idx %arg14[%parallel_loop3A_85], %parallel_loop3A_86 {add = true} : memref<40960xf32, #tpu.memory_space<vmem>>[vector<16xi32>], vector<16xf32>,
        %parallel_loop3A_87 = arith.constant 10000 : i32
        %parallel_loop3A_88 = vector.broadcast %parallel_loop3A_87 : i32 to vector<16xi32>
        %parallel_loop3A_89 = arith.addi %parallel_loop3A_74, %parallel_loop3A_88 : vector<16xi32>
        %parallel_loop3A_90 = tpu.vector_load_idx %arg13[%parallel_loop3A_89] : memref<40000xf32, #tpu.memory_space<vmem>>[vector<16xi32>], vector<16xf32>,
        %parallel_loop3A_91 = arith.constant 10240 : i32
        %parallel_loop3A_92 = vector.broadcast %parallel_loop3A_91 : i32 to vector<16xi32>
        %parallel_loop3A_93 = arith.addi %parallel_loop3A_76, %parallel_loop3A_92 : vector<16xi32>
        %parallel_loop3A_94 = arith.mulf %parallel_loop3A_78, %parallel_loop3A_90 : vector<16xf32>
        tpu.vector_store_idx %arg14[%parallel_loop3A_93], %parallel_loop3A_94 {add = true} : memref<40960xf32, #tpu.memory_space<vmem>>[vector<16xi32>], vector<16xf32>,
        %parallel_loop3A_95 = arith.constant 20000 : i32
        %parallel_loop3A_96 = vector.broadcast %parallel_loop3A_95 : i32 to vector<16xi32>
        %parallel_loop3A_97 = arith.addi %parallel_loop3A_74, %parallel_loop3A_96 : vector<16xi32>
        %parallel_loop3A_98 = tpu.vector_load_idx %arg13[%parallel_loop3A_97] : memref<40000xf32, #tpu.memory_space<vmem>>[vector<16xi32>], vector<16xf32>,
        %parallel_loop3A_99 = arith.constant 20480 : i32
        %parallel_loop3A_100 = vector.broadcast %parallel_loop3A_99 : i32 to vector<16xi32>
        %parallel_loop3A_101 = arith.addi %parallel_loop3A_76, %parallel_loop3A_100 : vector<16xi32>
        %parallel_loop3A_102 = arith.mulf %parallel_loop3A_78, %parallel_loop3A_98 : vector<16xf32>
        tpu.vector_store_idx %arg14[%parallel_loop3A_101], %parallel_loop3A_102 {add = true} : memref<40960xf32, #tpu.memory_space<vmem>>[vector<16xi32>], vector<16xf32>,
        %parallel_loop3A_103 = arith.constant 30000 : i32
        %parallel_loop3A_104 = vector.broadcast %parallel_loop3A_103 : i32 to vector<16xi32>
        %parallel_loop3A_105 = arith.addi %parallel_loop3A_74, %parallel_loop3A_104 : vector<16xi32>
        %parallel_loop3A_106 = tpu.vector_load_idx %arg13[%parallel_loop3A_105] : memref<40000xf32, #tpu.memory_space<vmem>>[vector<16xi32>], vector<16xf32>,
        %parallel_loop3A_107 = arith.constant 30720 : i32
        %parallel_loop3A_108 = vector.broadcast %parallel_loop3A_107 : i32 to vector<16xi32>
        %parallel_loop3A_109 = arith.addi %parallel_loop3A_76, %parallel_loop3A_108 : vector<16xi32>
        %parallel_loop3A_110 = arith.mulf %parallel_loop3A_78, %parallel_loop3A_106 : vector<16xf32>
        tpu.vector_store_idx %arg14[%parallel_loop3A_109], %parallel_loop3A_110 {add = true} : memref<40960xf32, #tpu.memory_space<vmem>>[vector<16xi32>], vector<16xf32>,
      } {sc.loop_unroll_factor = 1 : i64, sc.parallel_access}
      %add3A_54 = arith.constant 1 : i32
      %add3A_55 = arith.addi %add3A_36, %add3A_54 : i32
      %lt3A = arith.constant 160 : i32
      %lt3A_56 = arith.cmpi slt, %add3A_55, %lt3A : i32
      %convert_element_type3A = arith.extui %lt3A_56 : i1 to i32
      %cond3A = arith.constant 0 : i32
      %cond3A_57 = arith.cmpi ne, %convert_element_type3A, %cond3A : i32
      scf.if %cond3A_57 {
        %add3A_70 = arith.constant 1 : i32
        %add3A_71 = arith.addi %add3A_36, %add3A_70 : i32
        %mul3A_72 = arith.constant 2000 : i32
        %mul3A_73 = arith.muli %add3A_71, %mul3A_72 : i32
        %dma_start3A_74 = tpu.memref_slice %arg2[%mul3A_73] : memref<320000xi32, #tpu.memory_space<hbm>> -> memref<2000xi32, #tpu.memory_space<hbm>>
        %dma_start3A_75 = tpu.memref_slice %arg2[%mul3A_73] : memref<320000xi32, #tpu.memory_space<hbm>> -> memref<2000xi32, #tpu.memory_space<hbm>>
        tpu.enqueue_dma source(%dma_start3A_75 : memref<2000xi32, #tpu.memory_space<hbm>>) target(%arg7 : memref<2000xi32, #tpu.memory_space<vmem>>) target_semaphore(%arg15 : memref<!tpu.dma_semaphore, #tpu.memory_space<semaphore_mem>>)
        %dma_start3A_76 = tpu.memref_slice %arg3[%mul3A_73] : memref<320000xi32, #tpu.memory_space<hbm>> -> memref<2000xi32, #tpu.memory_space<hbm>>
        %dma_start3A_77 = tpu.memref_slice %arg3[%mul3A_73] : memref<320000xi32, #tpu.memory_space<hbm>> -> memref<2000xi32, #tpu.memory_space<hbm>>
        tpu.enqueue_dma source(%dma_start3A_77 : memref<2000xi32, #tpu.memory_space<hbm>>) target(%arg8 : memref<2000xi32, #tpu.memory_space<vmem>>) target_semaphore(%arg16 : memref<!tpu.dma_semaphore, #tpu.memory_space<semaphore_mem>>)
        %dma_start3A_78 = tpu.memref_slice %arg4[%mul3A_73] : memref<320000xf32, #tpu.memory_space<hbm>> -> memref<2000xf32, #tpu.memory_space<hbm>>
        %dma_start3A_79 = tpu.memref_slice %arg4[%mul3A_73] : memref<320000xf32, #tpu.memory_space<hbm>> -> memref<2000xf32, #tpu.memory_space<hbm>>
        tpu.enqueue_dma source(%dma_start3A_79 : memref<2000xf32, #tpu.memory_space<hbm>>) target(%arg9 : memref<2000xf32, #tpu.memory_space<vmem>>) target_semaphore(%arg17 : memref<!tpu.dma_semaphore, #tpu.memory_space<semaphore_mem>>)
      } else {
      }
      %mul3A_58 = arith.constant 2000 : i32
      %mul3A_59 = arith.muli %add3A_36, %mul3A_58 : i32
      %dma_wait3A_60 = tpu.memref_slice %arg2[%mul3A_59] : memref<320000xi32, #tpu.memory_space<hbm>> -> memref<2000xi32, #tpu.memory_space<hbm>>
      %dma_wait3A_61 = tpu.memref_slice %arg2[%mul3A_59] : memref<320000xi32, #tpu.memory_space<hbm>> -> memref<2000xi32, #tpu.memory_space<hbm>>
      tpu.wait_dma2 semaphore(%arg18 : memref<!tpu.dma_semaphore, #tpu.memory_space<semaphore_mem>>) src(%dma_wait3A_61 : memref<2000xi32, #tpu.memory_space<hbm>>) dst(%arg10 : memref<2000xi32, #tpu.memory_space<vmem>>)
      %dma_wait3A_62 = tpu.memref_slice %arg3[%mul3A_59] : memref<320000xi32, #tpu.memory_space<hbm>> -> memref<2000xi32, #tpu.memory_space<hbm>>
      %dma_wait3A_63 = tpu.memref_slice %arg3[%mul3A_59] : memref<320000xi32, #tpu.memory_space<hbm>> -> memref<2000xi32, #tpu.memory_space<hbm>>
      tpu.wait_dma2 semaphore(%arg19 : memref<!tpu.dma_semaphore, #tpu.memory_space<semaphore_mem>>) src(%dma_wait3A_63 : memref<2000xi32, #tpu.memory_space<hbm>>) dst(%arg11 : memref<2000xi32, #tpu.memory_space<vmem>>)
      %dma_wait3A_64 = tpu.memref_slice %arg4[%mul3A_59] : memref<320000xf32, #tpu.memory_space<hbm>> -> memref<2000xf32, #tpu.memory_space<hbm>>
      %dma_wait3A_65 = tpu.memref_slice %arg4[%mul3A_59] : memref<320000xf32, #tpu.memory_space<hbm>> -> memref<2000xf32, #tpu.memory_space<hbm>>
      tpu.wait_dma2 semaphore(%arg20 : memref<!tpu.dma_semaphore, #tpu.memory_space<semaphore_mem>>) src(%dma_wait3A_65 : memref<2000xf32, #tpu.memory_space<hbm>>) dst(%arg12 : memref<2000xf32, #tpu.memory_space<vmem>>)
      %parallel_loop3A_66 = arith.constant 0 : i32
      %parallel_loop3A_67 = arith.constant 125 : i32
      %parallel_loop3A_68 = arith.constant 1 : i32
      scf.for %parallel_loop3A_70 = %parallel_loop3A_66 to %parallel_loop3A_67 step %parallel_loop3A_68  : i32 {
        %parallel_loop3A_71 = arith.constant 16 : i32
        %parallel_loop3A_72 = arith.muli %parallel_loop3A_70, %parallel_loop3A_71 : i32
        %parallel_loop3A_73 = arith.index_cast %parallel_loop3A_72 : i32 to index
        %parallel_loop3A_74 = tpu.vector_load %arg10[%parallel_loop3A_73] {strides = array<i32>} : memref<2000xi32, #tpu.memory_space<vmem>>, vector<16xi32>,
        %parallel_loop3A_75 = arith.index_cast %parallel_loop3A_72 : i32 to index
        %parallel_loop3A_76 = tpu.vector_load %arg11[%parallel_loop3A_75] {strides = array<i32>} : memref<2000xi32, #tpu.memory_space<vmem>>, vector<16xi32>,
        %parallel_loop3A_77 = arith.index_cast %parallel_loop3A_72 : i32 to index
        %parallel_loop3A_78 = tpu.vector_load %arg12[%parallel_loop3A_77] {strides = array<i32>} : memref<2000xf32, #tpu.memory_space<vmem>>, vector<16xf32>,
        %parallel_loop3A_79 = arith.constant 0 : i32
        %parallel_loop3A_80 = vector.broadcast %parallel_loop3A_79 : i32 to vector<16xi32>
        %parallel_loop3A_81 = arith.addi %parallel_loop3A_74, %parallel_loop3A_80 : vector<16xi32>
        %parallel_loop3A_82 = tpu.vector_load_idx %arg13[%parallel_loop3A_81] : memref<40000xf32, #tpu.memory_space<vmem>>[vector<16xi32>], vector<16xf32>,
        %parallel_loop3A_83 = arith.constant 0 : i32
        %parallel_loop3A_84 = vector.broadcast %parallel_loop3A_83 : i32 to vector<16xi32>
        %parallel_loop3A_85 = arith.addi %parallel_loop3A_76, %parallel_loop3A_84 : vector<16xi32>
        %parallel_loop3A_86 = arith.mulf %parallel_loop3A_78, %parallel_loop3A_82 : vector<16xf32>
        tpu.vector_store_idx %arg14[%parallel_loop3A_85], %parallel_loop3A_86 {add = true} : memref<40960xf32, #tpu.memory_space<vmem>>[vector<16xi32>], vector<16xf32>,
        %parallel_loop3A_87 = arith.constant 10000 : i32
        %parallel_loop3A_88 = vector.broadcast %parallel_loop3A_87 : i32 to vector<16xi32>
        %parallel_loop3A_89 = arith.addi %parallel_loop3A_74, %parallel_loop3A_88 : vector<16xi32>
        %parallel_loop3A_90 = tpu.vector_load_idx %arg13[%parallel_loop3A_89] : memref<40000xf32, #tpu.memory_space<vmem>>[vector<16xi32>], vector<16xf32>,
        %parallel_loop3A_91 = arith.constant 10240 : i32
        %parallel_loop3A_92 = vector.broadcast %parallel_loop3A_91 : i32 to vector<16xi32>
        %parallel_loop3A_93 = arith.addi %parallel_loop3A_76, %parallel_loop3A_92 : vector<16xi32>
        %parallel_loop3A_94 = arith.mulf %parallel_loop3A_78, %parallel_loop3A_90 : vector<16xf32>
        tpu.vector_store_idx %arg14[%parallel_loop3A_93], %parallel_loop3A_94 {add = true} : memref<40960xf32, #tpu.memory_space<vmem>>[vector<16xi32>], vector<16xf32>,
        %parallel_loop3A_95 = arith.constant 20000 : i32
        %parallel_loop3A_96 = vector.broadcast %parallel_loop3A_95 : i32 to vector<16xi32>
        %parallel_loop3A_97 = arith.addi %parallel_loop3A_74, %parallel_loop3A_96 : vector<16xi32>
        %parallel_loop3A_98 = tpu.vector_load_idx %arg13[%parallel_loop3A_97] : memref<40000xf32, #tpu.memory_space<vmem>>[vector<16xi32>], vector<16xf32>,
        %parallel_loop3A_99 = arith.constant 20480 : i32
        %parallel_loop3A_100 = vector.broadcast %parallel_loop3A_99 : i32 to vector<16xi32>
        %parallel_loop3A_101 = arith.addi %parallel_loop3A_76, %parallel_loop3A_100 : vector<16xi32>
        %parallel_loop3A_102 = arith.mulf %parallel_loop3A_78, %parallel_loop3A_98 : vector<16xf32>
        tpu.vector_store_idx %arg14[%parallel_loop3A_101], %parallel_loop3A_102 {add = true} : memref<40960xf32, #tpu.memory_space<vmem>>[vector<16xi32>], vector<16xf32>,
        %parallel_loop3A_103 = arith.constant 30000 : i32
        %parallel_loop3A_104 = vector.broadcast %parallel_loop3A_103 : i32 to vector<16xi32>
        %parallel_loop3A_105 = arith.addi %parallel_loop3A_74, %parallel_loop3A_104 : vector<16xi32>
        %parallel_loop3A_106 = tpu.vector_load_idx %arg13[%parallel_loop3A_105] : memref<40000xf32, #tpu.memory_space<vmem>>[vector<16xi32>], vector<16xf32>,
        %parallel_loop3A_107 = arith.constant 30720 : i32
        %parallel_loop3A_108 = vector.broadcast %parallel_loop3A_107 : i32 to vector<16xi32>
        %parallel_loop3A_109 = arith.addi %parallel_loop3A_76, %parallel_loop3A_108 : vector<16xi32>
        %parallel_loop3A_110 = arith.mulf %parallel_loop3A_78, %parallel_loop3A_106 : vector<16xf32>
        tpu.vector_store_idx %arg14[%parallel_loop3A_109], %parallel_loop3A_110 {add = true} : memref<40960xf32, #tpu.memory_space<vmem>>[vector<16xi32>], vector<16xf32>,
      } {sc.loop_unroll_factor = 1 : i64, sc.parallel_access}
      %scan3A_69 = arith.constant 0 : i32
      scf.yield %scan3A_69 : i32
    }
    %scan3A_28 = arith.constant 80 : i32
    "tpu.region"() ({
      %run_scoped3A = tpu.sem_alloc : memref<!tpu.dma_semaphore, #tpu.memory_space<semaphore_mem>>
      %dma_start3A_29 = arith.constant 0 : i32
      %dma_start3A_30 = tpu.memref_slice %arg6[%add3A, %dma_start3A_29] : memref<32x40960xf32, #tpu.memory_space<hbm>> -> memref<1x40960xf32, #tpu.memory_space<hbm>>
      %dma_start3A_31 = tpu.memref_squeeze %dma_start3A_30 : memref<1x40960xf32, #tpu.memory_space<hbm>> -> memref<40960xf32, #tpu.memory_space<hbm>>
      %dma_start3A_32 = arith.constant 0 : i32
      %dma_start3A_33 = tpu.memref_slice %arg6[%add3A, %dma_start3A_32] : memref<32x40960xf32, #tpu.memory_space<hbm>> -> memref<1x40960xf32, #tpu.memory_space<hbm>>
      %dma_start3A_34 = tpu.memref_squeeze %dma_start3A_33 : memref<1x40960xf32, #tpu.memory_space<hbm>> -> memref<40960xf32, #tpu.memory_space<hbm>>
      tpu.enqueue_dma source(%arg14 : memref<40960xf32, #tpu.memory_space<vmem>>) target(%dma_start3A_34 : memref<40960xf32, #tpu.memory_space<hbm>>) target_semaphore(%run_scoped3A : memref<!tpu.dma_semaphore, #tpu.memory_space<semaphore_mem>>)
      %dma_wait3A = arith.constant 0 : i32
      %dma_wait3A_35 = tpu.memref_slice %arg6[%add3A, %dma_wait3A] : memref<32x40960xf32, #tpu.memory_space<hbm>> -> memref<1x40960xf32, #tpu.memory_space<hbm>>
      %dma_wait3A_36 = tpu.memref_squeeze %dma_wait3A_35 : memref<1x40960xf32, #tpu.memory_space<hbm>> -> memref<40960xf32, #tpu.memory_space<hbm>>
      %dma_wait3A_37 = arith.constant 0 : i32
      %dma_wait3A_38 = tpu.memref_slice %arg6[%add3A, %dma_wait3A_37] : memref<32x40960xf32, #tpu.memory_space<hbm>> -> memref<1x40960xf32, #tpu.memory_space<hbm>>
      %dma_wait3A_39 = tpu.memref_squeeze %dma_wait3A_38 : memref<1x40960xf32, #tpu.memory_space<hbm>> -> memref<40960xf32, #tpu.memory_space<hbm>>
      tpu.wait_dma2 semaphore(%run_scoped3A : memref<!tpu.dma_semaphore, #tpu.memory_space<semaphore_mem>>) src(%arg14 : memref<40960xf32, #tpu.memory_space<vmem>>) dst(%dma_wait3A_39 : memref<40960xf32, #tpu.memory_space<hbm>>)
      tpu.yield
    }) : () -> ()
    return
  }
}

#map = affine_map<(d0, d1) -> (0, 0)>
#map1 = affine_map<(d0, d1) -> (0)>
module attributes {stable_mosaic.version = 14 : i64} {
  func.func @_gat_body(%arg0: i32, %arg1: i32, %arg2: memref<10000x128xf32, #tpu.memory_space<hbm>>, %arg3: memref<10000x128xf32, #tpu.memory_space<hbm>>, %arg4: memref<320000xi32, #tpu.memory_space<hbm>>, %arg5: memref<320000xi32, #tpu.memory_space<hbm>>, %arg6: memref<320000x128xf32, #tpu.memory_space<hbm>>, %arg7: memref<80xi32, #tpu.memory_space<vmem>>, %arg8: memref<80xi32, #tpu.memory_space<vmem>>, %arg9: memref<80x128xf32, #tpu.memory_space<vmem>>, %arg10: memref<80x128xf32, #tpu.memory_space<vmem>>, %arg11: memref<80xi32, #tpu.memory_space<vmem>>, %arg12: memref<80xi32, #tpu.memory_space<vmem>>, %arg13: memref<80x128xf32, #tpu.memory_space<vmem>>, %arg14: memref<80x128xf32, #tpu.memory_space<vmem>>, %arg15: memref<!tpu.dma_semaphore, #tpu.memory_space<semaphore_mem>>, %arg16: memref<!tpu.dma_semaphore, #tpu.memory_space<semaphore_mem>>, %arg17: memref<!tpu.dma_semaphore, #tpu.memory_space<semaphore_mem>>, %arg18: memref<!tpu.dma_semaphore, #tpu.memory_space<semaphore_mem>>) attributes {dimension_semantics = [#tpu.dimension_semantics<core_parallel>, #tpu.dimension_semantics<subcore_parallel>], iteration_bounds = array<i64: 2, 16>, scalar_prefetch = 0 : i64, scratch_operands = 12 : i64, tpu.core_type = #tpu.core_type<sc_vector_subcore>, window_params = [{transform_indices = #map}, {transform_indices = #map}, {transform_indices = #map1}, {transform_indices = #map1}, {transform_indices = #map}]} {
    %mul3A = arith.constant 16 : i32
    %mul3A_0 = arith.muli %arg0, %mul3A : i32
    %add3A = arith.addi %mul3A_0, %arg1 : i32
    %mul3A_1 = arith.constant 10000 : i32
    %mul3A_2 = arith.muli %add3A, %mul3A_1 : i32
    %add3A_3 = arith.constant 0 : i32
    %add3A_4 = arith.addi %mul3A_2, %add3A_3 : i32
    "tpu.region"() ({
      %run_scoped3A = tpu.sem_alloc : memref<!tpu.dma_semaphore, #tpu.memory_space<semaphore_mem>>
      %dma_start3A_25 = tpu.memref_slice %arg4[%add3A_4] : memref<320000xi32, #tpu.memory_space<hbm>> -> memref<80xi32, #tpu.memory_space<hbm>>
      %dma_start3A_26 = tpu.memref_slice %arg4[%add3A_4] : memref<320000xi32, #tpu.memory_space<hbm>> -> memref<80xi32, #tpu.memory_space<hbm>>
      tpu.enqueue_dma source(%dma_start3A_26 : memref<80xi32, #tpu.memory_space<hbm>>) target(%arg7 : memref<80xi32, #tpu.memory_space<vmem>>) target_semaphore(%run_scoped3A : memref<!tpu.dma_semaphore, #tpu.memory_space<semaphore_mem>>)
      %dma_wait3A_27 = tpu.memref_slice %arg4[%add3A_4] : memref<320000xi32, #tpu.memory_space<hbm>> -> memref<80xi32, #tpu.memory_space<hbm>>
      %dma_wait3A_28 = tpu.memref_slice %arg4[%add3A_4] : memref<320000xi32, #tpu.memory_space<hbm>> -> memref<80xi32, #tpu.memory_space<hbm>>
      tpu.wait_dma2 semaphore(%run_scoped3A : memref<!tpu.dma_semaphore, #tpu.memory_space<semaphore_mem>>) src(%dma_wait3A_28 : memref<80xi32, #tpu.memory_space<hbm>>) dst(%arg7 : memref<80xi32, #tpu.memory_space<vmem>>)
      tpu.yield
    }) : () -> ()
    "tpu.region"() ({
      %run_scoped3A = tpu.sem_alloc : memref<!tpu.dma_semaphore, #tpu.memory_space<semaphore_mem>>
      %dma_start3A_25 = tpu.memref_slice %arg5[%add3A_4] : memref<320000xi32, #tpu.memory_space<hbm>> -> memref<80xi32, #tpu.memory_space<hbm>>
      %dma_start3A_26 = tpu.memref_slice %arg5[%add3A_4] : memref<320000xi32, #tpu.memory_space<hbm>> -> memref<80xi32, #tpu.memory_space<hbm>>
      tpu.enqueue_dma source(%dma_start3A_26 : memref<80xi32, #tpu.memory_space<hbm>>) target(%arg8 : memref<80xi32, #tpu.memory_space<vmem>>) target_semaphore(%run_scoped3A : memref<!tpu.dma_semaphore, #tpu.memory_space<semaphore_mem>>)
      %dma_wait3A_27 = tpu.memref_slice %arg5[%add3A_4] : memref<320000xi32, #tpu.memory_space<hbm>> -> memref<80xi32, #tpu.memory_space<hbm>>
      %dma_wait3A_28 = tpu.memref_slice %arg5[%add3A_4] : memref<320000xi32, #tpu.memory_space<hbm>> -> memref<80xi32, #tpu.memory_space<hbm>>
      tpu.wait_dma2 semaphore(%run_scoped3A : memref<!tpu.dma_semaphore, #tpu.memory_space<semaphore_mem>>) src(%dma_wait3A_28 : memref<80xi32, #tpu.memory_space<hbm>>) dst(%arg8 : memref<80xi32, #tpu.memory_space<vmem>>)
      tpu.yield
    }) : () -> ()
    %dma_start3A = arith.constant 0 : i32
    %dma_start3A_5 = arith.constant 0 : i32
    %dma_start3A_6 = tpu.memref_slice %arg2[%dma_start3A, %dma_start3A_5] : memref<10000x128xf32, #tpu.memory_space<hbm>> -> memref<10000x128xf32, #tpu.memory_space<hbm>>
    tpu.enqueue_indirect_dma source(%dma_start3A_6 : memref<10000x128xf32, #tpu.memory_space<hbm>>) target(%arg9 : memref<80x128xf32, #tpu.memory_space<vmem>>) offsets(%arg7 : memref<80xi32, #tpu.memory_space<vmem>>) semaphore(%arg15 : memref<!tpu.dma_semaphore, #tpu.memory_space<semaphore_mem>>)
    %dma_start3A_7 = arith.constant 0 : i32
    %dma_start3A_8 = arith.constant 0 : i32
    %dma_start3A_9 = tpu.memref_slice %arg3[%dma_start3A_7, %dma_start3A_8] : memref<10000x128xf32, #tpu.memory_space<hbm>> -> memref<10000x128xf32, #tpu.memory_space<hbm>>
    tpu.enqueue_indirect_dma source(%dma_start3A_9 : memref<10000x128xf32, #tpu.memory_space<hbm>>) target(%arg10 : memref<80x128xf32, #tpu.memory_space<vmem>>) offsets(%arg8 : memref<80xi32, #tpu.memory_space<vmem>>) semaphore(%arg16 : memref<!tpu.dma_semaphore, #tpu.memory_space<semaphore_mem>>)
    %scan3A = arith.constant 0 : i32
    %scan3A_10 = arith.constant 0 : i32
    %scan3A_11 = arith.constant 62 : i32
    %scan3A_12 = arith.addi %scan3A_10, %scan3A_11 : i32
    %scan3A_13 = arith.constant 1 : i32
    %scan3A_14 = scf.for %scan3A_25 = %scan3A_10 to %scan3A_12 step %scan3A_13 iter_args(%scan3A_26 = %scan3A) -> (i32)  : i32 {
      %mul3A_27 = arith.constant 2 : i32
      %mul3A_28 = arith.muli %mul3A_27, %scan3A_25 : i32
      %mul3A_29 = arith.constant 2 : i32
      %mul3A_30 = arith.muli %mul3A_29, %scan3A_25 : i32
      %add3A_31 = arith.constant 1 : i32
      %add3A_32 = arith.addi %mul3A_30, %add3A_31 : i32
      %mul3A_33 = arith.constant 80 : i32
      %mul3A_34 = arith.muli %add3A_32, %mul3A_33 : i32
      %add3A_35 = arith.addi %mul3A_2, %mul3A_34 : i32
      "tpu.region"() ({
        %run_scoped3A = tpu.sem_alloc : memref<!tpu.dma_semaphore, #tpu.memory_space<semaphore_mem>>
        %dma_start3A_71 = tpu.memref_slice %arg4[%add3A_35] : memref<320000xi32, #tpu.memory_space<hbm>> -> memref<80xi32, #tpu.memory_space<hbm>>
        %dma_start3A_72 = tpu.memref_slice %arg4[%add3A_35] : memref<320000xi32, #tpu.memory_space<hbm>> -> memref<80xi32, #tpu.memory_space<hbm>>
        tpu.enqueue_dma source(%dma_start3A_72 : memref<80xi32, #tpu.memory_space<hbm>>) target(%arg11 : memref<80xi32, #tpu.memory_space<vmem>>) target_semaphore(%run_scoped3A : memref<!tpu.dma_semaphore, #tpu.memory_space<semaphore_mem>>)
        %dma_wait3A_73 = tpu.memref_slice %arg4[%add3A_35] : memref<320000xi32, #tpu.memory_space<hbm>> -> memref<80xi32, #tpu.memory_space<hbm>>
        %dma_wait3A_74 = tpu.memref_slice %arg4[%add3A_35] : memref<320000xi32, #tpu.memory_space<hbm>> -> memref<80xi32, #tpu.memory_space<hbm>>
        tpu.wait_dma2 semaphore(%run_scoped3A : memref<!tpu.dma_semaphore, #tpu.memory_space<semaphore_mem>>) src(%dma_wait3A_74 : memref<80xi32, #tpu.memory_space<hbm>>) dst(%arg11 : memref<80xi32, #tpu.memory_space<vmem>>)
        tpu.yield
      }) : () -> ()
      "tpu.region"() ({
        %run_scoped3A = tpu.sem_alloc : memref<!tpu.dma_semaphore, #tpu.memory_space<semaphore_mem>>
        %dma_start3A_71 = tpu.memref_slice %arg5[%add3A_35] : memref<320000xi32, #tpu.memory_space<hbm>> -> memref<80xi32, #tpu.memory_space<hbm>>
        %dma_start3A_72 = tpu.memref_slice %arg5[%add3A_35] : memref<320000xi32, #tpu.memory_space<hbm>> -> memref<80xi32, #tpu.memory_space<hbm>>
        tpu.enqueue_dma source(%dma_start3A_72 : memref<80xi32, #tpu.memory_space<hbm>>) target(%arg12 : memref<80xi32, #tpu.memory_space<vmem>>) target_semaphore(%run_scoped3A : memref<!tpu.dma_semaphore, #tpu.memory_space<semaphore_mem>>)
        %dma_wait3A_73 = tpu.memref_slice %arg5[%add3A_35] : memref<320000xi32, #tpu.memory_space<hbm>> -> memref<80xi32, #tpu.memory_space<hbm>>
        %dma_wait3A_74 = tpu.memref_slice %arg5[%add3A_35] : memref<320000xi32, #tpu.memory_space<hbm>> -> memref<80xi32, #tpu.memory_space<hbm>>
        tpu.wait_dma2 semaphore(%run_scoped3A : memref<!tpu.dma_semaphore, #tpu.memory_space<semaphore_mem>>) src(%dma_wait3A_74 : memref<80xi32, #tpu.memory_space<hbm>>) dst(%arg12 : memref<80xi32, #tpu.memory_space<vmem>>)
        tpu.yield
      }) : () -> ()
      %dma_start3A_36 = arith.constant 0 : i32
      %dma_start3A_37 = arith.constant 0 : i32
      %dma_start3A_38 = tpu.memref_slice %arg2[%dma_start3A_36, %dma_start3A_37] : memref<10000x128xf32, #tpu.memory_space<hbm>> -> memref<10000x128xf32, #tpu.memory_space<hbm>>
      tpu.enqueue_indirect_dma source(%dma_start3A_38 : memref<10000x128xf32, #tpu.memory_space<hbm>>) target(%arg13 : memref<80x128xf32, #tpu.memory_space<vmem>>) offsets(%arg11 : memref<80xi32, #tpu.memory_space<vmem>>) semaphore(%arg17 : memref<!tpu.dma_semaphore, #tpu.memory_space<semaphore_mem>>)
      %dma_start3A_39 = arith.constant 0 : i32
      %dma_start3A_40 = arith.constant 0 : i32
      %dma_start3A_41 = tpu.memref_slice %arg3[%dma_start3A_39, %dma_start3A_40] : memref<10000x128xf32, #tpu.memory_space<hbm>> -> memref<10000x128xf32, #tpu.memory_space<hbm>>
      tpu.enqueue_indirect_dma source(%dma_start3A_41 : memref<10000x128xf32, #tpu.memory_space<hbm>>) target(%arg14 : memref<80x128xf32, #tpu.memory_space<vmem>>) offsets(%arg12 : memref<80xi32, #tpu.memory_space<vmem>>) semaphore(%arg18 : memref<!tpu.dma_semaphore, #tpu.memory_space<semaphore_mem>>)
      %dma_wait3A_42 = arith.constant 0 : i32
      %dma_wait3A_43 = arith.constant 0 : i32
      %dma_wait3A_44 = tpu.memref_slice %arg2[%dma_wait3A_42, %dma_wait3A_43] : memref<10000x128xf32, #tpu.memory_space<hbm>> -> memref<10000x128xf32, #tpu.memory_space<hbm>>
      tpu.wait_indirect_dma semaphore(%arg15 : memref<!tpu.dma_semaphore, #tpu.memory_space<semaphore_mem>>) src(%dma_wait3A_44 : memref<10000x128xf32, #tpu.memory_space<hbm>>) dst(%arg9 : memref<80x128xf32, #tpu.memory_space<vmem>>)
      %dma_wait3A_45 = arith.constant 0 : i32
      %dma_wait3A_46 = arith.constant 0 : i32
      %dma_wait3A_47 = tpu.memref_slice %arg3[%dma_wait3A_45, %dma_wait3A_46] : memref<10000x128xf32, #tpu.memory_space<hbm>> -> memref<10000x128xf32, #tpu.memory_space<hbm>>
      tpu.wait_indirect_dma semaphore(%arg16 : memref<!tpu.dma_semaphore, #tpu.memory_space<semaphore_mem>>) src(%dma_wait3A_47 : memref<10000x128xf32, #tpu.memory_space<hbm>>) dst(%arg10 : memref<80x128xf32, #tpu.memory_space<vmem>>)
      %parallel_loop3A_48 = arith.constant 0 : i32
      %parallel_loop3A_49 = arith.constant 80 : i32
      %parallel_loop3A_50 = arith.constant 1 : i32
      scf.for %parallel_loop3A_71 = %parallel_loop3A_48 to %parallel_loop3A_49 step %parallel_loop3A_50  : i32 {
        %parallel_loop3A_72 = arith.index_cast %parallel_loop3A_71 : i32 to index
        %parallel_loop3A_73 = arith.constant 0 : index
        %parallel_loop3A_74 = tpu.vector_load %arg9[%parallel_loop3A_72, %parallel_loop3A_73] {strides = array<i32>} : memref<80x128xf32, #tpu.memory_space<vmem>>, vector<16xf32>,
        %parallel_loop3A_75 = arith.index_cast %parallel_loop3A_71 : i32 to index
        %parallel_loop3A_76 = arith.constant 0 : index
        %parallel_loop3A_77 = tpu.vector_load %arg10[%parallel_loop3A_75, %parallel_loop3A_76] {strides = array<i32>} : memref<80x128xf32, #tpu.memory_space<vmem>>, vector<16xf32>,
        %parallel_loop3A_78 = arith.addf %parallel_loop3A_74, %parallel_loop3A_77 : vector<16xf32>
        %parallel_loop3A_79 = arith.index_cast %parallel_loop3A_71 : i32 to index
        %parallel_loop3A_80 = arith.constant 0 : index
        %parallel_loop3A_81 = tpu.vector_load %arg9[%parallel_loop3A_79, %parallel_loop3A_80] {strides = array<i32>} : memref<80x128xf32, #tpu.memory_space<vmem>>, vector<16xf32>,
        tpu.vector_store %arg9[%parallel_loop3A_79, %parallel_loop3A_80], %parallel_loop3A_78 {strides = array<i32>} : memref<80x128xf32, #tpu.memory_space<vmem>>, vector<16xf32>,
        %parallel_loop3A_82 = arith.index_cast %parallel_loop3A_71 : i32 to index
        %parallel_loop3A_83 = arith.constant 16 : index
        %parallel_loop3A_84 = tpu.vector_load %arg9[%parallel_loop3A_82, %parallel_loop3A_83] {strides = array<i32>} : memref<80x128xf32, #tpu.memory_space<vmem>>, vector<16xf32>,
        %parallel_loop3A_85 = arith.index_cast %parallel_loop3A_71 : i32 to index
        %parallel_loop3A_86 = arith.constant 16 : index
        %parallel_loop3A_87 = tpu.vector_load %arg10[%parallel_loop3A_85, %parallel_loop3A_86] {strides = array<i32>} : memref<80x128xf32, #tpu.memory_space<vmem>>, vector<16xf32>,
        %parallel_loop3A_88 = arith.addf %parallel_loop3A_84, %parallel_loop3A_87 : vector<16xf32>
        %parallel_loop3A_89 = arith.index_cast %parallel_loop3A_71 : i32 to index
        %parallel_loop3A_90 = arith.constant 16 : index
        %parallel_loop3A_91 = tpu.vector_load %arg9[%parallel_loop3A_89, %parallel_loop3A_90] {strides = array<i32>} : memref<80x128xf32, #tpu.memory_space<vmem>>, vector<16xf32>,
        tpu.vector_store %arg9[%parallel_loop3A_89, %parallel_loop3A_90], %parallel_loop3A_88 {strides = array<i32>} : memref<80x128xf32, #tpu.memory_space<vmem>>, vector<16xf32>,
        %parallel_loop3A_92 = arith.index_cast %parallel_loop3A_71 : i32 to index
        %parallel_loop3A_93 = arith.constant 32 : index
        %parallel_loop3A_94 = tpu.vector_load %arg9[%parallel_loop3A_92, %parallel_loop3A_93] {strides = array<i32>} : memref<80x128xf32, #tpu.memory_space<vmem>>, vector<16xf32>,
        %parallel_loop3A_95 = arith.index_cast %parallel_loop3A_71 : i32 to index
        %parallel_loop3A_96 = arith.constant 32 : index
        %parallel_loop3A_97 = tpu.vector_load %arg10[%parallel_loop3A_95, %parallel_loop3A_96] {strides = array<i32>} : memref<80x128xf32, #tpu.memory_space<vmem>>, vector<16xf32>,
        %parallel_loop3A_98 = arith.addf %parallel_loop3A_94, %parallel_loop3A_97 : vector<16xf32>
        %parallel_loop3A_99 = arith.index_cast %parallel_loop3A_71 : i32 to index
        %parallel_loop3A_100 = arith.constant 32 : index
        %parallel_loop3A_101 = tpu.vector_load %arg9[%parallel_loop3A_99, %parallel_loop3A_100] {strides = array<i32>} : memref<80x128xf32, #tpu.memory_space<vmem>>, vector<16xf32>,
        tpu.vector_store %arg9[%parallel_loop3A_99, %parallel_loop3A_100], %parallel_loop3A_98 {strides = array<i32>} : memref<80x128xf32, #tpu.memory_space<vmem>>, vector<16xf32>,
        %parallel_loop3A_102 = arith.index_cast %parallel_loop3A_71 : i32 to index
        %parallel_loop3A_103 = arith.constant 48 : index
        %parallel_loop3A_104 = tpu.vector_load %arg9[%parallel_loop3A_102, %parallel_loop3A_103] {strides = array<i32>} : memref<80x128xf32, #tpu.memory_space<vmem>>, vector<16xf32>,
        %parallel_loop3A_105 = arith.index_cast %parallel_loop3A_71 : i32 to index
        %parallel_loop3A_106 = arith.constant 48 : index
        %parallel_loop3A_107 = tpu.vector_load %arg10[%parallel_loop3A_105, %parallel_loop3A_106] {strides = array<i32>} : memref<80x128xf32, #tpu.memory_space<vmem>>, vector<16xf32>,
        %parallel_loop3A_108 = arith.addf %parallel_loop3A_104, %parallel_loop3A_107 : vector<16xf32>
        %parallel_loop3A_109 = arith.index_cast %parallel_loop3A_71 : i32 to index
        %parallel_loop3A_110 = arith.constant 48 : index
        %parallel_loop3A_111 = tpu.vector_load %arg9[%parallel_loop3A_109, %parallel_loop3A_110] {strides = array<i32>} : memref<80x128xf32, #tpu.memory_space<vmem>>, vector<16xf32>,
        tpu.vector_store %arg9[%parallel_loop3A_109, %parallel_loop3A_110], %parallel_loop3A_108 {strides = array<i32>} : memref<80x128xf32, #tpu.memory_space<vmem>>, vector<16xf32>,
        %parallel_loop3A_112 = arith.index_cast %parallel_loop3A_71 : i32 to index
        %parallel_loop3A_113 = arith.constant 64 : index
        %parallel_loop3A_114 = tpu.vector_load %arg9[%parallel_loop3A_112, %parallel_loop3A_113] {strides = array<i32>} : memref<80x128xf32, #tpu.memory_space<vmem>>, vector<16xf32>,
        %parallel_loop3A_115 = arith.index_cast %parallel_loop3A_71 : i32 to index
        %parallel_loop3A_116 = arith.constant 64 : index
        %parallel_loop3A_117 = tpu.vector_load %arg10[%parallel_loop3A_115, %parallel_loop3A_116] {strides = array<i32>} : memref<80x128xf32, #tpu.memory_space<vmem>>, vector<16xf32>,
        %parallel_loop3A_118 = arith.addf %parallel_loop3A_114, %parallel_loop3A_117 : vector<16xf32>
        %parallel_loop3A_119 = arith.index_cast %parallel_loop3A_71 : i32 to index
        %parallel_loop3A_120 = arith.constant 64 : index
        %parallel_loop3A_121 = tpu.vector_load %arg9[%parallel_loop3A_119, %parallel_loop3A_120] {strides = array<i32>} : memref<80x128xf32, #tpu.memory_space<vmem>>, vector<16xf32>,
        tpu.vector_store %arg9[%parallel_loop3A_119, %parallel_loop3A_120], %parallel_loop3A_118 {strides = array<i32>} : memref<80x128xf32, #tpu.memory_space<vmem>>, vector<16xf32>,
        %parallel_loop3A_122 = arith.index_cast %parallel_loop3A_71 : i32 to index
        %parallel_loop3A_123 = arith.constant 80 : index
        %parallel_loop3A_124 = tpu.vector_load %arg9[%parallel_loop3A_122, %parallel_loop3A_123] {strides = array<i32>} : memref<80x128xf32, #tpu.memory_space<vmem>>, vector<16xf32>,
        %parallel_loop3A_125 = arith.index_cast %parallel_loop3A_71 : i32 to index
        %parallel_loop3A_126 = arith.constant 80 : index
        %parallel_loop3A_127 = tpu.vector_load %arg10[%parallel_loop3A_125, %parallel_loop3A_126] {strides = array<i32>} : memref<80x128xf32, #tpu.memory_space<vmem>>, vector<16xf32>,
        %parallel_loop3A_128 = arith.addf %parallel_loop3A_124, %parallel_loop3A_127 : vector<16xf32>
        %parallel_loop3A_129 = arith.index_cast %parallel_loop3A_71 : i32 to index
        %parallel_loop3A_130 = arith.constant 80 : index
        %parallel_loop3A_131 = tpu.vector_load %arg9[%parallel_loop3A_129, %parallel_loop3A_130] {strides = array<i32>} : memref<80x128xf32, #tpu.memory_space<vmem>>, vector<16xf32>,
        tpu.vector_store %arg9[%parallel_loop3A_129, %parallel_loop3A_130], %parallel_loop3A_128 {strides = array<i32>} : memref<80x128xf32, #tpu.memory_space<vmem>>, vector<16xf32>,
        %parallel_loop3A_132 = arith.index_cast %parallel_loop3A_71 : i32 to index
        %parallel_loop3A_133 = arith.constant 96 : index
        %parallel_loop3A_134 = tpu.vector_load %arg9[%parallel_loop3A_132, %parallel_loop3A_133] {strides = array<i32>} : memref<80x128xf32, #tpu.memory_space<vmem>>, vector<16xf32>,
        %parallel_loop3A_135 = arith.index_cast %parallel_loop3A_71 : i32 to index
        %parallel_loop3A_136 = arith.constant 96 : index
        %parallel_loop3A_137 = tpu.vector_load %arg10[%parallel_loop3A_135, %parallel_loop3A_136] {strides = array<i32>} : memref<80x128xf32, #tpu.memory_space<vmem>>, vector<16xf32>,
        %parallel_loop3A_138 = arith.addf %parallel_loop3A_134, %parallel_loop3A_137 : vector<16xf32>
        %parallel_loop3A_139 = arith.index_cast %parallel_loop3A_71 : i32 to index
        %parallel_loop3A_140 = arith.constant 96 : index
        %parallel_loop3A_141 = tpu.vector_load %arg9[%parallel_loop3A_139, %parallel_loop3A_140] {strides = array<i32>} : memref<80x128xf32, #tpu.memory_space<vmem>>, vector<16xf32>,
        tpu.vector_store %arg9[%parallel_loop3A_139, %parallel_loop3A_140], %parallel_loop3A_138 {strides = array<i32>} : memref<80x128xf32, #tpu.memory_space<vmem>>, vector<16xf32>,
        %parallel_loop3A_142 = arith.index_cast %parallel_loop3A_71 : i32 to index
        %parallel_loop3A_143 = arith.constant 112 : index
        %parallel_loop3A_144 = tpu.vector_load %arg9[%parallel_loop3A_142, %parallel_loop3A_143] {strides = array<i32>} : memref<80x128xf32, #tpu.memory_space<vmem>>, vector<16xf32>,
        %parallel_loop3A_145 = arith.index_cast %parallel_loop3A_71 : i32 to index
        %parallel_loop3A_146 = arith.constant 112 : index
        %parallel_loop3A_147 = tpu.vector_load %arg10[%parallel_loop3A_145, %parallel_loop3A_146] {strides = array<i32>} : memref<80x128xf32, #tpu.memory_space<vmem>>, vector<16xf32>,
        %parallel_loop3A_148 = arith.addf %parallel_loop3A_144, %parallel_loop3A_147 : vector<16xf32>
        %parallel_loop3A_149 = arith.index_cast %parallel_loop3A_71 : i32 to index
        %parallel_loop3A_150 = arith.constant 112 : index
        %parallel_loop3A_151 = tpu.vector_load %arg9[%parallel_loop3A_149, %parallel_loop3A_150] {strides = array<i32>} : memref<80x128xf32, #tpu.memory_space<vmem>>, vector<16xf32>,
        tpu.vector_store %arg9[%parallel_loop3A_149, %parallel_loop3A_150], %parallel_loop3A_148 {strides = array<i32>} : memref<80x128xf32, #tpu.memory_space<vmem>>, vector<16xf32>,
      } {sc.loop_unroll_factor = 1 : i64, sc.parallel_access}
      %mul3A_51 = arith.constant 80 : i32
      %mul3A_52 = arith.muli %mul3A_28, %mul3A_51 : i32
      %add3A_53 = arith.addi %mul3A_2, %mul3A_52 : i32
      "tpu.region"() ({
        %run_scoped3A = tpu.sem_alloc : memref<!tpu.dma_semaphore, #tpu.memory_space<semaphore_mem>>
        %dma_start3A_71 = arith.constant 0 : i32
        %dma_start3A_72 = tpu.memref_slice %arg6[%add3A_53, %dma_start3A_71] : memref<320000x128xf32, #tpu.memory_space<hbm>> -> memref<80x128xf32, #tpu.memory_space<hbm>>
        %dma_start3A_73 = arith.constant 0 : i32
        %dma_start3A_74 = tpu.memref_slice %arg6[%add3A_53, %dma_start3A_73] : memref<320000x128xf32, #tpu.memory_space<hbm>> -> memref<80x128xf32, #tpu.memory_space<hbm>>
        tpu.enqueue_dma source(%arg9 : memref<80x128xf32, #tpu.memory_space<vmem>>) target(%dma_start3A_74 : memref<80x128xf32, #tpu.memory_space<hbm>>) target_semaphore(%run_scoped3A : memref<!tpu.dma_semaphore, #tpu.memory_space<semaphore_mem>>)
        %dma_wait3A_75 = arith.constant 0 : i32
        %dma_wait3A_76 = tpu.memref_slice %arg6[%add3A_53, %dma_wait3A_75] : memref<320000x128xf32, #tpu.memory_space<hbm>> -> memref<80x128xf32, #tpu.memory_space<hbm>>
        %dma_wait3A_77 = arith.constant 0 : i32
        %dma_wait3A_78 = tpu.memref_slice %arg6[%add3A_53, %dma_wait3A_77] : memref<320000x128xf32, #tpu.memory_space<hbm>> -> memref<80x128xf32, #tpu.memory_space<hbm>>
        tpu.wait_dma2 semaphore(%run_scoped3A : memref<!tpu.dma_semaphore, #tpu.memory_space<semaphore_mem>>) src(%arg9 : memref<80x128xf32, #tpu.memory_space<vmem>>) dst(%dma_wait3A_78 : memref<80x128xf32, #tpu.memory_space<hbm>>)
        tpu.yield
      }) : () -> ()
      %add3A_54 = arith.constant 1 : i32
      %add3A_55 = arith.addi %add3A_32, %add3A_54 : i32
      %lt3A = arith.constant 125 : i32
      %lt3A_56 = arith.cmpi slt, %add3A_55, %lt3A : i32
      %convert_element_type3A = arith.extui %lt3A_56 : i1 to i32
      %cond3A = arith.constant 0 : i32
      %cond3A_57 = arith.cmpi ne, %convert_element_type3A, %cond3A : i32
      scf.if %cond3A_57 {
        %add3A_71 = arith.constant 1 : i32
        %add3A_72 = arith.addi %add3A_32, %add3A_71 : i32
        %mul3A_73 = arith.constant 80 : i32
        %mul3A_74 = arith.muli %add3A_72, %mul3A_73 : i32
        %add3A_75 = arith.addi %mul3A_2, %mul3A_74 : i32
        "tpu.region"() ({
          %run_scoped3A = tpu.sem_alloc : memref<!tpu.dma_semaphore, #tpu.memory_space<semaphore_mem>>
          %dma_start3A_82 = tpu.memref_slice %arg4[%add3A_75] : memref<320000xi32, #tpu.memory_space<hbm>> -> memref<80xi32, #tpu.memory_space<hbm>>
          %dma_start3A_83 = tpu.memref_slice %arg4[%add3A_75] : memref<320000xi32, #tpu.memory_space<hbm>> -> memref<80xi32, #tpu.memory_space<hbm>>
          tpu.enqueue_dma source(%dma_start3A_83 : memref<80xi32, #tpu.memory_space<hbm>>) target(%arg7 : memref<80xi32, #tpu.memory_space<vmem>>) target_semaphore(%run_scoped3A : memref<!tpu.dma_semaphore, #tpu.memory_space<semaphore_mem>>)
          %dma_wait3A_84 = tpu.memref_slice %arg4[%add3A_75] : memref<320000xi32, #tpu.memory_space<hbm>> -> memref<80xi32, #tpu.memory_space<hbm>>
          %dma_wait3A_85 = tpu.memref_slice %arg4[%add3A_75] : memref<320000xi32, #tpu.memory_space<hbm>> -> memref<80xi32, #tpu.memory_space<hbm>>
          tpu.wait_dma2 semaphore(%run_scoped3A : memref<!tpu.dma_semaphore, #tpu.memory_space<semaphore_mem>>) src(%dma_wait3A_85 : memref<80xi32, #tpu.memory_space<hbm>>) dst(%arg7 : memref<80xi32, #tpu.memory_space<vmem>>)
          tpu.yield
        }) : () -> ()
        "tpu.region"() ({
          %run_scoped3A = tpu.sem_alloc : memref<!tpu.dma_semaphore, #tpu.memory_space<semaphore_mem>>
          %dma_start3A_82 = tpu.memref_slice %arg5[%add3A_75] : memref<320000xi32, #tpu.memory_space<hbm>> -> memref<80xi32, #tpu.memory_space<hbm>>
          %dma_start3A_83 = tpu.memref_slice %arg5[%add3A_75] : memref<320000xi32, #tpu.memory_space<hbm>> -> memref<80xi32, #tpu.memory_space<hbm>>
          tpu.enqueue_dma source(%dma_start3A_83 : memref<80xi32, #tpu.memory_space<hbm>>) target(%arg8 : memref<80xi32, #tpu.memory_space<vmem>>) target_semaphore(%run_scoped3A : memref<!tpu.dma_semaphore, #tpu.memory_space<semaphore_mem>>)
          %dma_wait3A_84 = tpu.memref_slice %arg5[%add3A_75] : memref<320000xi32, #tpu.memory_space<hbm>> -> memref<80xi32, #tpu.memory_space<hbm>>
          %dma_wait3A_85 = tpu.memref_slice %arg5[%add3A_75] : memref<320000xi32, #tpu.memory_space<hbm>> -> memref<80xi32, #tpu.memory_space<hbm>>
          tpu.wait_dma2 semaphore(%run_scoped3A : memref<!tpu.dma_semaphore, #tpu.memory_space<semaphore_mem>>) src(%dma_wait3A_85 : memref<80xi32, #tpu.memory_space<hbm>>) dst(%arg8 : memref<80xi32, #tpu.memory_space<vmem>>)
          tpu.yield
        }) : () -> ()
        %dma_start3A_76 = arith.constant 0 : i32
        %dma_start3A_77 = arith.constant 0 : i32
        %dma_start3A_78 = tpu.memref_slice %arg2[%dma_start3A_76, %dma_start3A_77] : memref<10000x128xf32, #tpu.memory_space<hbm>> -> memref<10000x128xf32, #tpu.memory_space<hbm>>
        tpu.enqueue_indirect_dma source(%dma_start3A_78 : memref<10000x128xf32, #tpu.memory_space<hbm>>) target(%arg9 : memref<80x128xf32, #tpu.memory_space<vmem>>) offsets(%arg7 : memref<80xi32, #tpu.memory_space<vmem>>) semaphore(%arg15 : memref<!tpu.dma_semaphore, #tpu.memory_space<semaphore_mem>>)
        %dma_start3A_79 = arith.constant 0 : i32
        %dma_start3A_80 = arith.constant 0 : i32
        %dma_start3A_81 = tpu.memref_slice %arg3[%dma_start3A_79, %dma_start3A_80] : memref<10000x128xf32, #tpu.memory_space<hbm>> -> memref<10000x128xf32, #tpu.memory_space<hbm>>
        tpu.enqueue_indirect_dma source(%dma_start3A_81 : memref<10000x128xf32, #tpu.memory_space<hbm>>) target(%arg10 : memref<80x128xf32, #tpu.memory_space<vmem>>) offsets(%arg8 : memref<80xi32, #tpu.memory_space<vmem>>) semaphore(%arg16 : memref<!tpu.dma_semaphore, #tpu.memory_space<semaphore_mem>>)
      } else {
      }
      %dma_wait3A_58 = arith.constant 0 : i32
      %dma_wait3A_59 = arith.constant 0 : i32
      %dma_wait3A_60 = tpu.memref_slice %arg2[%dma_wait3A_58, %dma_wait3A_59] : memref<10000x128xf32, #tpu.memory_space<hbm>> -> memref<10000x128xf32, #tpu.memory_space<hbm>>
      tpu.wait_indirect_dma semaphore(%arg17 : memref<!tpu.dma_semaphore, #tpu.memory_space<semaphore_mem>>) src(%dma_wait3A_60 : memref<10000x128xf32, #tpu.memory_space<hbm>>) dst(%arg13 : memref<80x128xf32, #tpu.memory_space<vmem>>)
      %dma_wait3A_61 = arith.constant 0 : i32
      %dma_wait3A_62 = arith.constant 0 : i32
      %dma_wait3A_63 = tpu.memref_slice %arg3[%dma_wait3A_61, %dma_wait3A_62] : memref<10000x128xf32, #tpu.memory_space<hbm>> -> memref<10000x128xf32, #tpu.memory_space<hbm>>
      tpu.wait_indirect_dma semaphore(%arg18 : memref<!tpu.dma_semaphore, #tpu.memory_space<semaphore_mem>>) src(%dma_wait3A_63 : memref<10000x128xf32, #tpu.memory_space<hbm>>) dst(%arg14 : memref<80x128xf32, #tpu.memory_space<vmem>>)
      %parallel_loop3A_64 = arith.constant 0 : i32
      %parallel_loop3A_65 = arith.constant 80 : i32
      %parallel_loop3A_66 = arith.constant 1 : i32
      scf.for %parallel_loop3A_71 = %parallel_loop3A_64 to %parallel_loop3A_65 step %parallel_loop3A_66  : i32 {
        %parallel_loop3A_72 = arith.index_cast %parallel_loop3A_71 : i32 to index
        %parallel_loop3A_73 = arith.constant 0 : index
        %parallel_loop3A_74 = tpu.vector_load %arg13[%parallel_loop3A_72, %parallel_loop3A_73] {strides = array<i32>} : memref<80x128xf32, #tpu.memory_space<vmem>>, vector<16xf32>,
        %parallel_loop3A_75 = arith.index_cast %parallel_loop3A_71 : i32 to index
        %parallel_loop3A_76 = arith.constant 0 : index
        %parallel_loop3A_77 = tpu.vector_load %arg14[%parallel_loop3A_75, %parallel_loop3A_76] {strides = array<i32>} : memref<80x128xf32, #tpu.memory_space<vmem>>, vector<16xf32>,
        %parallel_loop3A_78 = arith.addf %parallel_loop3A_74, %parallel_loop3A_77 : vector<16xf32>
        %parallel_loop3A_79 = arith.index_cast %parallel_loop3A_71 : i32 to index
        %parallel_loop3A_80 = arith.constant 0 : index
        %parallel_loop3A_81 = tpu.vector_load %arg13[%parallel_loop3A_79, %parallel_loop3A_80] {strides = array<i32>} : memref<80x128xf32, #tpu.memory_space<vmem>>, vector<16xf32>,
        tpu.vector_store %arg13[%parallel_loop3A_79, %parallel_loop3A_80], %parallel_loop3A_78 {strides = array<i32>} : memref<80x128xf32, #tpu.memory_space<vmem>>, vector<16xf32>,
        %parallel_loop3A_82 = arith.index_cast %parallel_loop3A_71 : i32 to index
        %parallel_loop3A_83 = arith.constant 16 : index
        %parallel_loop3A_84 = tpu.vector_load %arg13[%parallel_loop3A_82, %parallel_loop3A_83] {strides = array<i32>} : memref<80x128xf32, #tpu.memory_space<vmem>>, vector<16xf32>,
        %parallel_loop3A_85 = arith.index_cast %parallel_loop3A_71 : i32 to index
        %parallel_loop3A_86 = arith.constant 16 : index
        %parallel_loop3A_87 = tpu.vector_load %arg14[%parallel_loop3A_85, %parallel_loop3A_86] {strides = array<i32>} : memref<80x128xf32, #tpu.memory_space<vmem>>, vector<16xf32>,
        %parallel_loop3A_88 = arith.addf %parallel_loop3A_84, %parallel_loop3A_87 : vector<16xf32>
        %parallel_loop3A_89 = arith.index_cast %parallel_loop3A_71 : i32 to index
        %parallel_loop3A_90 = arith.constant 16 : index
        %parallel_loop3A_91 = tpu.vector_load %arg13[%parallel_loop3A_89, %parallel_loop3A_90] {strides = array<i32>} : memref<80x128xf32, #tpu.memory_space<vmem>>, vector<16xf32>,
        tpu.vector_store %arg13[%parallel_loop3A_89, %parallel_loop3A_90], %parallel_loop3A_88 {strides = array<i32>} : memref<80x128xf32, #tpu.memory_space<vmem>>, vector<16xf32>,
        %parallel_loop3A_92 = arith.index_cast %parallel_loop3A_71 : i32 to index
        %parallel_loop3A_93 = arith.constant 32 : index
        %parallel_loop3A_94 = tpu.vector_load %arg13[%parallel_loop3A_92, %parallel_loop3A_93] {strides = array<i32>} : memref<80x128xf32, #tpu.memory_space<vmem>>, vector<16xf32>,
        %parallel_loop3A_95 = arith.index_cast %parallel_loop3A_71 : i32 to index
        %parallel_loop3A_96 = arith.constant 32 : index
        %parallel_loop3A_97 = tpu.vector_load %arg14[%parallel_loop3A_95, %parallel_loop3A_96] {strides = array<i32>} : memref<80x128xf32, #tpu.memory_space<vmem>>, vector<16xf32>,
        %parallel_loop3A_98 = arith.addf %parallel_loop3A_94, %parallel_loop3A_97 : vector<16xf32>
        %parallel_loop3A_99 = arith.index_cast %parallel_loop3A_71 : i32 to index
        %parallel_loop3A_100 = arith.constant 32 : index
        %parallel_loop3A_101 = tpu.vector_load %arg13[%parallel_loop3A_99, %parallel_loop3A_100] {strides = array<i32>} : memref<80x128xf32, #tpu.memory_space<vmem>>, vector<16xf32>,
        tpu.vector_store %arg13[%parallel_loop3A_99, %parallel_loop3A_100], %parallel_loop3A_98 {strides = array<i32>} : memref<80x128xf32, #tpu.memory_space<vmem>>, vector<16xf32>,
        %parallel_loop3A_102 = arith.index_cast %parallel_loop3A_71 : i32 to index
        %parallel_loop3A_103 = arith.constant 48 : index
        %parallel_loop3A_104 = tpu.vector_load %arg13[%parallel_loop3A_102, %parallel_loop3A_103] {strides = array<i32>} : memref<80x128xf32, #tpu.memory_space<vmem>>, vector<16xf32>,
        %parallel_loop3A_105 = arith.index_cast %parallel_loop3A_71 : i32 to index
        %parallel_loop3A_106 = arith.constant 48 : index
        %parallel_loop3A_107 = tpu.vector_load %arg14[%parallel_loop3A_105, %parallel_loop3A_106] {strides = array<i32>} : memref<80x128xf32, #tpu.memory_space<vmem>>, vector<16xf32>,
        %parallel_loop3A_108 = arith.addf %parallel_loop3A_104, %parallel_loop3A_107 : vector<16xf32>
        %parallel_loop3A_109 = arith.index_cast %parallel_loop3A_71 : i32 to index
        %parallel_loop3A_110 = arith.constant 48 : index
        %parallel_loop3A_111 = tpu.vector_load %arg13[%parallel_loop3A_109, %parallel_loop3A_110] {strides = array<i32>} : memref<80x128xf32, #tpu.memory_space<vmem>>, vector<16xf32>,
        tpu.vector_store %arg13[%parallel_loop3A_109, %parallel_loop3A_110], %parallel_loop3A_108 {strides = array<i32>} : memref<80x128xf32, #tpu.memory_space<vmem>>, vector<16xf32>,
        %parallel_loop3A_112 = arith.index_cast %parallel_loop3A_71 : i32 to index
        %parallel_loop3A_113 = arith.constant 64 : index
        %parallel_loop3A_114 = tpu.vector_load %arg13[%parallel_loop3A_112, %parallel_loop3A_113] {strides = array<i32>} : memref<80x128xf32, #tpu.memory_space<vmem>>, vector<16xf32>,
        %parallel_loop3A_115 = arith.index_cast %parallel_loop3A_71 : i32 to index
        %parallel_loop3A_116 = arith.constant 64 : index
        %parallel_loop3A_117 = tpu.vector_load %arg14[%parallel_loop3A_115, %parallel_loop3A_116] {strides = array<i32>} : memref<80x128xf32, #tpu.memory_space<vmem>>, vector<16xf32>,
        %parallel_loop3A_118 = arith.addf %parallel_loop3A_114, %parallel_loop3A_117 : vector<16xf32>
        %parallel_loop3A_119 = arith.index_cast %parallel_loop3A_71 : i32 to index
        %parallel_loop3A_120 = arith.constant 64 : index
        %parallel_loop3A_121 = tpu.vector_load %arg13[%parallel_loop3A_119, %parallel_loop3A_120] {strides = array<i32>} : memref<80x128xf32, #tpu.memory_space<vmem>>, vector<16xf32>,
        tpu.vector_store %arg13[%parallel_loop3A_119, %parallel_loop3A_120], %parallel_loop3A_118 {strides = array<i32>} : memref<80x128xf32, #tpu.memory_space<vmem>>, vector<16xf32>,
        %parallel_loop3A_122 = arith.index_cast %parallel_loop3A_71 : i32 to index
        %parallel_loop3A_123 = arith.constant 80 : index
        %parallel_loop3A_124 = tpu.vector_load %arg13[%parallel_loop3A_122, %parallel_loop3A_123] {strides = array<i32>} : memref<80x128xf32, #tpu.memory_space<vmem>>, vector<16xf32>,
        %parallel_loop3A_125 = arith.index_cast %parallel_loop3A_71 : i32 to index
        %parallel_loop3A_126 = arith.constant 80 : index
        %parallel_loop3A_127 = tpu.vector_load %arg14[%parallel_loop3A_125, %parallel_loop3A_126] {strides = array<i32>} : memref<80x128xf32, #tpu.memory_space<vmem>>, vector<16xf32>,
        %parallel_loop3A_128 = arith.addf %parallel_loop3A_124, %parallel_loop3A_127 : vector<16xf32>
        %parallel_loop3A_129 = arith.index_cast %parallel_loop3A_71 : i32 to index
        %parallel_loop3A_130 = arith.constant 80 : index
        %parallel_loop3A_131 = tpu.vector_load %arg13[%parallel_loop3A_129, %parallel_loop3A_130] {strides = array<i32>} : memref<80x128xf32, #tpu.memory_space<vmem>>, vector<16xf32>,
        tpu.vector_store %arg13[%parallel_loop3A_129, %parallel_loop3A_130], %parallel_loop3A_128 {strides = array<i32>} : memref<80x128xf32, #tpu.memory_space<vmem>>, vector<16xf32>,
        %parallel_loop3A_132 = arith.index_cast %parallel_loop3A_71 : i32 to index
        %parallel_loop3A_133 = arith.constant 96 : index
        %parallel_loop3A_134 = tpu.vector_load %arg13[%parallel_loop3A_132, %parallel_loop3A_133] {strides = array<i32>} : memref<80x128xf32, #tpu.memory_space<vmem>>, vector<16xf32>,
        %parallel_loop3A_135 = arith.index_cast %parallel_loop3A_71 : i32 to index
        %parallel_loop3A_136 = arith.constant 96 : index
        %parallel_loop3A_137 = tpu.vector_load %arg14[%parallel_loop3A_135, %parallel_loop3A_136] {strides = array<i32>} : memref<80x128xf32, #tpu.memory_space<vmem>>, vector<16xf32>,
        %parallel_loop3A_138 = arith.addf %parallel_loop3A_134, %parallel_loop3A_137 : vector<16xf32>
        %parallel_loop3A_139 = arith.index_cast %parallel_loop3A_71 : i32 to index
        %parallel_loop3A_140 = arith.constant 96 : index
        %parallel_loop3A_141 = tpu.vector_load %arg13[%parallel_loop3A_139, %parallel_loop3A_140] {strides = array<i32>} : memref<80x128xf32, #tpu.memory_space<vmem>>, vector<16xf32>,
        tpu.vector_store %arg13[%parallel_loop3A_139, %parallel_loop3A_140], %parallel_loop3A_138 {strides = array<i32>} : memref<80x128xf32, #tpu.memory_space<vmem>>, vector<16xf32>,
        %parallel_loop3A_142 = arith.index_cast %parallel_loop3A_71 : i32 to index
        %parallel_loop3A_143 = arith.constant 112 : index
        %parallel_loop3A_144 = tpu.vector_load %arg13[%parallel_loop3A_142, %parallel_loop3A_143] {strides = array<i32>} : memref<80x128xf32, #tpu.memory_space<vmem>>, vector<16xf32>,
        %parallel_loop3A_145 = arith.index_cast %parallel_loop3A_71 : i32 to index
        %parallel_loop3A_146 = arith.constant 112 : index
        %parallel_loop3A_147 = tpu.vector_load %arg14[%parallel_loop3A_145, %parallel_loop3A_146] {strides = array<i32>} : memref<80x128xf32, #tpu.memory_space<vmem>>, vector<16xf32>,
        %parallel_loop3A_148 = arith.addf %parallel_loop3A_144, %parallel_loop3A_147 : vector<16xf32>
        %parallel_loop3A_149 = arith.index_cast %parallel_loop3A_71 : i32 to index
        %parallel_loop3A_150 = arith.constant 112 : index
        %parallel_loop3A_151 = tpu.vector_load %arg13[%parallel_loop3A_149, %parallel_loop3A_150] {strides = array<i32>} : memref<80x128xf32, #tpu.memory_space<vmem>>, vector<16xf32>,
        tpu.vector_store %arg13[%parallel_loop3A_149, %parallel_loop3A_150], %parallel_loop3A_148 {strides = array<i32>} : memref<80x128xf32, #tpu.memory_space<vmem>>, vector<16xf32>,
      } {sc.loop_unroll_factor = 1 : i64, sc.parallel_access}
      %mul3A_67 = arith.constant 80 : i32
      %mul3A_68 = arith.muli %add3A_32, %mul3A_67 : i32
      %add3A_69 = arith.addi %mul3A_2, %mul3A_68 : i32
      "tpu.region"() ({
        %run_scoped3A = tpu.sem_alloc : memref<!tpu.dma_semaphore, #tpu.memory_space<semaphore_mem>>
        %dma_start3A_71 = arith.constant 0 : i32
        %dma_start3A_72 = tpu.memref_slice %arg6[%add3A_69, %dma_start3A_71] : memref<320000x128xf32, #tpu.memory_space<hbm>> -> memref<80x128xf32, #tpu.memory_space<hbm>>
        %dma_start3A_73 = arith.constant 0 : i32
        %dma_start3A_74 = tpu.memref_slice %arg6[%add3A_69, %dma_start3A_73] : memref<320000x128xf32, #tpu.memory_space<hbm>> -> memref<80x128xf32, #tpu.memory_space<hbm>>
        tpu.enqueue_dma source(%arg13 : memref<80x128xf32, #tpu.memory_space<vmem>>) target(%dma_start3A_74 : memref<80x128xf32, #tpu.memory_space<hbm>>) target_semaphore(%run_scoped3A : memref<!tpu.dma_semaphore, #tpu.memory_space<semaphore_mem>>)
        %dma_wait3A_75 = arith.constant 0 : i32
        %dma_wait3A_76 = tpu.memref_slice %arg6[%add3A_69, %dma_wait3A_75] : memref<320000x128xf32, #tpu.memory_space<hbm>> -> memref<80x128xf32, #tpu.memory_space<hbm>>
        %dma_wait3A_77 = arith.constant 0 : i32
        %dma_wait3A_78 = tpu.memref_slice %arg6[%add3A_69, %dma_wait3A_77] : memref<320000x128xf32, #tpu.memory_space<hbm>> -> memref<80x128xf32, #tpu.memory_space<hbm>>
        tpu.wait_dma2 semaphore(%run_scoped3A : memref<!tpu.dma_semaphore, #tpu.memory_space<semaphore_mem>>) src(%arg13 : memref<80x128xf32, #tpu.memory_space<vmem>>) dst(%dma_wait3A_78 : memref<80x128xf32, #tpu.memory_space<hbm>>)
        tpu.yield
      }) : () -> ()
      %scan3A_70 = arith.constant 0 : i32
      scf.yield %scan3A_70 : i32
    }
    %scan3A_15 = arith.constant 62 : i32
    %dma_wait3A = arith.constant 0 : i32
    %dma_wait3A_16 = arith.constant 0 : i32
    %dma_wait3A_17 = tpu.memref_slice %arg2[%dma_wait3A, %dma_wait3A_16] : memref<10000x128xf32, #tpu.memory_space<hbm>> -> memref<10000x128xf32, #tpu.memory_space<hbm>>
    tpu.wait_indirect_dma semaphore(%arg15 : memref<!tpu.dma_semaphore, #tpu.memory_space<semaphore_mem>>) src(%dma_wait3A_17 : memref<10000x128xf32, #tpu.memory_space<hbm>>) dst(%arg9 : memref<80x128xf32, #tpu.memory_space<vmem>>)
    %dma_wait3A_18 = arith.constant 0 : i32
    %dma_wait3A_19 = arith.constant 0 : i32
    %dma_wait3A_20 = tpu.memref_slice %arg3[%dma_wait3A_18, %dma_wait3A_19] : memref<10000x128xf32, #tpu.memory_space<hbm>> -> memref<10000x128xf32, #tpu.memory_space<hbm>>
    tpu.wait_indirect_dma semaphore(%arg16 : memref<!tpu.dma_semaphore, #tpu.memory_space<semaphore_mem>>) src(%dma_wait3A_20 : memref<10000x128xf32, #tpu.memory_space<hbm>>) dst(%arg10 : memref<80x128xf32, #tpu.memory_space<vmem>>)
    %parallel_loop3A = arith.constant 0 : i32
    %parallel_loop3A_21 = arith.constant 80 : i32
    %parallel_loop3A_22 = arith.constant 1 : i32
    scf.for %parallel_loop3A_25 = %parallel_loop3A to %parallel_loop3A_21 step %parallel_loop3A_22  : i32 {
      %parallel_loop3A_26 = arith.index_cast %parallel_loop3A_25 : i32 to index
      %parallel_loop3A_27 = arith.constant 0 : index
      %parallel_loop3A_28 = tpu.vector_load %arg9[%parallel_loop3A_26, %parallel_loop3A_27] {strides = array<i32>} : memref<80x128xf32, #tpu.memory_space<vmem>>, vector<16xf32>,
      %parallel_loop3A_29 = arith.index_cast %parallel_loop3A_25 : i32 to index
      %parallel_loop3A_30 = arith.constant 0 : index
      %parallel_loop3A_31 = tpu.vector_load %arg10[%parallel_loop3A_29, %parallel_loop3A_30] {strides = array<i32>} : memref<80x128xf32, #tpu.memory_space<vmem>>, vector<16xf32>,
      %parallel_loop3A_32 = arith.addf %parallel_loop3A_28, %parallel_loop3A_31 : vector<16xf32>
      %parallel_loop3A_33 = arith.index_cast %parallel_loop3A_25 : i32 to index
      %parallel_loop3A_34 = arith.constant 0 : index
      %parallel_loop3A_35 = tpu.vector_load %arg9[%parallel_loop3A_33, %parallel_loop3A_34] {strides = array<i32>} : memref<80x128xf32, #tpu.memory_space<vmem>>, vector<16xf32>,
      tpu.vector_store %arg9[%parallel_loop3A_33, %parallel_loop3A_34], %parallel_loop3A_32 {strides = array<i32>} : memref<80x128xf32, #tpu.memory_space<vmem>>, vector<16xf32>,
      %parallel_loop3A_36 = arith.index_cast %parallel_loop3A_25 : i32 to index
      %parallel_loop3A_37 = arith.constant 16 : index
      %parallel_loop3A_38 = tpu.vector_load %arg9[%parallel_loop3A_36, %parallel_loop3A_37] {strides = array<i32>} : memref<80x128xf32, #tpu.memory_space<vmem>>, vector<16xf32>,
      %parallel_loop3A_39 = arith.index_cast %parallel_loop3A_25 : i32 to index
      %parallel_loop3A_40 = arith.constant 16 : index
      %parallel_loop3A_41 = tpu.vector_load %arg10[%parallel_loop3A_39, %parallel_loop3A_40] {strides = array<i32>} : memref<80x128xf32, #tpu.memory_space<vmem>>, vector<16xf32>,
      %parallel_loop3A_42 = arith.addf %parallel_loop3A_38, %parallel_loop3A_41 : vector<16xf32>
      %parallel_loop3A_43 = arith.index_cast %parallel_loop3A_25 : i32 to index
      %parallel_loop3A_44 = arith.constant 16 : index
      %parallel_loop3A_45 = tpu.vector_load %arg9[%parallel_loop3A_43, %parallel_loop3A_44] {strides = array<i32>} : memref<80x128xf32, #tpu.memory_space<vmem>>, vector<16xf32>,
      tpu.vector_store %arg9[%parallel_loop3A_43, %parallel_loop3A_44], %parallel_loop3A_42 {strides = array<i32>} : memref<80x128xf32, #tpu.memory_space<vmem>>, vector<16xf32>,
      %parallel_loop3A_46 = arith.index_cast %parallel_loop3A_25 : i32 to index
      %parallel_loop3A_47 = arith.constant 32 : index
      %parallel_loop3A_48 = tpu.vector_load %arg9[%parallel_loop3A_46, %parallel_loop3A_47] {strides = array<i32>} : memref<80x128xf32, #tpu.memory_space<vmem>>, vector<16xf32>,
      %parallel_loop3A_49 = arith.index_cast %parallel_loop3A_25 : i32 to index
      %parallel_loop3A_50 = arith.constant 32 : index
      %parallel_loop3A_51 = tpu.vector_load %arg10[%parallel_loop3A_49, %parallel_loop3A_50] {strides = array<i32>} : memref<80x128xf32, #tpu.memory_space<vmem>>, vector<16xf32>,
      %parallel_loop3A_52 = arith.addf %parallel_loop3A_48, %parallel_loop3A_51 : vector<16xf32>
      %parallel_loop3A_53 = arith.index_cast %parallel_loop3A_25 : i32 to index
      %parallel_loop3A_54 = arith.constant 32 : index
      %parallel_loop3A_55 = tpu.vector_load %arg9[%parallel_loop3A_53, %parallel_loop3A_54] {strides = array<i32>} : memref<80x128xf32, #tpu.memory_space<vmem>>, vector<16xf32>,
      tpu.vector_store %arg9[%parallel_loop3A_53, %parallel_loop3A_54], %parallel_loop3A_52 {strides = array<i32>} : memref<80x128xf32, #tpu.memory_space<vmem>>, vector<16xf32>,
      %parallel_loop3A_56 = arith.index_cast %parallel_loop3A_25 : i32 to index
      %parallel_loop3A_57 = arith.constant 48 : index
      %parallel_loop3A_58 = tpu.vector_load %arg9[%parallel_loop3A_56, %parallel_loop3A_57] {strides = array<i32>} : memref<80x128xf32, #tpu.memory_space<vmem>>, vector<16xf32>,
      %parallel_loop3A_59 = arith.index_cast %parallel_loop3A_25 : i32 to index
      %parallel_loop3A_60 = arith.constant 48 : index
      %parallel_loop3A_61 = tpu.vector_load %arg10[%parallel_loop3A_59, %parallel_loop3A_60] {strides = array<i32>} : memref<80x128xf32, #tpu.memory_space<vmem>>, vector<16xf32>,
      %parallel_loop3A_62 = arith.addf %parallel_loop3A_58, %parallel_loop3A_61 : vector<16xf32>
      %parallel_loop3A_63 = arith.index_cast %parallel_loop3A_25 : i32 to index
      %parallel_loop3A_64 = arith.constant 48 : index
      %parallel_loop3A_65 = tpu.vector_load %arg9[%parallel_loop3A_63, %parallel_loop3A_64] {strides = array<i32>} : memref<80x128xf32, #tpu.memory_space<vmem>>, vector<16xf32>,
      tpu.vector_store %arg9[%parallel_loop3A_63, %parallel_loop3A_64], %parallel_loop3A_62 {strides = array<i32>} : memref<80x128xf32, #tpu.memory_space<vmem>>, vector<16xf32>,
      %parallel_loop3A_66 = arith.index_cast %parallel_loop3A_25 : i32 to index
      %parallel_loop3A_67 = arith.constant 64 : index
      %parallel_loop3A_68 = tpu.vector_load %arg9[%parallel_loop3A_66, %parallel_loop3A_67] {strides = array<i32>} : memref<80x128xf32, #tpu.memory_space<vmem>>, vector<16xf32>,
      %parallel_loop3A_69 = arith.index_cast %parallel_loop3A_25 : i32 to index
      %parallel_loop3A_70 = arith.constant 64 : index
      %parallel_loop3A_71 = tpu.vector_load %arg10[%parallel_loop3A_69, %parallel_loop3A_70] {strides = array<i32>} : memref<80x128xf32, #tpu.memory_space<vmem>>, vector<16xf32>,
      %parallel_loop3A_72 = arith.addf %parallel_loop3A_68, %parallel_loop3A_71 : vector<16xf32>
      %parallel_loop3A_73 = arith.index_cast %parallel_loop3A_25 : i32 to index
      %parallel_loop3A_74 = arith.constant 64 : index
      %parallel_loop3A_75 = tpu.vector_load %arg9[%parallel_loop3A_73, %parallel_loop3A_74] {strides = array<i32>} : memref<80x128xf32, #tpu.memory_space<vmem>>, vector<16xf32>,
      tpu.vector_store %arg9[%parallel_loop3A_73, %parallel_loop3A_74], %parallel_loop3A_72 {strides = array<i32>} : memref<80x128xf32, #tpu.memory_space<vmem>>, vector<16xf32>,
      %parallel_loop3A_76 = arith.index_cast %parallel_loop3A_25 : i32 to index
      %parallel_loop3A_77 = arith.constant 80 : index
      %parallel_loop3A_78 = tpu.vector_load %arg9[%parallel_loop3A_76, %parallel_loop3A_77] {strides = array<i32>} : memref<80x128xf32, #tpu.memory_space<vmem>>, vector<16xf32>,
      %parallel_loop3A_79 = arith.index_cast %parallel_loop3A_25 : i32 to index
      %parallel_loop3A_80 = arith.constant 80 : index
      %parallel_loop3A_81 = tpu.vector_load %arg10[%parallel_loop3A_79, %parallel_loop3A_80] {strides = array<i32>} : memref<80x128xf32, #tpu.memory_space<vmem>>, vector<16xf32>,
      %parallel_loop3A_82 = arith.addf %parallel_loop3A_78, %parallel_loop3A_81 : vector<16xf32>
      %parallel_loop3A_83 = arith.index_cast %parallel_loop3A_25 : i32 to index
      %parallel_loop3A_84 = arith.constant 80 : index
      %parallel_loop3A_85 = tpu.vector_load %arg9[%parallel_loop3A_83, %parallel_loop3A_84] {strides = array<i32>} : memref<80x128xf32, #tpu.memory_space<vmem>>, vector<16xf32>,
      tpu.vector_store %arg9[%parallel_loop3A_83, %parallel_loop3A_84], %parallel_loop3A_82 {strides = array<i32>} : memref<80x128xf32, #tpu.memory_space<vmem>>, vector<16xf32>,
      %parallel_loop3A_86 = arith.index_cast %parallel_loop3A_25 : i32 to index
      %parallel_loop3A_87 = arith.constant 96 : index
      %parallel_loop3A_88 = tpu.vector_load %arg9[%parallel_loop3A_86, %parallel_loop3A_87] {strides = array<i32>} : memref<80x128xf32, #tpu.memory_space<vmem>>, vector<16xf32>,
      %parallel_loop3A_89 = arith.index_cast %parallel_loop3A_25 : i32 to index
      %parallel_loop3A_90 = arith.constant 96 : index
      %parallel_loop3A_91 = tpu.vector_load %arg10[%parallel_loop3A_89, %parallel_loop3A_90] {strides = array<i32>} : memref<80x128xf32, #tpu.memory_space<vmem>>, vector<16xf32>,
      %parallel_loop3A_92 = arith.addf %parallel_loop3A_88, %parallel_loop3A_91 : vector<16xf32>
      %parallel_loop3A_93 = arith.index_cast %parallel_loop3A_25 : i32 to index
      %parallel_loop3A_94 = arith.constant 96 : index
      %parallel_loop3A_95 = tpu.vector_load %arg9[%parallel_loop3A_93, %parallel_loop3A_94] {strides = array<i32>} : memref<80x128xf32, #tpu.memory_space<vmem>>, vector<16xf32>,
      tpu.vector_store %arg9[%parallel_loop3A_93, %parallel_loop3A_94], %parallel_loop3A_92 {strides = array<i32>} : memref<80x128xf32, #tpu.memory_space<vmem>>, vector<16xf32>,
      %parallel_loop3A_96 = arith.index_cast %parallel_loop3A_25 : i32 to index
      %parallel_loop3A_97 = arith.constant 112 : index
      %parallel_loop3A_98 = tpu.vector_load %arg9[%parallel_loop3A_96, %parallel_loop3A_97] {strides = array<i32>} : memref<80x128xf32, #tpu.memory_space<vmem>>, vector<16xf32>,
      %parallel_loop3A_99 = arith.index_cast %parallel_loop3A_25 : i32 to index
      %parallel_loop3A_100 = arith.constant 112 : index
      %parallel_loop3A_101 = tpu.vector_load %arg10[%parallel_loop3A_99, %parallel_loop3A_100] {strides = array<i32>} : memref<80x128xf32, #tpu.memory_space<vmem>>, vector<16xf32>,
      %parallel_loop3A_102 = arith.addf %parallel_loop3A_98, %parallel_loop3A_101 : vector<16xf32>
      %parallel_loop3A_103 = arith.index_cast %parallel_loop3A_25 : i32 to index
      %parallel_loop3A_104 = arith.constant 112 : index
      %parallel_loop3A_105 = tpu.vector_load %arg9[%parallel_loop3A_103, %parallel_loop3A_104] {strides = array<i32>} : memref<80x128xf32, #tpu.memory_space<vmem>>, vector<16xf32>,
      tpu.vector_store %arg9[%parallel_loop3A_103, %parallel_loop3A_104], %parallel_loop3A_102 {strides = array<i32>} : memref<80x128xf32, #tpu.memory_space<vmem>>, vector<16xf32>,
    } {sc.loop_unroll_factor = 1 : i64, sc.parallel_access}
    %add3A_23 = arith.constant 9920 : i32
    %add3A_24 = arith.addi %mul3A_2, %add3A_23 : i32
    "tpu.region"() ({
      %run_scoped3A = tpu.sem_alloc : memref<!tpu.dma_semaphore, #tpu.memory_space<semaphore_mem>>
      %dma_start3A_25 = arith.constant 0 : i32
      %dma_start3A_26 = tpu.memref_slice %arg6[%add3A_24, %dma_start3A_25] : memref<320000x128xf32, #tpu.memory_space<hbm>> -> memref<80x128xf32, #tpu.memory_space<hbm>>
      %dma_start3A_27 = arith.constant 0 : i32
      %dma_start3A_28 = tpu.memref_slice %arg6[%add3A_24, %dma_start3A_27] : memref<320000x128xf32, #tpu.memory_space<hbm>> -> memref<80x128xf32, #tpu.memory_space<hbm>>
      tpu.enqueue_dma source(%arg9 : memref<80x128xf32, #tpu.memory_space<vmem>>) target(%dma_start3A_28 : memref<80x128xf32, #tpu.memory_space<hbm>>) target_semaphore(%run_scoped3A : memref<!tpu.dma_semaphore, #tpu.memory_space<semaphore_mem>>)
      %dma_wait3A_29 = arith.constant 0 : i32
      %dma_wait3A_30 = tpu.memref_slice %arg6[%add3A_24, %dma_wait3A_29] : memref<320000x128xf32, #tpu.memory_space<hbm>> -> memref<80x128xf32, #tpu.memory_space<hbm>>
      %dma_wait3A_31 = arith.constant 0 : i32
      %dma_wait3A_32 = tpu.memref_slice %arg6[%add3A_24, %dma_wait3A_31] : memref<320000x128xf32, #tpu.memory_space<hbm>> -> memref<80x128xf32, #tpu.memory_space<hbm>>
      tpu.wait_dma2 semaphore(%run_scoped3A : memref<!tpu.dma_semaphore, #tpu.memory_space<semaphore_mem>>) src(%arg9 : memref<80x128xf32, #tpu.memory_space<vmem>>) dst(%dma_wait3A_32 : memref<80x128xf32, #tpu.memory_space<hbm>>)
      tpu.yield
    }) : () -> ()
    return
  }
}

#map = affine_map<(d0, d1) -> (0)>
#map1 = affine_map<(d0, d1) -> (0, 0, 0)>
module attributes {stable_mosaic.version = 14 : i64} {
  func.func @_den_body(%arg0: i32, %arg1: i32, %arg2: memref<320000xf32, #tpu.memory_space<hbm>>, %arg3: memref<320000xi32, #tpu.memory_space<hbm>>, %arg4: memref<5120000xf32, #tpu.memory_space<hbm>>, %arg5: memref<2x4x10240xf32, #tpu.memory_space<hbm>>, %arg6: memref<10000xf32, #tpu.memory_space<vmem>>, %arg7: memref<10000xi32, #tpu.memory_space<vmem>>, %arg8: memref<40960xf32, #tpu.memory_space<vmem>>, %arg9: memref<1280xf32, #tpu.memory_space<vmem>>, %arg10: memref<1280xf32, #tpu.memory_space<vmem>>, %arg11: memref<640xf32, #tpu.memory_space<vmem>>, %arg12: memref<640xf32, #tpu.memory_space<vmem>>, %arg13: memref<16x10240xf32, #tpu.memory_space<vmem_shared>>, %arg14: memref<!tpu.dma_semaphore, #tpu.memory_space<semaphore_mem>>, %arg15: memref<!tpu.dma_semaphore, #tpu.memory_space<semaphore_mem>>) attributes {dimension_semantics = [#tpu.dimension_semantics<core_parallel>, #tpu.dimension_semantics<subcore_parallel>], iteration_bounds = array<i64: 2, 16>, scalar_prefetch = 0 : i64, scratch_operands = 10 : i64, tpu.core_type = #tpu.core_type<sc_vector_subcore>, window_params = [{transform_indices = #map}, {transform_indices = #map}, {transform_indices = #map}, {transform_indices = #map1}]} {
    %mul3A = arith.constant 16 : i32
    %mul3A_0 = arith.muli %arg0, %mul3A : i32
    %add3A = arith.addi %mul3A_0, %arg1 : i32
    %mul3A_1 = arith.constant 10000 : i32
    %mul3A_2 = arith.muli %add3A, %mul3A_1 : i32
    "tpu.region"() ({
      %run_scoped3A_87 = tpu.sem_alloc : memref<!tpu.dma_semaphore, #tpu.memory_space<semaphore_mem>>
      %dma_start3A_88 = tpu.memref_slice %arg2[%mul3A_2] : memref<320000xf32, #tpu.memory_space<hbm>> -> memref<10000xf32, #tpu.memory_space<hbm>>
      %dma_start3A_89 = tpu.memref_slice %arg2[%mul3A_2] : memref<320000xf32, #tpu.memory_space<hbm>> -> memref<10000xf32, #tpu.memory_space<hbm>>
      tpu.enqueue_dma source(%dma_start3A_89 : memref<10000xf32, #tpu.memory_space<hbm>>) target(%arg6 : memref<10000xf32, #tpu.memory_space<vmem>>) target_semaphore(%run_scoped3A_87 : memref<!tpu.dma_semaphore, #tpu.memory_space<semaphore_mem>>)
      %dma_wait3A = tpu.memref_slice %arg2[%mul3A_2] : memref<320000xf32, #tpu.memory_space<hbm>> -> memref<10000xf32, #tpu.memory_space<hbm>>
      %dma_wait3A_90 = tpu.memref_slice %arg2[%mul3A_2] : memref<320000xf32, #tpu.memory_space<hbm>> -> memref<10000xf32, #tpu.memory_space<hbm>>
      tpu.wait_dma2 semaphore(%run_scoped3A_87 : memref<!tpu.dma_semaphore, #tpu.memory_space<semaphore_mem>>) src(%dma_wait3A_90 : memref<10000xf32, #tpu.memory_space<hbm>>) dst(%arg6 : memref<10000xf32, #tpu.memory_space<vmem>>)
      tpu.yield
    }) : () -> ()
    "tpu.region"() ({
      %run_scoped3A_87 = tpu.sem_alloc : memref<!tpu.dma_semaphore, #tpu.memory_space<semaphore_mem>>
      %dma_start3A_88 = tpu.memref_slice %arg3[%mul3A_2] : memref<320000xi32, #tpu.memory_space<hbm>> -> memref<10000xi32, #tpu.memory_space<hbm>>
      %dma_start3A_89 = tpu.memref_slice %arg3[%mul3A_2] : memref<320000xi32, #tpu.memory_space<hbm>> -> memref<10000xi32, #tpu.memory_space<hbm>>
      tpu.enqueue_dma source(%dma_start3A_89 : memref<10000xi32, #tpu.memory_space<hbm>>) target(%arg7 : memref<10000xi32, #tpu.memory_space<vmem>>) target_semaphore(%run_scoped3A_87 : memref<!tpu.dma_semaphore, #tpu.memory_space<semaphore_mem>>)
      %dma_wait3A = tpu.memref_slice %arg3[%mul3A_2] : memref<320000xi32, #tpu.memory_space<hbm>> -> memref<10000xi32, #tpu.memory_space<hbm>>
      %dma_wait3A_90 = tpu.memref_slice %arg3[%mul3A_2] : memref<320000xi32, #tpu.memory_space<hbm>> -> memref<10000xi32, #tpu.memory_space<hbm>>
      tpu.wait_dma2 semaphore(%run_scoped3A_87 : memref<!tpu.dma_semaphore, #tpu.memory_space<semaphore_mem>>) src(%dma_wait3A_90 : memref<10000xi32, #tpu.memory_space<hbm>>) dst(%arg7 : memref<10000xi32, #tpu.memory_space<vmem>>)
      tpu.yield
    }) : () -> ()
    %iota3A = tpu.iota {dimensions = array<i32: 0>} : vector<16xi32>
    %scan3A = arith.constant 0 : i32
    %scan3A_3 = arith.constant 0 : i32
    %scan3A_4 = arith.constant 2560 : i32
    %scan3A_5 = arith.addi %scan3A_3, %scan3A_4 : i32
    %scan3A_6 = arith.constant 1 : i32
    %scan3A_7 = scf.for %scan3A_87 = %scan3A_3 to %scan3A_5 step %scan3A_6 iter_args(%scan3A_88 = %scan3A) -> (i32)  : i32 {
      %broadcast_in_dim3A = arith.constant 0.000000e+00 : f32
      %broadcast_in_dim3A_89 = vector.broadcast %broadcast_in_dim3A : f32 to vector<16xf32>
      %mul3A_90 = arith.constant 16 : i32
      %mul3A_91 = arith.muli %scan3A_87, %mul3A_90 : i32
      %swap3A = arith.index_cast %mul3A_91 : i32 to index
      %swap3A_92 = tpu.vector_load %arg8[%swap3A] {strides = array<i32>} : memref<40960xf32, #tpu.memory_space<vmem>>, vector<16xf32>,
      tpu.vector_store %arg8[%swap3A], %broadcast_in_dim3A_89 {strides = array<i32>} : memref<40960xf32, #tpu.memory_space<vmem>>, vector<16xf32>,
      %scan3A_93 = arith.constant 0 : i32
      scf.yield %scan3A_93 : i32
    }
    %scan3A_8 = arith.constant 2560 : i32
    %mul3A_9 = arith.constant 16 : i32
    %mul3A_10 = arith.muli %mul3A_2, %mul3A_9 : i32
    %dma_start3A = tpu.memref_slice %arg4[%mul3A_10] : memref<5120000xf32, #tpu.memory_space<hbm>> -> memref<1280xf32, #tpu.memory_space<hbm>>
    %dma_start3A_11 = tpu.memref_slice %arg4[%mul3A_10] : memref<5120000xf32, #tpu.memory_space<hbm>> -> memref<1280xf32, #tpu.memory_space<hbm>>
    tpu.enqueue_dma source(%dma_start3A_11 : memref<1280xf32, #tpu.memory_space<hbm>>) target(%arg9 : memref<1280xf32, #tpu.memory_space<vmem>>) target_semaphore(%arg14 : memref<!tpu.dma_semaphore, #tpu.memory_space<semaphore_mem>>)
    %scan3A_12 = arith.constant 0 : i32
    %scan3A_13 = arith.constant 0 : i32
    %scan3A_14 = arith.constant 125 : i32
    %scan3A_15 = arith.addi %scan3A_13, %scan3A_14 : i32
    %scan3A_16 = arith.constant 1 : i32
    %scan3A_17 = scf.for %scan3A_87 = %scan3A_13 to %scan3A_15 step %scan3A_16 iter_args(%scan3A_88 = %scan3A_12) -> (i32)  : i32 {
      %add3A_89 = arith.constant 1 : i32
      %add3A_90 = arith.addi %scan3A_87, %add3A_89 : i32
      %lt3A = arith.constant 125 : i32
      %lt3A_91 = arith.cmpi slt, %add3A_90, %lt3A : i32
      %jit3A = arith.constant 2 : i32
      %eq3A = arith.constant 0 : i32
      %eq3A_92 = arith.cmpi eq, %jit3A, %eq3A : i32
      %jit3A_93 = arith.constant 1 : i32
      %select_n3A = arith.select %eq3A_92, %jit3A_93, %jit3A : i32
      %rem3A = arith.remsi %scan3A_87, %select_n3A : i32
      %ne3A = arith.constant 0 : i32
      %ne3A_94 = arith.cmpi ne, %rem3A, %ne3A : i32
      %lt3A_95 = arith.constant 0 : i32
      %lt3A_96 = arith.cmpi slt, %rem3A, %lt3A_95 : i32
      %lt3A_97 = arith.constant 0 : i32
      %lt3A_98 = arith.cmpi slt, %select_n3A, %lt3A_97 : i32
      %ne3A_99 = arith.xori %lt3A_96, %lt3A_98 : i1
      %and3A = arith.andi %ne3A_99, %ne3A_94 : i1
      %add3A_100 = arith.addi %rem3A, %select_n3A : i32
      %select_n3A_101 = arith.select %and3A, %add3A_100, %rem3A : i32
      %eq3A_102 = arith.constant 0 : i32
      %eq3A_103 = arith.cmpi eq, %select_n3A_101, %eq3A_102 : i32
      %and3A_104 = arith.andi %lt3A_91, %eq3A_103 : i1
      %convert_element_type3A = arith.extui %and3A_104 : i1 to i32
      %cond3A = arith.constant 0 : i32
      %cond3A_105 = arith.cmpi ne, %convert_element_type3A, %cond3A : i32
      scf.if %cond3A_105 {
        %add3A_175 = arith.constant 1 : i32
        %add3A_176 = arith.addi %scan3A_87, %add3A_175 : i32
        %mul3A_177 = arith.constant 80 : i32
        %mul3A_178 = arith.muli %add3A_176, %mul3A_177 : i32
        %add3A_179 = arith.addi %mul3A_2, %mul3A_178 : i32
        %mul3A_180 = arith.constant 16 : i32
        %mul3A_181 = arith.muli %add3A_179, %mul3A_180 : i32
        %dma_start3A_182 = tpu.memref_slice %arg4[%mul3A_181] : memref<5120000xf32, #tpu.memory_space<hbm>> -> memref<1280xf32, #tpu.memory_space<hbm>>
        %dma_start3A_183 = tpu.memref_slice %arg4[%mul3A_181] : memref<5120000xf32, #tpu.memory_space<hbm>> -> memref<1280xf32, #tpu.memory_space<hbm>>
        tpu.enqueue_dma source(%dma_start3A_183 : memref<1280xf32, #tpu.memory_space<hbm>>) target(%arg10 : memref<1280xf32, #tpu.memory_space<vmem>>) target_semaphore(%arg15 : memref<!tpu.dma_semaphore, #tpu.memory_space<semaphore_mem>>)
      } else {
      }
      %add3A_106 = arith.constant 1 : i32
      %add3A_107 = arith.addi %scan3A_87, %add3A_106 : i32
      %lt3A_108 = arith.constant 125 : i32
      %lt3A_109 = arith.cmpi slt, %add3A_107, %lt3A_108 : i32
      %jit3A_110 = arith.constant 2 : i32
      %eq3A_111 = arith.constant 0 : i32
      %eq3A_112 = arith.cmpi eq, %jit3A_110, %eq3A_111 : i32
      %jit3A_113 = arith.constant 1 : i32
      %select_n3A_114 = arith.select %eq3A_112, %jit3A_113, %jit3A_110 : i32
      %rem3A_115 = arith.remsi %scan3A_87, %select_n3A_114 : i32
      %ne3A_116 = arith.constant 0 : i32
      %ne3A_117 = arith.cmpi ne, %rem3A_115, %ne3A_116 : i32
      %lt3A_118 = arith.constant 0 : i32
      %lt3A_119 = arith.cmpi slt, %rem3A_115, %lt3A_118 : i32
      %lt3A_120 = arith.constant 0 : i32
      %lt3A_121 = arith.cmpi slt, %select_n3A_114, %lt3A_120 : i32
      %ne3A_122 = arith.xori %lt3A_119, %lt3A_121 : i1
      %and3A_123 = arith.andi %ne3A_122, %ne3A_117 : i1
      %add3A_124 = arith.addi %rem3A_115, %select_n3A_114 : i32
      %select_n3A_125 = arith.select %and3A_123, %add3A_124, %rem3A_115 : i32
      %eq3A_126 = arith.constant 1 : i32
      %eq3A_127 = arith.cmpi eq, %select_n3A_125, %eq3A_126 : i32
      %and3A_128 = arith.andi %lt3A_109, %eq3A_127 : i1
      %convert_element_type3A_129 = arith.extui %and3A_128 : i1 to i32
      %cond3A_130 = arith.constant 0 : i32
      %cond3A_131 = arith.cmpi ne, %convert_element_type3A_129, %cond3A_130 : i32
      scf.if %cond3A_131 {
        %add3A_175 = arith.constant 1 : i32
        %add3A_176 = arith.addi %scan3A_87, %add3A_175 : i32
        %mul3A_177 = arith.constant 80 : i32
        %mul3A_178 = arith.muli %add3A_176, %mul3A_177 : i32
        %add3A_179 = arith.addi %mul3A_2, %mul3A_178 : i32
        %mul3A_180 = arith.constant 16 : i32
        %mul3A_181 = arith.muli %add3A_179, %mul3A_180 : i32
        %dma_start3A_182 = tpu.memref_slice %arg4[%mul3A_181] : memref<5120000xf32, #tpu.memory_space<hbm>> -> memref<1280xf32, #tpu.memory_space<hbm>>
        %dma_start3A_183 = tpu.memref_slice %arg4[%mul3A_181] : memref<5120000xf32, #tpu.memory_space<hbm>> -> memref<1280xf32, #tpu.memory_space<hbm>>
        tpu.enqueue_dma source(%dma_start3A_183 : memref<1280xf32, #tpu.memory_space<hbm>>) target(%arg9 : memref<1280xf32, #tpu.memory_space<vmem>>) target_semaphore(%arg14 : memref<!tpu.dma_semaphore, #tpu.memory_space<semaphore_mem>>)
      } else {
      }
      %jit3A_132 = arith.constant 2 : i32
      %eq3A_133 = arith.constant 0 : i32
      %eq3A_134 = arith.cmpi eq, %jit3A_132, %eq3A_133 : i32
      %jit3A_135 = arith.constant 1 : i32
      %select_n3A_136 = arith.select %eq3A_134, %jit3A_135, %jit3A_132 : i32
      %rem3A_137 = arith.remsi %scan3A_87, %select_n3A_136 : i32
      %ne3A_138 = arith.constant 0 : i32
      %ne3A_139 = arith.cmpi ne, %rem3A_137, %ne3A_138 : i32
      %lt3A_140 = arith.constant 0 : i32
      %lt3A_141 = arith.cmpi slt, %rem3A_137, %lt3A_140 : i32
      %lt3A_142 = arith.constant 0 : i32
      %lt3A_143 = arith.cmpi slt, %select_n3A_136, %lt3A_142 : i32
      %ne3A_144 = arith.xori %lt3A_141, %lt3A_143 : i1
      %and3A_145 = arith.andi %ne3A_144, %ne3A_139 : i1
      %add3A_146 = arith.addi %rem3A_137, %select_n3A_136 : i32
      %select_n3A_147 = arith.select %and3A_145, %add3A_146, %rem3A_137 : i32
      %eq3A_148 = arith.constant 0 : i32
      %eq3A_149 = arith.cmpi eq, %select_n3A_147, %eq3A_148 : i32
      %convert_element_type3A_150 = arith.extui %eq3A_149 : i1 to i32
      %cond3A_151 = arith.constant 0 : i32
      %cond3A_152 = arith.cmpi ne, %convert_element_type3A_150, %cond3A_151 : i32
      scf.if %cond3A_152 {
        %mul3A_175 = arith.constant 80 : i32
        %mul3A_176 = arith.muli %scan3A_87, %mul3A_175 : i32
        %add3A_177 = arith.addi %mul3A_2, %mul3A_176 : i32
        %mul3A_178 = arith.constant 16 : i32
        %mul3A_179 = arith.muli %add3A_177, %mul3A_178 : i32
        %dma_wait3A = tpu.memref_slice %arg4[%mul3A_179] : memref<5120000xf32, #tpu.memory_space<hbm>> -> memref<1280xf32, #tpu.memory_space<hbm>>
        %dma_wait3A_180 = tpu.memref_slice %arg4[%mul3A_179] : memref<5120000xf32, #tpu.memory_space<hbm>> -> memref<1280xf32, #tpu.memory_space<hbm>>
        tpu.wait_dma2 semaphore(%arg14 : memref<!tpu.dma_semaphore, #tpu.memory_space<semaphore_mem>>) src(%dma_wait3A_180 : memref<1280xf32, #tpu.memory_space<hbm>>) dst(%arg9 : memref<1280xf32, #tpu.memory_space<vmem>>)
        %parallel_loop3A = arith.constant 0 : i32
        %parallel_loop3A_181 = arith.constant 5 : i32
        %parallel_loop3A_182 = arith.constant 1 : i32
        scf.for %parallel_loop3A_183 = %parallel_loop3A to %parallel_loop3A_181 step %parallel_loop3A_182  : i32 {
          %parallel_loop3A_184 = arith.constant 80 : i32
          %parallel_loop3A_185 = arith.muli %scan3A_87, %parallel_loop3A_184 : i32
          %parallel_loop3A_186 = arith.constant 16 : i32
          %parallel_loop3A_187 = arith.muli %parallel_loop3A_183, %parallel_loop3A_186 : i32
          %parallel_loop3A_188 = arith.addi %parallel_loop3A_185, %parallel_loop3A_187 : i32
          %parallel_loop3A_189 = arith.index_cast %parallel_loop3A_188 : i32 to index
          %parallel_loop3A_190 = tpu.vector_load %arg6[%parallel_loop3A_189] {strides = array<i32>} : memref<10000xf32, #tpu.memory_space<vmem>>, vector<16xf32>,
          %parallel_loop3A_191 = arith.index_cast %parallel_loop3A_188 : i32 to index
          %parallel_loop3A_192 = tpu.vector_load %arg7[%parallel_loop3A_191] {strides = array<i32>} : memref<10000xi32, #tpu.memory_space<vmem>>, vector<16xi32>,
          tpu.vector_store_idx %arg8[%parallel_loop3A_192], %parallel_loop3A_190 {add = true} : memref<40960xf32, #tpu.memory_space<vmem>>[vector<16xi32>], vector<16xf32>,
          %parallel_loop3A_193 = arith.constant 16 : i32
          %parallel_loop3A_194 = arith.muli %parallel_loop3A_183, %parallel_loop3A_193 : i32
          %parallel_loop3A_195 = vector.broadcast %parallel_loop3A_194 : i32 to vector<16xi32>
          %parallel_loop3A_196 = arith.addi %parallel_loop3A_195, %iota3A : vector<16xi32>
          %parallel_loop3A_197 = arith.constant 16 : i32
          %parallel_loop3A_198 = vector.broadcast %parallel_loop3A_197 : i32 to vector<16xi32>
          %parallel_loop3A_199 = arith.muli %parallel_loop3A_196, %parallel_loop3A_198 : vector<16xi32>
          %parallel_loop3A_200 = arith.constant 0 : i32
          %parallel_loop3A_201 = vector.broadcast %parallel_loop3A_200 : i32 to vector<16xi32>
          %parallel_loop3A_202 = arith.addi %parallel_loop3A_199, %parallel_loop3A_201 : vector<16xi32>
          %parallel_loop3A_203 = tpu.vector_load_idx %arg9[%parallel_loop3A_202] : memref<1280xf32, #tpu.memory_space<vmem>>[vector<16xi32>], vector<16xf32>,
          %parallel_loop3A_204 = arith.constant 10240 : i32
          %parallel_loop3A_205 = vector.broadcast %parallel_loop3A_204 : i32 to vector<16xi32>
          %parallel_loop3A_206 = arith.addi %parallel_loop3A_192, %parallel_loop3A_205 : vector<16xi32>
          %parallel_loop3A_207 = arith.mulf %parallel_loop3A_190, %parallel_loop3A_203 : vector<16xf32>
          tpu.vector_store_idx %arg8[%parallel_loop3A_206], %parallel_loop3A_207 {add = true} : memref<40960xf32, #tpu.memory_space<vmem>>[vector<16xi32>], vector<16xf32>,
          %parallel_loop3A_208 = arith.constant 1 : i32
          %parallel_loop3A_209 = vector.broadcast %parallel_loop3A_208 : i32 to vector<16xi32>
          %parallel_loop3A_210 = arith.addi %parallel_loop3A_199, %parallel_loop3A_209 : vector<16xi32>
          %parallel_loop3A_211 = tpu.vector_load_idx %arg9[%parallel_loop3A_210] : memref<1280xf32, #tpu.memory_space<vmem>>[vector<16xi32>], vector<16xf32>,
          %parallel_loop3A_212 = arith.constant 20480 : i32
          %parallel_loop3A_213 = vector.broadcast %parallel_loop3A_212 : i32 to vector<16xi32>
          %parallel_loop3A_214 = arith.addi %parallel_loop3A_192, %parallel_loop3A_213 : vector<16xi32>
          %parallel_loop3A_215 = arith.mulf %parallel_loop3A_190, %parallel_loop3A_211 : vector<16xf32>
          tpu.vector_store_idx %arg8[%parallel_loop3A_214], %parallel_loop3A_215 {add = true} : memref<40960xf32, #tpu.memory_space<vmem>>[vector<16xi32>], vector<16xf32>,
          %parallel_loop3A_216 = arith.constant 2 : i32
          %parallel_loop3A_217 = vector.broadcast %parallel_loop3A_216 : i32 to vector<16xi32>
          %parallel_loop3A_218 = arith.addi %parallel_loop3A_199, %parallel_loop3A_217 : vector<16xi32>
          %parallel_loop3A_219 = tpu.vector_load_idx %arg9[%parallel_loop3A_218] : memref<1280xf32, #tpu.memory_space<vmem>>[vector<16xi32>], vector<16xf32>,
          %parallel_loop3A_220 = arith.constant 30720 : i32
          %parallel_loop3A_221 = vector.broadcast %parallel_loop3A_220 : i32 to vector<16xi32>
          %parallel_loop3A_222 = arith.addi %parallel_loop3A_192, %parallel_loop3A_221 : vector<16xi32>
          %parallel_loop3A_223 = arith.mulf %parallel_loop3A_190, %parallel_loop3A_219 : vector<16xf32>
          tpu.vector_store_idx %arg8[%parallel_loop3A_222], %parallel_loop3A_223 {add = true} : memref<40960xf32, #tpu.memory_space<vmem>>[vector<16xi32>], vector<16xf32>,
        } {sc.loop_unroll_factor = 1 : i64, sc.parallel_access}
      } else {
      }
      %jit3A_153 = arith.constant 2 : i32
      %eq3A_154 = arith.constant 0 : i32
      %eq3A_155 = arith.cmpi eq, %jit3A_153, %eq3A_154 : i32
      %jit3A_156 = arith.constant 1 : i32
      %select_n3A_157 = arith.select %eq3A_155, %jit3A_156, %jit3A_153 : i32
      %rem3A_158 = arith.remsi %scan3A_87, %select_n3A_157 : i32
      %ne3A_159 = arith.constant 0 : i32
      %ne3A_160 = arith.cmpi ne, %rem3A_158, %ne3A_159 : i32
      %lt3A_161 = arith.constant 0 : i32
      %lt3A_162 = arith.cmpi slt, %rem3A_158, %lt3A_161 : i32
      %lt3A_163 = arith.constant 0 : i32
      %lt3A_164 = arith.cmpi slt, %select_n3A_157, %lt3A_163 : i32
      %ne3A_165 = arith.xori %lt3A_162, %lt3A_164 : i1
      %and3A_166 = arith.andi %ne3A_165, %ne3A_160 : i1
      %add3A_167 = arith.addi %rem3A_158, %select_n3A_157 : i32
      %select_n3A_168 = arith.select %and3A_166, %add3A_167, %rem3A_158 : i32
      %eq3A_169 = arith.constant 1 : i32
      %eq3A_170 = arith.cmpi eq, %select_n3A_168, %eq3A_169 : i32
      %convert_element_type3A_171 = arith.extui %eq3A_170 : i1 to i32
      %cond3A_172 = arith.constant 0 : i32
      %cond3A_173 = arith.cmpi ne, %convert_element_type3A_171, %cond3A_172 : i32
      scf.if %cond3A_173 {
        %mul3A_175 = arith.constant 80 : i32
        %mul3A_176 = arith.muli %scan3A_87, %mul3A_175 : i32
        %add3A_177 = arith.addi %mul3A_2, %mul3A_176 : i32
        %mul3A_178 = arith.constant 16 : i32
        %mul3A_179 = arith.muli %add3A_177, %mul3A_178 : i32
        %dma_wait3A = tpu.memref_slice %arg4[%mul3A_179] : memref<5120000xf32, #tpu.memory_space<hbm>> -> memref<1280xf32, #tpu.memory_space<hbm>>
        %dma_wait3A_180 = tpu.memref_slice %arg4[%mul3A_179] : memref<5120000xf32, #tpu.memory_space<hbm>> -> memref<1280xf32, #tpu.memory_space<hbm>>
        tpu.wait_dma2 semaphore(%arg15 : memref<!tpu.dma_semaphore, #tpu.memory_space<semaphore_mem>>) src(%dma_wait3A_180 : memref<1280xf32, #tpu.memory_space<hbm>>) dst(%arg10 : memref<1280xf32, #tpu.memory_space<vmem>>)
        %parallel_loop3A = arith.constant 0 : i32
        %parallel_loop3A_181 = arith.constant 5 : i32
        %parallel_loop3A_182 = arith.constant 1 : i32
        scf.for %parallel_loop3A_183 = %parallel_loop3A to %parallel_loop3A_181 step %parallel_loop3A_182  : i32 {
          %parallel_loop3A_184 = arith.constant 80 : i32
          %parallel_loop3A_185 = arith.muli %scan3A_87, %parallel_loop3A_184 : i32
          %parallel_loop3A_186 = arith.constant 16 : i32
          %parallel_loop3A_187 = arith.muli %parallel_loop3A_183, %parallel_loop3A_186 : i32
          %parallel_loop3A_188 = arith.addi %parallel_loop3A_185, %parallel_loop3A_187 : i32
          %parallel_loop3A_189 = arith.index_cast %parallel_loop3A_188 : i32 to index
          %parallel_loop3A_190 = tpu.vector_load %arg6[%parallel_loop3A_189] {strides = array<i32>} : memref<10000xf32, #tpu.memory_space<vmem>>, vector<16xf32>,
          %parallel_loop3A_191 = arith.index_cast %parallel_loop3A_188 : i32 to index
          %parallel_loop3A_192 = tpu.vector_load %arg7[%parallel_loop3A_191] {strides = array<i32>} : memref<10000xi32, #tpu.memory_space<vmem>>, vector<16xi32>,
          tpu.vector_store_idx %arg8[%parallel_loop3A_192], %parallel_loop3A_190 {add = true} : memref<40960xf32, #tpu.memory_space<vmem>>[vector<16xi32>], vector<16xf32>,
          %parallel_loop3A_193 = arith.constant 16 : i32
          %parallel_loop3A_194 = arith.muli %parallel_loop3A_183, %parallel_loop3A_193 : i32
          %parallel_loop3A_195 = vector.broadcast %parallel_loop3A_194 : i32 to vector<16xi32>
          %parallel_loop3A_196 = arith.addi %parallel_loop3A_195, %iota3A : vector<16xi32>
          %parallel_loop3A_197 = arith.constant 16 : i32
          %parallel_loop3A_198 = vector.broadcast %parallel_loop3A_197 : i32 to vector<16xi32>
          %parallel_loop3A_199 = arith.muli %parallel_loop3A_196, %parallel_loop3A_198 : vector<16xi32>
          %parallel_loop3A_200 = arith.constant 0 : i32
          %parallel_loop3A_201 = vector.broadcast %parallel_loop3A_200 : i32 to vector<16xi32>
          %parallel_loop3A_202 = arith.addi %parallel_loop3A_199, %parallel_loop3A_201 : vector<16xi32>
          %parallel_loop3A_203 = tpu.vector_load_idx %arg10[%parallel_loop3A_202] : memref<1280xf32, #tpu.memory_space<vmem>>[vector<16xi32>], vector<16xf32>,
          %parallel_loop3A_204 = arith.constant 10240 : i32
          %parallel_loop3A_205 = vector.broadcast %parallel_loop3A_204 : i32 to vector<16xi32>
          %parallel_loop3A_206 = arith.addi %parallel_loop3A_192, %parallel_loop3A_205 : vector<16xi32>
          %parallel_loop3A_207 = arith.mulf %parallel_loop3A_190, %parallel_loop3A_203 : vector<16xf32>
          tpu.vector_store_idx %arg8[%parallel_loop3A_206], %parallel_loop3A_207 {add = true} : memref<40960xf32, #tpu.memory_space<vmem>>[vector<16xi32>], vector<16xf32>,
          %parallel_loop3A_208 = arith.constant 1 : i32
          %parallel_loop3A_209 = vector.broadcast %parallel_loop3A_208 : i32 to vector<16xi32>
          %parallel_loop3A_210 = arith.addi %parallel_loop3A_199, %parallel_loop3A_209 : vector<16xi32>
          %parallel_loop3A_211 = tpu.vector_load_idx %arg10[%parallel_loop3A_210] : memref<1280xf32, #tpu.memory_space<vmem>>[vector<16xi32>], vector<16xf32>,
          %parallel_loop3A_212 = arith.constant 20480 : i32
          %parallel_loop3A_213 = vector.broadcast %parallel_loop3A_212 : i32 to vector<16xi32>
          %parallel_loop3A_214 = arith.addi %parallel_loop3A_192, %parallel_loop3A_213 : vector<16xi32>
          %parallel_loop3A_215 = arith.mulf %parallel_loop3A_190, %parallel_loop3A_211 : vector<16xf32>
          tpu.vector_store_idx %arg8[%parallel_loop3A_214], %parallel_loop3A_215 {add = true} : memref<40960xf32, #tpu.memory_space<vmem>>[vector<16xi32>], vector<16xf32>,
          %parallel_loop3A_216 = arith.constant 2 : i32
          %parallel_loop3A_217 = vector.broadcast %parallel_loop3A_216 : i32 to vector<16xi32>
          %parallel_loop3A_218 = arith.addi %parallel_loop3A_199, %parallel_loop3A_217 : vector<16xi32>
          %parallel_loop3A_219 = tpu.vector_load_idx %arg10[%parallel_loop3A_218] : memref<1280xf32, #tpu.memory_space<vmem>>[vector<16xi32>], vector<16xf32>,
          %parallel_loop3A_220 = arith.constant 30720 : i32
          %parallel_loop3A_221 = vector.broadcast %parallel_loop3A_220 : i32 to vector<16xi32>
          %parallel_loop3A_222 = arith.addi %parallel_loop3A_192, %parallel_loop3A_221 : vector<16xi32>
          %parallel_loop3A_223 = arith.mulf %parallel_loop3A_190, %parallel_loop3A_219 : vector<16xf32>
          tpu.vector_store_idx %arg8[%parallel_loop3A_222], %parallel_loop3A_223 {add = true} : memref<40960xf32, #tpu.memory_space<vmem>>[vector<16xi32>], vector<16xf32>,
        } {sc.loop_unroll_factor = 1 : i64, sc.parallel_access}
      } else {
      }
      %scan3A_174 = arith.constant 0 : i32
      scf.yield %scan3A_174 : i32
    }
    %scan3A_18 = arith.constant 125 : i32
    %mul3A_19 = arith.constant 640 : i32
    %mul3A_20 = arith.muli %arg1, %mul3A_19 : i32
    "tpu.region"() ({
      %run_scoped3A_87 = tpu.sem_alloc : memref<!tpu.dma_semaphore, #tpu.memory_space<semaphore_mem>>
      %dma_start3A_88 = arith.constant 0 : i32
      %dma_start3A_89 = tpu.memref_slice %arg8[%dma_start3A_88] : memref<40960xf32, #tpu.memory_space<vmem>> -> memref<10240xf32, #tpu.memory_space<vmem>>
      %dma_start3A_90 = arith.constant 0 : i32
      %dma_start3A_91 = tpu.memref_slice %arg13[%arg1, %dma_start3A_90] : memref<16x10240xf32, #tpu.memory_space<vmem_shared>> -> memref<1x10240xf32, #tpu.memory_space<vmem_shared>>
      %dma_start3A_92 = tpu.memref_squeeze %dma_start3A_91 : memref<1x10240xf32, #tpu.memory_space<vmem_shared>> -> memref<10240xf32, #tpu.memory_space<vmem_shared>>
      %dma_start3A_93 = arith.constant 0 : i32
      %dma_start3A_94 = tpu.memref_slice %arg13[%arg1, %dma_start3A_93] : memref<16x10240xf32, #tpu.memory_space<vmem_shared>> -> memref<1x10240xf32, #tpu.memory_space<vmem_shared>>
      %dma_start3A_95 = tpu.memref_squeeze %dma_start3A_94 : memref<1x10240xf32, #tpu.memory_space<vmem_shared>> -> memref<10240xf32, #tpu.memory_space<vmem_shared>>
      %dma_start3A_96 = arith.constant 0 : i32
      %dma_start3A_97 = tpu.memref_slice %arg8[%dma_start3A_96] : memref<40960xf32, #tpu.memory_space<vmem>> -> memref<10240xf32, #tpu.memory_space<vmem>>
      tpu.enqueue_dma source(%dma_start3A_97 : memref<10240xf32, #tpu.memory_space<vmem>>) target(%dma_start3A_95 : memref<10240xf32, #tpu.memory_space<vmem_shared>>) target_semaphore(%run_scoped3A_87 : memref<!tpu.dma_semaphore, #tpu.memory_space<semaphore_mem>>)
      %dma_wait3A = arith.constant 0 : i32
      %dma_wait3A_98 = tpu.memref_slice %arg8[%dma_wait3A] : memref<40960xf32, #tpu.memory_space<vmem>> -> memref<10240xf32, #tpu.memory_space<vmem>>
      %dma_wait3A_99 = arith.constant 0 : i32
      %dma_wait3A_100 = tpu.memref_slice %arg13[%arg1, %dma_wait3A_99] : memref<16x10240xf32, #tpu.memory_space<vmem_shared>> -> memref<1x10240xf32, #tpu.memory_space<vmem_shared>>
      %dma_wait3A_101 = tpu.memref_squeeze %dma_wait3A_100 : memref<1x10240xf32, #tpu.memory_space<vmem_shared>> -> memref<10240xf32, #tpu.memory_space<vmem_shared>>
      %dma_wait3A_102 = arith.constant 0 : i32
      %dma_wait3A_103 = tpu.memref_slice %arg13[%arg1, %dma_wait3A_102] : memref<16x10240xf32, #tpu.memory_space<vmem_shared>> -> memref<1x10240xf32, #tpu.memory_space<vmem_shared>>
      %dma_wait3A_104 = tpu.memref_squeeze %dma_wait3A_103 : memref<1x10240xf32, #tpu.memory_space<vmem_shared>> -> memref<10240xf32, #tpu.memory_space<vmem_shared>>
      %dma_wait3A_105 = arith.constant 0 : i32
      %dma_wait3A_106 = tpu.memref_slice %arg8[%dma_wait3A_105] : memref<40960xf32, #tpu.memory_space<vmem>> -> memref<10240xf32, #tpu.memory_space<vmem>>
      tpu.wait_dma2 semaphore(%run_scoped3A_87 : memref<!tpu.dma_semaphore, #tpu.memory_space<semaphore_mem>>) src(%dma_wait3A_106 : memref<10240xf32, #tpu.memory_space<vmem>>) dst(%dma_wait3A_104 : memref<10240xf32, #tpu.memory_space<vmem_shared>>)
      tpu.yield
    }) : () -> ()
    %barrier3A = arith.constant 0 : index
    tpu.barrier barrier_id(%barrier3A)
    %scan3A_21 = arith.constant 0 : i32
    %scan3A_22 = arith.constant 0 : i32
    %scan3A_23 = arith.constant 40 : i32
    %scan3A_24 = arith.addi %scan3A_22, %scan3A_23 : i32
    %scan3A_25 = arith.constant 1 : i32
    %scan3A_26 = scf.for %scan3A_87 = %scan3A_22 to %scan3A_24 step %scan3A_25 iter_args(%scan3A_88 = %scan3A_21) -> (i32)  : i32 {
      %broadcast_in_dim3A = arith.constant 0.000000e+00 : f32
      %broadcast_in_dim3A_89 = vector.broadcast %broadcast_in_dim3A : f32 to vector<16xf32>
      %mul3A_90 = arith.constant 16 : i32
      %mul3A_91 = arith.muli %scan3A_87, %mul3A_90 : i32
      %swap3A = arith.index_cast %mul3A_91 : i32 to index
      %swap3A_92 = tpu.vector_load %arg12[%swap3A] {strides = array<i32>} : memref<640xf32, #tpu.memory_space<vmem>>, vector<16xf32>,
      tpu.vector_store %arg12[%swap3A], %broadcast_in_dim3A_89 {strides = array<i32>} : memref<640xf32, #tpu.memory_space<vmem>>, vector<16xf32>,
      %scan3A_93 = arith.constant 0 : i32
      scf.yield %scan3A_93 : i32
    }
    %scan3A_27 = arith.constant 40 : i32
    %scan3A_28 = arith.constant 0 : i32
    %scan3A_29 = arith.constant 0 : i32
    %scan3A_30 = arith.constant 16 : i32
    %scan3A_31 = arith.addi %scan3A_29, %scan3A_30 : i32
    %scan3A_32 = arith.constant 1 : i32
    %scan3A_33 = scf.for %scan3A_87 = %scan3A_29 to %scan3A_31 step %scan3A_32 iter_args(%scan3A_88 = %scan3A_28) -> (i32)  : i32 {
      "tpu.region"() ({
        %run_scoped3A_97 = tpu.sem_alloc : memref<!tpu.dma_semaphore, #tpu.memory_space<semaphore_mem>>
        %dma_start3A_98 = tpu.memref_slice %arg13[%scan3A_87, %mul3A_20] : memref<16x10240xf32, #tpu.memory_space<vmem_shared>> -> memref<1x640xf32, #tpu.memory_space<vmem_shared>>
        %dma_start3A_99 = tpu.memref_squeeze %dma_start3A_98 : memref<1x640xf32, #tpu.memory_space<vmem_shared>> -> memref<640xf32, #tpu.memory_space<vmem_shared>>
        %dma_start3A_100 = tpu.memref_slice %arg13[%scan3A_87, %mul3A_20] : memref<16x10240xf32, #tpu.memory_space<vmem_shared>> -> memref<1x640xf32, #tpu.memory_space<vmem_shared>>
        %dma_start3A_101 = tpu.memref_squeeze %dma_start3A_100 : memref<1x640xf32, #tpu.memory_space<vmem_shared>> -> memref<640xf32, #tpu.memory_space<vmem_shared>>
        tpu.enqueue_dma source(%dma_start3A_101 : memref<640xf32, #tpu.memory_space<vmem_shared>>) target(%arg11 : memref<640xf32, #tpu.memory_space<vmem>>) target_semaphore(%run_scoped3A_97 : memref<!tpu.dma_semaphore, #tpu.memory_space<semaphore_mem>>)
        %dma_wait3A = tpu.memref_slice %arg13[%scan3A_87, %mul3A_20] : memref<16x10240xf32, #tpu.memory_space<vmem_shared>> -> memref<1x640xf32, #tpu.memory_space<vmem_shared>>
        %dma_wait3A_102 = tpu.memref_squeeze %dma_wait3A : memref<1x640xf32, #tpu.memory_space<vmem_shared>> -> memref<640xf32, #tpu.memory_space<vmem_shared>>
        %dma_wait3A_103 = tpu.memref_slice %arg13[%scan3A_87, %mul3A_20] : memref<16x10240xf32, #tpu.memory_space<vmem_shared>> -> memref<1x640xf32, #tpu.memory_space<vmem_shared>>
        %dma_wait3A_104 = tpu.memref_squeeze %dma_wait3A_103 : memref<1x640xf32, #tpu.memory_space<vmem_shared>> -> memref<640xf32, #tpu.memory_space<vmem_shared>>
        tpu.wait_dma2 semaphore(%run_scoped3A_97 : memref<!tpu.dma_semaphore, #tpu.memory_space<semaphore_mem>>) src(%dma_wait3A_104 : memref<640xf32, #tpu.memory_space<vmem_shared>>) dst(%arg11 : memref<640xf32, #tpu.memory_space<vmem>>)
        tpu.yield
      }) : () -> ()
      %scan3A_89 = arith.constant 0 : i32
      %scan3A_90 = arith.constant 0 : i32
      %scan3A_91 = arith.constant 40 : i32
      %scan3A_92 = arith.addi %scan3A_90, %scan3A_91 : i32
      %scan3A_93 = arith.constant 1 : i32
      %scan3A_94 = scf.for %scan3A_97 = %scan3A_90 to %scan3A_92 step %scan3A_93 iter_args(%scan3A_98 = %scan3A_89) -> (i32)  : i32 {
        %mul3A_99 = arith.constant 16 : i32
        %mul3A_100 = arith.muli %scan3A_97, %mul3A_99 : i32
        %get3A = arith.index_cast %mul3A_100 : i32 to index
        %get3A_101 = tpu.vector_load %arg12[%get3A] {strides = array<i32>} : memref<640xf32, #tpu.memory_space<vmem>>, vector<16xf32>,
        %get3A_102 = arith.index_cast %mul3A_100 : i32 to index
        %get3A_103 = tpu.vector_load %arg11[%get3A_102] {strides = array<i32>} : memref<640xf32, #tpu.memory_space<vmem>>, vector<16xf32>,
        %add3A_104 = arith.addf %get3A_101, %get3A_103 : vector<16xf32>
        %swap3A = arith.index_cast %mul3A_100 : i32 to index
        %swap3A_105 = tpu.vector_load %arg12[%swap3A] {strides = array<i32>} : memref<640xf32, #tpu.memory_space<vmem>>, vector<16xf32>,
        tpu.vector_store %arg12[%swap3A], %add3A_104 {strides = array<i32>} : memref<640xf32, #tpu.memory_space<vmem>>, vector<16xf32>,
        %scan3A_106 = arith.constant 0 : i32
        scf.yield %scan3A_106 : i32
      }
      %scan3A_95 = arith.constant 40 : i32
      %scan3A_96 = arith.constant 0 : i32
      scf.yield %scan3A_96 : i32
    }
    %scan3A_34 = arith.constant 16 : i32
    %run_scoped3A = arith.constant 0 : i32
    "tpu.region"() ({
      %run_scoped3A_87 = tpu.sem_alloc : memref<!tpu.dma_semaphore, #tpu.memory_space<semaphore_mem>>
      %dma_start3A_88 = tpu.memref_slice %arg5[%arg0, %run_scoped3A, %mul3A_20] : memref<2x4x10240xf32, #tpu.memory_space<hbm>> -> memref<1x1x640xf32, #tpu.memory_space<hbm>>
      %dma_start3A_89 = tpu.memref_squeeze %dma_start3A_88 : memref<1x1x640xf32, #tpu.memory_space<hbm>> -> memref<640xf32, #tpu.memory_space<hbm>>
      %dma_start3A_90 = tpu.memref_slice %arg5[%arg0, %run_scoped3A, %mul3A_20] : memref<2x4x10240xf32, #tpu.memory_space<hbm>> -> memref<1x1x640xf32, #tpu.memory_space<hbm>>
      %dma_start3A_91 = tpu.memref_squeeze %dma_start3A_90 : memref<1x1x640xf32, #tpu.memory_space<hbm>> -> memref<640xf32, #tpu.memory_space<hbm>>
      tpu.enqueue_dma source(%arg12 : memref<640xf32, #tpu.memory_space<vmem>>) target(%dma_start3A_91 : memref<640xf32, #tpu.memory_space<hbm>>) target_semaphore(%run_scoped3A_87 : memref<!tpu.dma_semaphore, #tpu.memory_space<semaphore_mem>>)
      %dma_wait3A = tpu.memref_slice %arg5[%arg0, %run_scoped3A, %mul3A_20] : memref<2x4x10240xf32, #tpu.memory_space<hbm>> -> memref<1x1x640xf32, #tpu.memory_space<hbm>>
      %dma_wait3A_92 = tpu.memref_squeeze %dma_wait3A : memref<1x1x640xf32, #tpu.memory_space<hbm>> -> memref<640xf32, #tpu.memory_space<hbm>>
      %dma_wait3A_93 = tpu.memref_slice %arg5[%arg0, %run_scoped3A, %mul3A_20] : memref<2x4x10240xf32, #tpu.memory_space<hbm>> -> memref<1x1x640xf32, #tpu.memory_space<hbm>>
      %dma_wait3A_94 = tpu.memref_squeeze %dma_wait3A_93 : memref<1x1x640xf32, #tpu.memory_space<hbm>> -> memref<640xf32, #tpu.memory_space<hbm>>
      tpu.wait_dma2 semaphore(%run_scoped3A_87 : memref<!tpu.dma_semaphore, #tpu.memory_space<semaphore_mem>>) src(%arg12 : memref<640xf32, #tpu.memory_space<vmem>>) dst(%dma_wait3A_94 : memref<640xf32, #tpu.memory_space<hbm>>)
      tpu.yield
    }) : () -> ()
    %barrier3A_35 = arith.constant 0 : index
    tpu.barrier barrier_id(%barrier3A_35)
    "tpu.region"() ({
      %run_scoped3A_87 = tpu.sem_alloc : memref<!tpu.dma_semaphore, #tpu.memory_space<semaphore_mem>>
      %dma_start3A_88 = arith.constant 10240 : i32
      %dma_start3A_89 = tpu.memref_slice %arg8[%dma_start3A_88] : memref<40960xf32, #tpu.memory_space<vmem>> -> memref<10240xf32, #tpu.memory_space<vmem>>
      %dma_start3A_90 = arith.constant 0 : i32
      %dma_start3A_91 = tpu.memref_slice %arg13[%arg1, %dma_start3A_90] : memref<16x10240xf32, #tpu.memory_space<vmem_shared>> -> memref<1x10240xf32, #tpu.memory_space<vmem_shared>>
      %dma_start3A_92 = tpu.memref_squeeze %dma_start3A_91 : memref<1x10240xf32, #tpu.memory_space<vmem_shared>> -> memref<10240xf32, #tpu.memory_space<vmem_shared>>
      %dma_start3A_93 = arith.constant 0 : i32
      %dma_start3A_94 = tpu.memref_slice %arg13[%arg1, %dma_start3A_93] : memref<16x10240xf32, #tpu.memory_space<vmem_shared>> -> memref<1x10240xf32, #tpu.memory_space<vmem_shared>>
      %dma_start3A_95 = tpu.memref_squeeze %dma_start3A_94 : memref<1x10240xf32, #tpu.memory_space<vmem_shared>> -> memref<10240xf32, #tpu.memory_space<vmem_shared>>
      %dma_start3A_96 = arith.constant 10240 : i32
      %dma_start3A_97 = tpu.memref_slice %arg8[%dma_start3A_96] : memref<40960xf32, #tpu.memory_space<vmem>> -> memref<10240xf32, #tpu.memory_space<vmem>>
      tpu.enqueue_dma source(%dma_start3A_97 : memref<10240xf32, #tpu.memory_space<vmem>>) target(%dma_start3A_95 : memref<10240xf32, #tpu.memory_space<vmem_shared>>) target_semaphore(%run_scoped3A_87 : memref<!tpu.dma_semaphore, #tpu.memory_space<semaphore_mem>>)
      %dma_wait3A = arith.constant 10240 : i32
      %dma_wait3A_98 = tpu.memref_slice %arg8[%dma_wait3A] : memref<40960xf32, #tpu.memory_space<vmem>> -> memref<10240xf32, #tpu.memory_space<vmem>>
      %dma_wait3A_99 = arith.constant 0 : i32
      %dma_wait3A_100 = tpu.memref_slice %arg13[%arg1, %dma_wait3A_99] : memref<16x10240xf32, #tpu.memory_space<vmem_shared>> -> memref<1x10240xf32, #tpu.memory_space<vmem_shared>>
      %dma_wait3A_101 = tpu.memref_squeeze %dma_wait3A_100 : memref<1x10240xf32, #tpu.memory_space<vmem_shared>> -> memref<10240xf32, #tpu.memory_space<vmem_shared>>
      %dma_wait3A_102 = arith.constant 0 : i32
      %dma_wait3A_103 = tpu.memref_slice %arg13[%arg1, %dma_wait3A_102] : memref<16x10240xf32, #tpu.memory_space<vmem_shared>> -> memref<1x10240xf32, #tpu.memory_space<vmem_shared>>
      %dma_wait3A_104 = tpu.memref_squeeze %dma_wait3A_103 : memref<1x10240xf32, #tpu.memory_space<vmem_shared>> -> memref<10240xf32, #tpu.memory_space<vmem_shared>>
      %dma_wait3A_105 = arith.constant 10240 : i32
      %dma_wait3A_106 = tpu.memref_slice %arg8[%dma_wait3A_105] : memref<40960xf32, #tpu.memory_space<vmem>> -> memref<10240xf32, #tpu.memory_space<vmem>>
      tpu.wait_dma2 semaphore(%run_scoped3A_87 : memref<!tpu.dma_semaphore, #tpu.memory_space<semaphore_mem>>) src(%dma_wait3A_106 : memref<10240xf32, #tpu.memory_space<vmem>>) dst(%dma_wait3A_104 : memref<10240xf32, #tpu.memory_space<vmem_shared>>)
      tpu.yield
    }) : () -> ()
    %barrier3A_36 = arith.constant 0 : index
    tpu.barrier barrier_id(%barrier3A_36)
    %scan3A_37 = arith.constant 0 : i32
    %scan3A_38 = arith.constant 0 : i32
    %scan3A_39 = arith.constant 40 : i32
    %scan3A_40 = arith.addi %scan3A_38, %scan3A_39 : i32
    %scan3A_41 = arith.constant 1 : i32
    %scan3A_42 = scf.for %scan3A_87 = %scan3A_38 to %scan3A_40 step %scan3A_41 iter_args(%scan3A_88 = %scan3A_37) -> (i32)  : i32 {
      %broadcast_in_dim3A = arith.constant 0.000000e+00 : f32
      %broadcast_in_dim3A_89 = vector.broadcast %broadcast_in_dim3A : f32 to vector<16xf32>
      %mul3A_90 = arith.constant 16 : i32
      %mul3A_91 = arith.muli %scan3A_87, %mul3A_90 : i32
      %swap3A = arith.index_cast %mul3A_91 : i32 to index
      %swap3A_92 = tpu.vector_load %arg12[%swap3A] {strides = array<i32>} : memref<640xf32, #tpu.memory_space<vmem>>, vector<16xf32>,
      tpu.vector_store %arg12[%swap3A], %broadcast_in_dim3A_89 {strides = array<i32>} : memref<640xf32, #tpu.memory_space<vmem>>, vector<16xf32>,
      %scan3A_93 = arith.constant 0 : i32
      scf.yield %scan3A_93 : i32
    }
    %scan3A_43 = arith.constant 40 : i32
    %scan3A_44 = arith.constant 0 : i32
    %scan3A_45 = arith.constant 0 : i32
    %scan3A_46 = arith.constant 16 : i32
    %scan3A_47 = arith.addi %scan3A_45, %scan3A_46 : i32
    %scan3A_48 = arith.constant 1 : i32
    %scan3A_49 = scf.for %scan3A_87 = %scan3A_45 to %scan3A_47 step %scan3A_48 iter_args(%scan3A_88 = %scan3A_44) -> (i32)  : i32 {
      "tpu.region"() ({
        %run_scoped3A_97 = tpu.sem_alloc : memref<!tpu.dma_semaphore, #tpu.memory_space<semaphore_mem>>
        %dma_start3A_98 = tpu.memref_slice %arg13[%scan3A_87, %mul3A_20] : memref<16x10240xf32, #tpu.memory_space<vmem_shared>> -> memref<1x640xf32, #tpu.memory_space<vmem_shared>>
        %dma_start3A_99 = tpu.memref_squeeze %dma_start3A_98 : memref<1x640xf32, #tpu.memory_space<vmem_shared>> -> memref<640xf32, #tpu.memory_space<vmem_shared>>
        %dma_start3A_100 = tpu.memref_slice %arg13[%scan3A_87, %mul3A_20] : memref<16x10240xf32, #tpu.memory_space<vmem_shared>> -> memref<1x640xf32, #tpu.memory_space<vmem_shared>>
        %dma_start3A_101 = tpu.memref_squeeze %dma_start3A_100 : memref<1x640xf32, #tpu.memory_space<vmem_shared>> -> memref<640xf32, #tpu.memory_space<vmem_shared>>
        tpu.enqueue_dma source(%dma_start3A_101 : memref<640xf32, #tpu.memory_space<vmem_shared>>) target(%arg11 : memref<640xf32, #tpu.memory_space<vmem>>) target_semaphore(%run_scoped3A_97 : memref<!tpu.dma_semaphore, #tpu.memory_space<semaphore_mem>>)
        %dma_wait3A = tpu.memref_slice %arg13[%scan3A_87, %mul3A_20] : memref<16x10240xf32, #tpu.memory_space<vmem_shared>> -> memref<1x640xf32, #tpu.memory_space<vmem_shared>>
        %dma_wait3A_102 = tpu.memref_squeeze %dma_wait3A : memref<1x640xf32, #tpu.memory_space<vmem_shared>> -> memref<640xf32, #tpu.memory_space<vmem_shared>>
        %dma_wait3A_103 = tpu.memref_slice %arg13[%scan3A_87, %mul3A_20] : memref<16x10240xf32, #tpu.memory_space<vmem_shared>> -> memref<1x640xf32, #tpu.memory_space<vmem_shared>>
        %dma_wait3A_104 = tpu.memref_squeeze %dma_wait3A_103 : memref<1x640xf32, #tpu.memory_space<vmem_shared>> -> memref<640xf32, #tpu.memory_space<vmem_shared>>
        tpu.wait_dma2 semaphore(%run_scoped3A_97 : memref<!tpu.dma_semaphore, #tpu.memory_space<semaphore_mem>>) src(%dma_wait3A_104 : memref<640xf32, #tpu.memory_space<vmem_shared>>) dst(%arg11 : memref<640xf32, #tpu.memory_space<vmem>>)
        tpu.yield
      }) : () -> ()
      %scan3A_89 = arith.constant 0 : i32
      %scan3A_90 = arith.constant 0 : i32
      %scan3A_91 = arith.constant 40 : i32
      %scan3A_92 = arith.addi %scan3A_90, %scan3A_91 : i32
      %scan3A_93 = arith.constant 1 : i32
      %scan3A_94 = scf.for %scan3A_97 = %scan3A_90 to %scan3A_92 step %scan3A_93 iter_args(%scan3A_98 = %scan3A_89) -> (i32)  : i32 {
        %mul3A_99 = arith.constant 16 : i32
        %mul3A_100 = arith.muli %scan3A_97, %mul3A_99 : i32
        %get3A = arith.index_cast %mul3A_100 : i32 to index
        %get3A_101 = tpu.vector_load %arg12[%get3A] {strides = array<i32>} : memref<640xf32, #tpu.memory_space<vmem>>, vector<16xf32>,
        %get3A_102 = arith.index_cast %mul3A_100 : i32 to index
        %get3A_103 = tpu.vector_load %arg11[%get3A_102] {strides = array<i32>} : memref<640xf32, #tpu.memory_space<vmem>>, vector<16xf32>,
        %add3A_104 = arith.addf %get3A_101, %get3A_103 : vector<16xf32>
        %swap3A = arith.index_cast %mul3A_100 : i32 to index
        %swap3A_105 = tpu.vector_load %arg12[%swap3A] {strides = array<i32>} : memref<640xf32, #tpu.memory_space<vmem>>, vector<16xf32>,
        tpu.vector_store %arg12[%swap3A], %add3A_104 {strides = array<i32>} : memref<640xf32, #tpu.memory_space<vmem>>, vector<16xf32>,
        %scan3A_106 = arith.constant 0 : i32
        scf.yield %scan3A_106 : i32
      }
      %scan3A_95 = arith.constant 40 : i32
      %scan3A_96 = arith.constant 0 : i32
      scf.yield %scan3A_96 : i32
    }
    %scan3A_50 = arith.constant 16 : i32
    %run_scoped3A_51 = arith.constant 1 : i32
    "tpu.region"() ({
      %run_scoped3A_87 = tpu.sem_alloc : memref<!tpu.dma_semaphore, #tpu.memory_space<semaphore_mem>>
      %dma_start3A_88 = tpu.memref_slice %arg5[%arg0, %run_scoped3A_51, %mul3A_20] : memref<2x4x10240xf32, #tpu.memory_space<hbm>> -> memref<1x1x640xf32, #tpu.memory_space<hbm>>
      %dma_start3A_89 = tpu.memref_squeeze %dma_start3A_88 : memref<1x1x640xf32, #tpu.memory_space<hbm>> -> memref<640xf32, #tpu.memory_space<hbm>>
      %dma_start3A_90 = tpu.memref_slice %arg5[%arg0, %run_scoped3A_51, %mul3A_20] : memref<2x4x10240xf32, #tpu.memory_space<hbm>> -> memref<1x1x640xf32, #tpu.memory_space<hbm>>
      %dma_start3A_91 = tpu.memref_squeeze %dma_start3A_90 : memref<1x1x640xf32, #tpu.memory_space<hbm>> -> memref<640xf32, #tpu.memory_space<hbm>>
      tpu.enqueue_dma source(%arg12 : memref<640xf32, #tpu.memory_space<vmem>>) target(%dma_start3A_91 : memref<640xf32, #tpu.memory_space<hbm>>) target_semaphore(%run_scoped3A_87 : memref<!tpu.dma_semaphore, #tpu.memory_space<semaphore_mem>>)
      %dma_wait3A = tpu.memref_slice %arg5[%arg0, %run_scoped3A_51, %mul3A_20] : memref<2x4x10240xf32, #tpu.memory_space<hbm>> -> memref<1x1x640xf32, #tpu.memory_space<hbm>>
      %dma_wait3A_92 = tpu.memref_squeeze %dma_wait3A : memref<1x1x640xf32, #tpu.memory_space<hbm>> -> memref<640xf32, #tpu.memory_space<hbm>>
      %dma_wait3A_93 = tpu.memref_slice %arg5[%arg0, %run_scoped3A_51, %mul3A_20] : memref<2x4x10240xf32, #tpu.memory_space<hbm>> -> memref<1x1x640xf32, #tpu.memory_space<hbm>>
      %dma_wait3A_94 = tpu.memref_squeeze %dma_wait3A_93 : memref<1x1x640xf32, #tpu.memory_space<hbm>> -> memref<640xf32, #tpu.memory_space<hbm>>
      tpu.wait_dma2 semaphore(%run_scoped3A_87 : memref<!tpu.dma_semaphore, #tpu.memory_space<semaphore_mem>>) src(%arg12 : memref<640xf32, #tpu.memory_space<vmem>>) dst(%dma_wait3A_94 : memref<640xf32, #tpu.memory_space<hbm>>)
      tpu.yield
    }) : () -> ()
    %barrier3A_52 = arith.constant 0 : index
    tpu.barrier barrier_id(%barrier3A_52)
    "tpu.region"() ({
      %run_scoped3A_87 = tpu.sem_alloc : memref<!tpu.dma_semaphore, #tpu.memory_space<semaphore_mem>>
      %dma_start3A_88 = arith.constant 20480 : i32
      %dma_start3A_89 = tpu.memref_slice %arg8[%dma_start3A_88] : memref<40960xf32, #tpu.memory_space<vmem>> -> memref<10240xf32, #tpu.memory_space<vmem>>
      %dma_start3A_90 = arith.constant 0 : i32
      %dma_start3A_91 = tpu.memref_slice %arg13[%arg1, %dma_start3A_90] : memref<16x10240xf32, #tpu.memory_space<vmem_shared>> -> memref<1x10240xf32, #tpu.memory_space<vmem_shared>>
      %dma_start3A_92 = tpu.memref_squeeze %dma_start3A_91 : memref<1x10240xf32, #tpu.memory_space<vmem_shared>> -> memref<10240xf32, #tpu.memory_space<vmem_shared>>
      %dma_start3A_93 = arith.constant 0 : i32
      %dma_start3A_94 = tpu.memref_slice %arg13[%arg1, %dma_start3A_93] : memref<16x10240xf32, #tpu.memory_space<vmem_shared>> -> memref<1x10240xf32, #tpu.memory_space<vmem_shared>>
      %dma_start3A_95 = tpu.memref_squeeze %dma_start3A_94 : memref<1x10240xf32, #tpu.memory_space<vmem_shared>> -> memref<10240xf32, #tpu.memory_space<vmem_shared>>
      %dma_start3A_96 = arith.constant 20480 : i32
      %dma_start3A_97 = tpu.memref_slice %arg8[%dma_start3A_96] : memref<40960xf32, #tpu.memory_space<vmem>> -> memref<10240xf32, #tpu.memory_space<vmem>>
      tpu.enqueue_dma source(%dma_start3A_97 : memref<10240xf32, #tpu.memory_space<vmem>>) target(%dma_start3A_95 : memref<10240xf32, #tpu.memory_space<vmem_shared>>) target_semaphore(%run_scoped3A_87 : memref<!tpu.dma_semaphore, #tpu.memory_space<semaphore_mem>>)
      %dma_wait3A = arith.constant 20480 : i32
      %dma_wait3A_98 = tpu.memref_slice %arg8[%dma_wait3A] : memref<40960xf32, #tpu.memory_space<vmem>> -> memref<10240xf32, #tpu.memory_space<vmem>>
      %dma_wait3A_99 = arith.constant 0 : i32
      %dma_wait3A_100 = tpu.memref_slice %arg13[%arg1, %dma_wait3A_99] : memref<16x10240xf32, #tpu.memory_space<vmem_shared>> -> memref<1x10240xf32, #tpu.memory_space<vmem_shared>>
      %dma_wait3A_101 = tpu.memref_squeeze %dma_wait3A_100 : memref<1x10240xf32, #tpu.memory_space<vmem_shared>> -> memref<10240xf32, #tpu.memory_space<vmem_shared>>
      %dma_wait3A_102 = arith.constant 0 : i32
      %dma_wait3A_103 = tpu.memref_slice %arg13[%arg1, %dma_wait3A_102] : memref<16x10240xf32, #tpu.memory_space<vmem_shared>> -> memref<1x10240xf32, #tpu.memory_space<vmem_shared>>
      %dma_wait3A_104 = tpu.memref_squeeze %dma_wait3A_103 : memref<1x10240xf32, #tpu.memory_space<vmem_shared>> -> memref<10240xf32, #tpu.memory_space<vmem_shared>>
      %dma_wait3A_105 = arith.constant 20480 : i32
      %dma_wait3A_106 = tpu.memref_slice %arg8[%dma_wait3A_105] : memref<40960xf32, #tpu.memory_space<vmem>> -> memref<10240xf32, #tpu.memory_space<vmem>>
      tpu.wait_dma2 semaphore(%run_scoped3A_87 : memref<!tpu.dma_semaphore, #tpu.memory_space<semaphore_mem>>) src(%dma_wait3A_106 : memref<10240xf32, #tpu.memory_space<vmem>>) dst(%dma_wait3A_104 : memref<10240xf32, #tpu.memory_space<vmem_shared>>)
      tpu.yield
    }) : () -> ()
    %barrier3A_53 = arith.constant 0 : index
    tpu.barrier barrier_id(%barrier3A_53)
    %scan3A_54 = arith.constant 0 : i32
    %scan3A_55 = arith.constant 0 : i32
    %scan3A_56 = arith.constant 40 : i32
    %scan3A_57 = arith.addi %scan3A_55, %scan3A_56 : i32
    %scan3A_58 = arith.constant 1 : i32
    %scan3A_59 = scf.for %scan3A_87 = %scan3A_55 to %scan3A_57 step %scan3A_58 iter_args(%scan3A_88 = %scan3A_54) -> (i32)  : i32 {
      %broadcast_in_dim3A = arith.constant 0.000000e+00 : f32
      %broadcast_in_dim3A_89 = vector.broadcast %broadcast_in_dim3A : f32 to vector<16xf32>
      %mul3A_90 = arith.constant 16 : i32
      %mul3A_91 = arith.muli %scan3A_87, %mul3A_90 : i32
      %swap3A = arith.index_cast %mul3A_91 : i32 to index
      %swap3A_92 = tpu.vector_load %arg12[%swap3A] {strides = array<i32>} : memref<640xf32, #tpu.memory_space<vmem>>, vector<16xf32>,
      tpu.vector_store %arg12[%swap3A], %broadcast_in_dim3A_89 {strides = array<i32>} : memref<640xf32, #tpu.memory_space<vmem>>, vector<16xf32>,
      %scan3A_93 = arith.constant 0 : i32
      scf.yield %scan3A_93 : i32
    }
    %scan3A_60 = arith.constant 40 : i32
    %scan3A_61 = arith.constant 0 : i32
    %scan3A_62 = arith.constant 0 : i32
    %scan3A_63 = arith.constant 16 : i32
    %scan3A_64 = arith.addi %scan3A_62, %scan3A_63 : i32
    %scan3A_65 = arith.constant 1 : i32
    %scan3A_66 = scf.for %scan3A_87 = %scan3A_62 to %scan3A_64 step %scan3A_65 iter_args(%scan3A_88 = %scan3A_61) -> (i32)  : i32 {
      "tpu.region"() ({
        %run_scoped3A_97 = tpu.sem_alloc : memref<!tpu.dma_semaphore, #tpu.memory_space<semaphore_mem>>
        %dma_start3A_98 = tpu.memref_slice %arg13[%scan3A_87, %mul3A_20] : memref<16x10240xf32, #tpu.memory_space<vmem_shared>> -> memref<1x640xf32, #tpu.memory_space<vmem_shared>>
        %dma_start3A_99 = tpu.memref_squeeze %dma_start3A_98 : memref<1x640xf32, #tpu.memory_space<vmem_shared>> -> memref<640xf32, #tpu.memory_space<vmem_shared>>
        %dma_start3A_100 = tpu.memref_slice %arg13[%scan3A_87, %mul3A_20] : memref<16x10240xf32, #tpu.memory_space<vmem_shared>> -> memref<1x640xf32, #tpu.memory_space<vmem_shared>>
        %dma_start3A_101 = tpu.memref_squeeze %dma_start3A_100 : memref<1x640xf32, #tpu.memory_space<vmem_shared>> -> memref<640xf32, #tpu.memory_space<vmem_shared>>
        tpu.enqueue_dma source(%dma_start3A_101 : memref<640xf32, #tpu.memory_space<vmem_shared>>) target(%arg11 : memref<640xf32, #tpu.memory_space<vmem>>) target_semaphore(%run_scoped3A_97 : memref<!tpu.dma_semaphore, #tpu.memory_space<semaphore_mem>>)
        %dma_wait3A = tpu.memref_slice %arg13[%scan3A_87, %mul3A_20] : memref<16x10240xf32, #tpu.memory_space<vmem_shared>> -> memref<1x640xf32, #tpu.memory_space<vmem_shared>>
        %dma_wait3A_102 = tpu.memref_squeeze %dma_wait3A : memref<1x640xf32, #tpu.memory_space<vmem_shared>> -> memref<640xf32, #tpu.memory_space<vmem_shared>>
        %dma_wait3A_103 = tpu.memref_slice %arg13[%scan3A_87, %mul3A_20] : memref<16x10240xf32, #tpu.memory_space<vmem_shared>> -> memref<1x640xf32, #tpu.memory_space<vmem_shared>>
        %dma_wait3A_104 = tpu.memref_squeeze %dma_wait3A_103 : memref<1x640xf32, #tpu.memory_space<vmem_shared>> -> memref<640xf32, #tpu.memory_space<vmem_shared>>
        tpu.wait_dma2 semaphore(%run_scoped3A_97 : memref<!tpu.dma_semaphore, #tpu.memory_space<semaphore_mem>>) src(%dma_wait3A_104 : memref<640xf32, #tpu.memory_space<vmem_shared>>) dst(%arg11 : memref<640xf32, #tpu.memory_space<vmem>>)
        tpu.yield
      }) : () -> ()
      %scan3A_89 = arith.constant 0 : i32
      %scan3A_90 = arith.constant 0 : i32
      %scan3A_91 = arith.constant 40 : i32
      %scan3A_92 = arith.addi %scan3A_90, %scan3A_91 : i32
      %scan3A_93 = arith.constant 1 : i32
      %scan3A_94 = scf.for %scan3A_97 = %scan3A_90 to %scan3A_92 step %scan3A_93 iter_args(%scan3A_98 = %scan3A_89) -> (i32)  : i32 {
        %mul3A_99 = arith.constant 16 : i32
        %mul3A_100 = arith.muli %scan3A_97, %mul3A_99 : i32
        %get3A = arith.index_cast %mul3A_100 : i32 to index
        %get3A_101 = tpu.vector_load %arg12[%get3A] {strides = array<i32>} : memref<640xf32, #tpu.memory_space<vmem>>, vector<16xf32>,
        %get3A_102 = arith.index_cast %mul3A_100 : i32 to index
        %get3A_103 = tpu.vector_load %arg11[%get3A_102] {strides = array<i32>} : memref<640xf32, #tpu.memory_space<vmem>>, vector<16xf32>,
        %add3A_104 = arith.addf %get3A_101, %get3A_103 : vector<16xf32>
        %swap3A = arith.index_cast %mul3A_100 : i32 to index
        %swap3A_105 = tpu.vector_load %arg12[%swap3A] {strides = array<i32>} : memref<640xf32, #tpu.memory_space<vmem>>, vector<16xf32>,
        tpu.vector_store %arg12[%swap3A], %add3A_104 {strides = array<i32>} : memref<640xf32, #tpu.memory_space<vmem>>, vector<16xf32>,
        %scan3A_106 = arith.constant 0 : i32
        scf.yield %scan3A_106 : i32
      }
      %scan3A_95 = arith.constant 40 : i32
      %scan3A_96 = arith.constant 0 : i32
      scf.yield %scan3A_96 : i32
    }
    %scan3A_67 = arith.constant 16 : i32
    %run_scoped3A_68 = arith.constant 2 : i32
    "tpu.region"() ({
      %run_scoped3A_87 = tpu.sem_alloc : memref<!tpu.dma_semaphore, #tpu.memory_space<semaphore_mem>>
      %dma_start3A_88 = tpu.memref_slice %arg5[%arg0, %run_scoped3A_68, %mul3A_20] : memref<2x4x10240xf32, #tpu.memory_space<hbm>> -> memref<1x1x640xf32, #tpu.memory_space<hbm>>
      %dma_start3A_89 = tpu.memref_squeeze %dma_start3A_88 : memref<1x1x640xf32, #tpu.memory_space<hbm>> -> memref<640xf32, #tpu.memory_space<hbm>>
      %dma_start3A_90 = tpu.memref_slice %arg5[%arg0, %run_scoped3A_68, %mul3A_20] : memref<2x4x10240xf32, #tpu.memory_space<hbm>> -> memref<1x1x640xf32, #tpu.memory_space<hbm>>
      %dma_start3A_91 = tpu.memref_squeeze %dma_start3A_90 : memref<1x1x640xf32, #tpu.memory_space<hbm>> -> memref<640xf32, #tpu.memory_space<hbm>>
      tpu.enqueue_dma source(%arg12 : memref<640xf32, #tpu.memory_space<vmem>>) target(%dma_start3A_91 : memref<640xf32, #tpu.memory_space<hbm>>) target_semaphore(%run_scoped3A_87 : memref<!tpu.dma_semaphore, #tpu.memory_space<semaphore_mem>>)
      %dma_wait3A = tpu.memref_slice %arg5[%arg0, %run_scoped3A_68, %mul3A_20] : memref<2x4x10240xf32, #tpu.memory_space<hbm>> -> memref<1x1x640xf32, #tpu.memory_space<hbm>>
      %dma_wait3A_92 = tpu.memref_squeeze %dma_wait3A : memref<1x1x640xf32, #tpu.memory_space<hbm>> -> memref<640xf32, #tpu.memory_space<hbm>>
      %dma_wait3A_93 = tpu.memref_slice %arg5[%arg0, %run_scoped3A_68, %mul3A_20] : memref<2x4x10240xf32, #tpu.memory_space<hbm>> -> memref<1x1x640xf32, #tpu.memory_space<hbm>>
      %dma_wait3A_94 = tpu.memref_squeeze %dma_wait3A_93 : memref<1x1x640xf32, #tpu.memory_space<hbm>> -> memref<640xf32, #tpu.memory_space<hbm>>
      tpu.wait_dma2 semaphore(%run_scoped3A_87 : memref<!tpu.dma_semaphore, #tpu.memory_space<semaphore_mem>>) src(%arg12 : memref<640xf32, #tpu.memory_space<vmem>>) dst(%dma_wait3A_94 : memref<640xf32, #tpu.memory_space<hbm>>)
      tpu.yield
    }) : () -> ()
    %barrier3A_69 = arith.constant 0 : index
    tpu.barrier barrier_id(%barrier3A_69)
    "tpu.region"() ({
      %run_scoped3A_87 = tpu.sem_alloc : memref<!tpu.dma_semaphore, #tpu.memory_space<semaphore_mem>>
      %dma_start3A_88 = arith.constant 30720 : i32
      %dma_start3A_89 = tpu.memref_slice %arg8[%dma_start3A_88] : memref<40960xf32, #tpu.memory_space<vmem>> -> memref<10240xf32, #tpu.memory_space<vmem>>
      %dma_start3A_90 = arith.constant 0 : i32
      %dma_start3A_91 = tpu.memref_slice %arg13[%arg1, %dma_start3A_90] : memref<16x10240xf32, #tpu.memory_space<vmem_shared>> -> memref<1x10240xf32, #tpu.memory_space<vmem_shared>>
      %dma_start3A_92 = tpu.memref_squeeze %dma_start3A_91 : memref<1x10240xf32, #tpu.memory_space<vmem_shared>> -> memref<10240xf32, #tpu.memory_space<vmem_shared>>
      %dma_start3A_93 = arith.constant 0 : i32
      %dma_start3A_94 = tpu.memref_slice %arg13[%arg1, %dma_start3A_93] : memref<16x10240xf32, #tpu.memory_space<vmem_shared>> -> memref<1x10240xf32, #tpu.memory_space<vmem_shared>>
      %dma_start3A_95 = tpu.memref_squeeze %dma_start3A_94 : memref<1x10240xf32, #tpu.memory_space<vmem_shared>> -> memref<10240xf32, #tpu.memory_space<vmem_shared>>
      %dma_start3A_96 = arith.constant 30720 : i32
      %dma_start3A_97 = tpu.memref_slice %arg8[%dma_start3A_96] : memref<40960xf32, #tpu.memory_space<vmem>> -> memref<10240xf32, #tpu.memory_space<vmem>>
      tpu.enqueue_dma source(%dma_start3A_97 : memref<10240xf32, #tpu.memory_space<vmem>>) target(%dma_start3A_95 : memref<10240xf32, #tpu.memory_space<vmem_shared>>) target_semaphore(%run_scoped3A_87 : memref<!tpu.dma_semaphore, #tpu.memory_space<semaphore_mem>>)
      %dma_wait3A = arith.constant 30720 : i32
      %dma_wait3A_98 = tpu.memref_slice %arg8[%dma_wait3A] : memref<40960xf32, #tpu.memory_space<vmem>> -> memref<10240xf32, #tpu.memory_space<vmem>>
      %dma_wait3A_99 = arith.constant 0 : i32
      %dma_wait3A_100 = tpu.memref_slice %arg13[%arg1, %dma_wait3A_99] : memref<16x10240xf32, #tpu.memory_space<vmem_shared>> -> memref<1x10240xf32, #tpu.memory_space<vmem_shared>>
      %dma_wait3A_101 = tpu.memref_squeeze %dma_wait3A_100 : memref<1x10240xf32, #tpu.memory_space<vmem_shared>> -> memref<10240xf32, #tpu.memory_space<vmem_shared>>
      %dma_wait3A_102 = arith.constant 0 : i32
      %dma_wait3A_103 = tpu.memref_slice %arg13[%arg1, %dma_wait3A_102] : memref<16x10240xf32, #tpu.memory_space<vmem_shared>> -> memref<1x10240xf32, #tpu.memory_space<vmem_shared>>
      %dma_wait3A_104 = tpu.memref_squeeze %dma_wait3A_103 : memref<1x10240xf32, #tpu.memory_space<vmem_shared>> -> memref<10240xf32, #tpu.memory_space<vmem_shared>>
      %dma_wait3A_105 = arith.constant 30720 : i32
      %dma_wait3A_106 = tpu.memref_slice %arg8[%dma_wait3A_105] : memref<40960xf32, #tpu.memory_space<vmem>> -> memref<10240xf32, #tpu.memory_space<vmem>>
      tpu.wait_dma2 semaphore(%run_scoped3A_87 : memref<!tpu.dma_semaphore, #tpu.memory_space<semaphore_mem>>) src(%dma_wait3A_106 : memref<10240xf32, #tpu.memory_space<vmem>>) dst(%dma_wait3A_104 : memref<10240xf32, #tpu.memory_space<vmem_shared>>)
      tpu.yield
    }) : () -> ()
    %barrier3A_70 = arith.constant 0 : index
    tpu.barrier barrier_id(%barrier3A_70)
    %scan3A_71 = arith.constant 0 : i32
    %scan3A_72 = arith.constant 0 : i32
    %scan3A_73 = arith.constant 40 : i32
    %scan3A_74 = arith.addi %scan3A_72, %scan3A_73 : i32
    %scan3A_75 = arith.constant 1 : i32
    %scan3A_76 = scf.for %scan3A_87 = %scan3A_72 to %scan3A_74 step %scan3A_75 iter_args(%scan3A_88 = %scan3A_71) -> (i32)  : i32 {
      %broadcast_in_dim3A = arith.constant 0.000000e+00 : f32
      %broadcast_in_dim3A_89 = vector.broadcast %broadcast_in_dim3A : f32 to vector<16xf32>
      %mul3A_90 = arith.constant 16 : i32
      %mul3A_91 = arith.muli %scan3A_87, %mul3A_90 : i32
      %swap3A = arith.index_cast %mul3A_91 : i32 to index
      %swap3A_92 = tpu.vector_load %arg12[%swap3A] {strides = array<i32>} : memref<640xf32, #tpu.memory_space<vmem>>, vector<16xf32>,
      tpu.vector_store %arg12[%swap3A], %broadcast_in_dim3A_89 {strides = array<i32>} : memref<640xf32, #tpu.memory_space<vmem>>, vector<16xf32>,
      %scan3A_93 = arith.constant 0 : i32
      scf.yield %scan3A_93 : i32
    }
    %scan3A_77 = arith.constant 40 : i32
    %scan3A_78 = arith.constant 0 : i32
    %scan3A_79 = arith.constant 0 : i32
    %scan3A_80 = arith.constant 16 : i32
    %scan3A_81 = arith.addi %scan3A_79, %scan3A_80 : i32
    %scan3A_82 = arith.constant 1 : i32
    %scan3A_83 = scf.for %scan3A_87 = %scan3A_79 to %scan3A_81 step %scan3A_82 iter_args(%scan3A_88 = %scan3A_78) -> (i32)  : i32 {
      "tpu.region"() ({
        %run_scoped3A_97 = tpu.sem_alloc : memref<!tpu.dma_semaphore, #tpu.memory_space<semaphore_mem>>
        %dma_start3A_98 = tpu.memref_slice %arg13[%scan3A_87, %mul3A_20] : memref<16x10240xf32, #tpu.memory_space<vmem_shared>> -> memref<1x640xf32, #tpu.memory_space<vmem_shared>>
        %dma_start3A_99 = tpu.memref_squeeze %dma_start3A_98 : memref<1x640xf32, #tpu.memory_space<vmem_shared>> -> memref<640xf32, #tpu.memory_space<vmem_shared>>
        %dma_start3A_100 = tpu.memref_slice %arg13[%scan3A_87, %mul3A_20] : memref<16x10240xf32, #tpu.memory_space<vmem_shared>> -> memref<1x640xf32, #tpu.memory_space<vmem_shared>>
        %dma_start3A_101 = tpu.memref_squeeze %dma_start3A_100 : memref<1x640xf32, #tpu.memory_space<vmem_shared>> -> memref<640xf32, #tpu.memory_space<vmem_shared>>
        tpu.enqueue_dma source(%dma_start3A_101 : memref<640xf32, #tpu.memory_space<vmem_shared>>) target(%arg11 : memref<640xf32, #tpu.memory_space<vmem>>) target_semaphore(%run_scoped3A_97 : memref<!tpu.dma_semaphore, #tpu.memory_space<semaphore_mem>>)
        %dma_wait3A = tpu.memref_slice %arg13[%scan3A_87, %mul3A_20] : memref<16x10240xf32, #tpu.memory_space<vmem_shared>> -> memref<1x640xf32, #tpu.memory_space<vmem_shared>>
        %dma_wait3A_102 = tpu.memref_squeeze %dma_wait3A : memref<1x640xf32, #tpu.memory_space<vmem_shared>> -> memref<640xf32, #tpu.memory_space<vmem_shared>>
        %dma_wait3A_103 = tpu.memref_slice %arg13[%scan3A_87, %mul3A_20] : memref<16x10240xf32, #tpu.memory_space<vmem_shared>> -> memref<1x640xf32, #tpu.memory_space<vmem_shared>>
        %dma_wait3A_104 = tpu.memref_squeeze %dma_wait3A_103 : memref<1x640xf32, #tpu.memory_space<vmem_shared>> -> memref<640xf32, #tpu.memory_space<vmem_shared>>
        tpu.wait_dma2 semaphore(%run_scoped3A_97 : memref<!tpu.dma_semaphore, #tpu.memory_space<semaphore_mem>>) src(%dma_wait3A_104 : memref<640xf32, #tpu.memory_space<vmem_shared>>) dst(%arg11 : memref<640xf32, #tpu.memory_space<vmem>>)
        tpu.yield
      }) : () -> ()
      %scan3A_89 = arith.constant 0 : i32
      %scan3A_90 = arith.constant 0 : i32
      %scan3A_91 = arith.constant 40 : i32
      %scan3A_92 = arith.addi %scan3A_90, %scan3A_91 : i32
      %scan3A_93 = arith.constant 1 : i32
      %scan3A_94 = scf.for %scan3A_97 = %scan3A_90 to %scan3A_92 step %scan3A_93 iter_args(%scan3A_98 = %scan3A_89) -> (i32)  : i32 {
        %mul3A_99 = arith.constant 16 : i32
        %mul3A_100 = arith.muli %scan3A_97, %mul3A_99 : i32
        %get3A = arith.index_cast %mul3A_100 : i32 to index
        %get3A_101 = tpu.vector_load %arg12[%get3A] {strides = array<i32>} : memref<640xf32, #tpu.memory_space<vmem>>, vector<16xf32>,
        %get3A_102 = arith.index_cast %mul3A_100 : i32 to index
        %get3A_103 = tpu.vector_load %arg11[%get3A_102] {strides = array<i32>} : memref<640xf32, #tpu.memory_space<vmem>>, vector<16xf32>,
        %add3A_104 = arith.addf %get3A_101, %get3A_103 : vector<16xf32>
        %swap3A = arith.index_cast %mul3A_100 : i32 to index
        %swap3A_105 = tpu.vector_load %arg12[%swap3A] {strides = array<i32>} : memref<640xf32, #tpu.memory_space<vmem>>, vector<16xf32>,
        tpu.vector_store %arg12[%swap3A], %add3A_104 {strides = array<i32>} : memref<640xf32, #tpu.memory_space<vmem>>, vector<16xf32>,
        %scan3A_106 = arith.constant 0 : i32
        scf.yield %scan3A_106 : i32
      }
      %scan3A_95 = arith.constant 40 : i32
      %scan3A_96 = arith.constant 0 : i32
      scf.yield %scan3A_96 : i32
    }
    %scan3A_84 = arith.constant 16 : i32
    %run_scoped3A_85 = arith.constant 3 : i32
    "tpu.region"() ({
      %run_scoped3A_87 = tpu.sem_alloc : memref<!tpu.dma_semaphore, #tpu.memory_space<semaphore_mem>>
      %dma_start3A_88 = tpu.memref_slice %arg5[%arg0, %run_scoped3A_85, %mul3A_20] : memref<2x4x10240xf32, #tpu.memory_space<hbm>> -> memref<1x1x640xf32, #tpu.memory_space<hbm>>
      %dma_start3A_89 = tpu.memref_squeeze %dma_start3A_88 : memref<1x1x640xf32, #tpu.memory_space<hbm>> -> memref<640xf32, #tpu.memory_space<hbm>>
      %dma_start3A_90 = tpu.memref_slice %arg5[%arg0, %run_scoped3A_85, %mul3A_20] : memref<2x4x10240xf32, #tpu.memory_space<hbm>> -> memref<1x1x640xf32, #tpu.memory_space<hbm>>
      %dma_start3A_91 = tpu.memref_squeeze %dma_start3A_90 : memref<1x1x640xf32, #tpu.memory_space<hbm>> -> memref<640xf32, #tpu.memory_space<hbm>>
      tpu.enqueue_dma source(%arg12 : memref<640xf32, #tpu.memory_space<vmem>>) target(%dma_start3A_91 : memref<640xf32, #tpu.memory_space<hbm>>) target_semaphore(%run_scoped3A_87 : memref<!tpu.dma_semaphore, #tpu.memory_space<semaphore_mem>>)
      %dma_wait3A = tpu.memref_slice %arg5[%arg0, %run_scoped3A_85, %mul3A_20] : memref<2x4x10240xf32, #tpu.memory_space<hbm>> -> memref<1x1x640xf32, #tpu.memory_space<hbm>>
      %dma_wait3A_92 = tpu.memref_squeeze %dma_wait3A : memref<1x1x640xf32, #tpu.memory_space<hbm>> -> memref<640xf32, #tpu.memory_space<hbm>>
      %dma_wait3A_93 = tpu.memref_slice %arg5[%arg0, %run_scoped3A_85, %mul3A_20] : memref<2x4x10240xf32, #tpu.memory_space<hbm>> -> memref<1x1x640xf32, #tpu.memory_space<hbm>>
      %dma_wait3A_94 = tpu.memref_squeeze %dma_wait3A_93 : memref<1x1x640xf32, #tpu.memory_space<hbm>> -> memref<640xf32, #tpu.memory_space<hbm>>
      tpu.wait_dma2 semaphore(%run_scoped3A_87 : memref<!tpu.dma_semaphore, #tpu.memory_space<semaphore_mem>>) src(%arg12 : memref<640xf32, #tpu.memory_space<vmem>>) dst(%dma_wait3A_94 : memref<640xf32, #tpu.memory_space<hbm>>)
      tpu.yield
    }) : () -> ()
    %barrier3A_86 = arith.constant 0 : index
    tpu.barrier barrier_id(%barrier3A_86)
    return
  }
}

module attributes {stable_mosaic.version = 14 : i64} {
  func.func @_proj_body(%arg0: i32, %arg1: memref<400x128xf32, #tpu.memory_space<vmem>>, %arg2: memref<400x128xf32, #tpu.memory_space<vmem>>, %arg3: memref<128x128xf32, #tpu.memory_space<vmem>>, %arg4: memref<128x128xf32, #tpu.memory_space<vmem>>, %arg5: memref<1x128xf32, #tpu.memory_space<vmem>>, %arg6: memref<400x128xf32, #tpu.memory_space<vmem>>, %arg7: memref<400x128xf32, #tpu.memory_space<vmem>>) attributes {dimension_semantics = [#tpu.dimension_semantics<arbitrary>], iteration_bounds = array<i64: 25>, scalar_prefetch = 0 : i64, scratch_operands = 0 : i64, tpu.core_type = #tpu.core_type<tc>, window_params = [{transform_indices = @transform_0, window_bounds = array<i64: 400, 128>}, {transform_indices = @transform_1, window_bounds = array<i64: 400, 128>}, {pipeline_mode = #tpu.pipeline_mode<synchronous>, transform_indices = @transform_2, window_bounds = array<i64: 128, 128>}, {pipeline_mode = #tpu.pipeline_mode<synchronous>, transform_indices = @transform_3, window_bounds = array<i64: 128, 128>}, {pipeline_mode = #tpu.pipeline_mode<synchronous>, transform_indices = @transform_4, window_bounds = array<i64: 1, 128>}, {transform_indices = @transform_5, window_bounds = array<i64: 400, 128>}, {transform_indices = @transform_6, window_bounds = array<i64: 400, 128>}]} {
    %get3A = arith.constant 0 : index
    %get3A_0 = arith.constant 0 : index
    %get3A_1 = vector.load %arg1[%get3A, %get3A_0] : memref<400x128xf32, #tpu.memory_space<vmem>>, vector<400x128xf32>
    %get3A_2 = arith.constant 0 : index
    %get3A_3 = arith.constant 0 : index
    %get3A_4 = vector.load %arg3[%get3A_2, %get3A_3] : memref<128x128xf32, #tpu.memory_space<vmem>>, vector<128x128xf32>
    %dot_general3A = arith.constant dense<0.000000e+00> : vector<400x128xf32>
    %dot_general3A_5 = tpu.matmul %get3A_1, %get3A_4, %dot_general3A {dimension_numbers = #tpu.dot_dimension_numbers<[1], [0], [0], [1], [0, 0, 1, 1], [], []>, precision = #tpu.contract_precision<fp32>, transpose_lhs_hint = false} : vector<400x128xf32>, vector<128x128xf32>, vector<400x128xf32> -> vector<400x128xf32>
    %swap3A = arith.constant 0 : index
    %swap3A_6 = arith.constant 0 : index
    %swap3A_7 = vector.load %arg6[%swap3A, %swap3A_6] : memref<400x128xf32, #tpu.memory_space<vmem>>, vector<400x128xf32>
    tpu.vector_store %arg6[%swap3A, %swap3A_6], %dot_general3A_5 {strides = array<i32>} : memref<400x128xf32, #tpu.memory_space<vmem>>, vector<400x128xf32>,
    %get3A_8 = arith.constant 0 : index
    %get3A_9 = arith.constant 0 : index
    %get3A_10 = vector.load %arg2[%get3A_8, %get3A_9] : memref<400x128xf32, #tpu.memory_space<vmem>>, vector<400x128xf32>
    %get3A_11 = arith.constant 0 : index
    %get3A_12 = arith.constant 0 : index
    %get3A_13 = vector.load %arg4[%get3A_11, %get3A_12] : memref<128x128xf32, #tpu.memory_space<vmem>>, vector<128x128xf32>
    %dot_general3A_14 = arith.constant dense<0.000000e+00> : vector<400x128xf32>
    %dot_general3A_15 = tpu.matmul %get3A_10, %get3A_13, %dot_general3A_14 {dimension_numbers = #tpu.dot_dimension_numbers<[1], [0], [0], [1], [0, 0, 1, 1], [], []>, precision = #tpu.contract_precision<fp32>, transpose_lhs_hint = false} : vector<400x128xf32>, vector<128x128xf32>, vector<400x128xf32> -> vector<400x128xf32>
    %get3A_16 = arith.constant 0 : index
    %get3A_17 = arith.constant 0 : index
    %get3A_18 = vector.load %arg5[%get3A_16, %get3A_17] : memref<1x128xf32, #tpu.memory_space<vmem>>, vector<1x128xf32>
    %add3A = vector.broadcast %get3A_18 : vector<1x128xf32> to vector<400x128xf32>
    %add3A_19 = arith.addf %dot_general3A_15, %add3A : vector<400x128xf32>
    %swap3A_20 = arith.constant 0 : index
    %swap3A_21 = arith.constant 0 : index
    %swap3A_22 = vector.load %arg7[%swap3A_20, %swap3A_21] : memref<400x128xf32, #tpu.memory_space<vmem>>, vector<400x128xf32>
    tpu.vector_store %arg7[%swap3A_20, %swap3A_21], %add3A_19 {strides = array<i32>} : memref<400x128xf32, #tpu.memory_space<vmem>>, vector<400x128xf32>,
    return
  }
  func.func @transform_0(%arg0: i32) -> (i32, i32) {
    %c0_i32 = arith.constant 0 : i32
    %c0_i32_0 = arith.constant 0 : i32
    return %arg0, %c0_i32 : i32, i32
  }
  func.func @transform_1(%arg0: i32) -> (i32, i32) {
    %c0_i32 = arith.constant 0 : i32
    %c0_i32_0 = arith.constant 0 : i32
    return %arg0, %c0_i32 : i32, i32
  }
  func.func @transform_2(%arg0: i32) -> (i32, i32) {
    %c0_i32 = arith.constant 0 : i32
    %c0_i32_0 = arith.constant 0 : i32
    %c0_i32_1 = arith.constant 0 : i32
    return %c0_i32, %c0_i32_0 : i32, i32
  }
  func.func @transform_3(%arg0: i32) -> (i32, i32) {
    %c0_i32 = arith.constant 0 : i32
    %c0_i32_0 = arith.constant 0 : i32
    %c0_i32_1 = arith.constant 0 : i32
    return %c0_i32, %c0_i32_0 : i32, i32
  }
  func.func @transform_4(%arg0: i32) -> (i32, i32) {
    %c0_i32 = arith.constant 0 : i32
    %c0_i32_0 = arith.constant 0 : i32
    %c0_i32_1 = arith.constant 0 : i32
    return %c0_i32, %c0_i32_0 : i32, i32
  }
  func.func @transform_5(%arg0: i32) -> (i32, i32) {
    %c0_i32 = arith.constant 0 : i32
    %c0_i32_0 = arith.constant 0 : i32
    return %arg0, %c0_i32 : i32, i32
  }
  func.func @transform_6(%arg0: i32) -> (i32, i32) {
    %c0_i32 = arith.constant 0 : i32
    %c0_i32_0 = arith.constant 0 : i32
    return %arg0, %c0_i32 : i32, i32
  }
}

module attributes {stable_mosaic.version = 14 : i64} {
  func.func @_attc_body(%arg0: i32, %arg1: memref<2000x128xf32, #tpu.memory_space<vmem>>, %arg2: memref<2000x16xf32, #tpu.memory_space<vmem>>, %arg3: memref<16x128xf32, #tpu.memory_space<vmem>>, %arg4: memref<128x1xf32, #tpu.memory_space<vmem>>, %arg5: memref<2000x1xf32, #tpu.memory_space<vmem>>, %arg6: memref<8x128xf32, #tpu.memory_space<vmem>>) attributes {dimension_semantics = [#tpu.dimension_semantics<arbitrary>], iteration_bounds = array<i64: 160>, scalar_prefetch = 0 : i64, scratch_operands = 0 : i64, tpu.core_type = #tpu.core_type<tc>, window_params = [{transform_indices = @transform_0, window_bounds = array<i64: 2000, 128>}, {transform_indices = @transform_1, window_bounds = array<i64: 2000, 16>}, {pipeline_mode = #tpu.pipeline_mode<synchronous>, transform_indices = @transform_2, window_bounds = array<i64: 16, 128>}, {pipeline_mode = #tpu.pipeline_mode<synchronous>, transform_indices = @transform_3, window_bounds = array<i64: 128, 1>}, {transform_indices = @transform_4, window_bounds = array<i64: 2000, 1>}, {pipeline_mode = #tpu.pipeline_mode<synchronous>, transform_indices = @transform_5, window_bounds = array<i64: 8, 128>}]} {
    %get3A = arith.constant 0 : index
    %get3A_0 = arith.constant 0 : index
    %get3A_1 = vector.load %arg1[%get3A, %get3A_0] : memref<2000x128xf32, #tpu.memory_space<vmem>>, vector<2000x128xf32>
    %get3A_2 = arith.constant 0 : index
    %get3A_3 = arith.constant 0 : index
    %get3A_4 = vector.load %arg2[%get3A_2, %get3A_3] : memref<2000x16xf32, #tpu.memory_space<vmem>>, vector<2000x16xf32>
    %get3A_5 = arith.constant 0 : index
    %get3A_6 = arith.constant 0 : index
    %get3A_7 = vector.load %arg3[%get3A_5, %get3A_6] : memref<16x128xf32, #tpu.memory_space<vmem>>, vector<16x128xf32>
    %dot_general3A = arith.constant dense<0.000000e+00> : vector<2000x128xf32>
    %dot_general3A_8 = tpu.matmul %get3A_4, %get3A_7, %dot_general3A {dimension_numbers = #tpu.dot_dimension_numbers<[1], [0], [0], [1], [0, 0, 1, 1], [], []>, precision = #tpu.contract_precision<fp32>, transpose_lhs_hint = false} : vector<2000x16xf32>, vector<16x128xf32>, vector<2000x128xf32> -> vector<2000x128xf32>
    %add3A = arith.addf %get3A_1, %dot_general3A_8 : vector<2000x128xf32>
    %tanh3A = math.tanh %add3A : vector<2000x128xf32>
    %get3A_9 = arith.constant 0 : index
    %get3A_10 = arith.constant 0 : index
    %get3A_11 = vector.load %arg4[%get3A_9, %get3A_10] : memref<128x1xf32, #tpu.memory_space<vmem>>, vector<128x1xf32>
    %reshape3A = vector.shape_cast %get3A_11 : vector<128x1xf32> to vector<1x128xf32>
    %mul3A = vector.broadcast %reshape3A : vector<1x128xf32> to vector<2000x128xf32>
    %mul3A_12 = arith.mulf %tanh3A, %mul3A : vector<2000x128xf32>
    %reduce_sum3A = arith.constant dense<0.000000e+00> : vector<2000xf32>
    %reduce_sum3A_13 = vector.multi_reduction <add>, %mul3A_12, %reduce_sum3A [1] : vector<2000x128xf32> to vector<2000xf32>
    %broadcast_in_dim3A = vector.shape_cast %reduce_sum3A_13 : vector<2000xf32> to vector<2000x1xf32>
    %swap3A = arith.constant 0 : index
    %swap3A_14 = arith.constant 0 : index
    %swap3A_15 = vector.load %arg5[%swap3A, %swap3A_14] : memref<2000x1xf32, #tpu.memory_space<vmem>>, vector<2000x1xf32>
    tpu.vector_store %arg5[%swap3A, %swap3A_14], %broadcast_in_dim3A {strides = array<i32>} : memref<2000x1xf32, #tpu.memory_space<vmem>>, vector<2000x1xf32>,
    %eq3A = arith.constant 0 : i32
    %eq3A_16 = arith.cmpi eq, %arg0, %eq3A : i32
    %convert_element_type3A = arith.extui %eq3A_16 : i1 to i32
    %cond3A = arith.constant 0 : i32
    %cond3A_17 = arith.cmpi ne, %convert_element_type3A, %cond3A : i32
    scf.if %cond3A_17 {
      %broadcast_in_dim3A_29 = arith.constant -3.000000e+38 : f32
      %broadcast_in_dim3A_30 = vector.broadcast %broadcast_in_dim3A_29 : f32 to vector<8x128xf32>
      %swap3A_31 = arith.constant 0 : index
      %swap3A_32 = arith.constant 0 : index
      %swap3A_33 = vector.load %arg6[%swap3A_31, %swap3A_32] : memref<8x128xf32, #tpu.memory_space<vmem>>, vector<8x128xf32>
      tpu.vector_store %arg6[%swap3A_31, %swap3A_32], %broadcast_in_dim3A_30 {strides = array<i32>} : memref<8x128xf32, #tpu.memory_space<vmem>>, vector<8x128xf32>,
    } else {
    }
    %get3A_18 = arith.constant 0 : index
    %get3A_19 = arith.constant 0 : index
    %get3A_20 = vector.load %arg6[%get3A_18, %get3A_19] : memref<8x128xf32, #tpu.memory_space<vmem>>, vector<8x128xf32>
    %reduce_max3A = vector.shape_cast %broadcast_in_dim3A : vector<2000x1xf32> to vector<1x2000x1xf32>
    %reduce_max3A_21 = arith.constant dense<0xFF800000> : vector<1xf32>
    %reduce_max3A_22 = vector.multi_reduction <maximumf>, %reduce_max3A, %reduce_max3A_21 [1, 2] : vector<1x2000x1xf32> to vector<1xf32>
    %reduce_max3A_23 = vector.shape_cast %reduce_max3A_22 : vector<1xf32> to vector<1x1x1xf32>
    %reduce_max3A_24 = vector.extract %reduce_max3A_23[0, 0, 0] : f32 from vector<1x1x1xf32>
    %max3A = vector.broadcast %reduce_max3A_24 : f32 to vector<8x128xf32>
    %max3A_25 = arith.maximumf %get3A_20, %max3A : vector<8x128xf32>
    %swap3A_26 = arith.constant 0 : index
    %swap3A_27 = arith.constant 0 : index
    %swap3A_28 = vector.load %arg6[%swap3A_26, %swap3A_27] : memref<8x128xf32, #tpu.memory_space<vmem>>, vector<8x128xf32>
    tpu.vector_store %arg6[%swap3A_26, %swap3A_27], %max3A_25 {strides = array<i32>} : memref<8x128xf32, #tpu.memory_space<vmem>>, vector<8x128xf32>,
    return
  }
  func.func @transform_0(%arg0: i32) -> (i32, i32) {
    %c0_i32 = arith.constant 0 : i32
    %c0_i32_0 = arith.constant 0 : i32
    return %arg0, %c0_i32 : i32, i32
  }
  func.func @transform_1(%arg0: i32) -> (i32, i32) {
    %c0_i32 = arith.constant 0 : i32
    %c0_i32_0 = arith.constant 0 : i32
    return %arg0, %c0_i32 : i32, i32
  }
  func.func @transform_2(%arg0: i32) -> (i32, i32) {
    %c0_i32 = arith.constant 0 : i32
    %c0_i32_0 = arith.constant 0 : i32
    %c0_i32_1 = arith.constant 0 : i32
    return %c0_i32, %c0_i32_0 : i32, i32
  }
  func.func @transform_3(%arg0: i32) -> (i32, i32) {
    %c0_i32 = arith.constant 0 : i32
    %c0_i32_0 = arith.constant 0 : i32
    %c0_i32_1 = arith.constant 0 : i32
    return %c0_i32, %c0_i32_0 : i32, i32
  }
  func.func @transform_4(%arg0: i32) -> (i32, i32) {
    %c0_i32 = arith.constant 0 : i32
    %c0_i32_0 = arith.constant 0 : i32
    return %arg0, %c0_i32 : i32, i32
  }
  func.func @transform_5(%arg0: i32) -> (i32, i32) {
    %c0_i32 = arith.constant 0 : i32
    %c0_i32_0 = arith.constant 0 : i32
    %c0_i32_1 = arith.constant 0 : i32
    return %c0_i32, %c0_i32_0 : i32, i32
  }
}

module attributes {stable_mosaic.version = 14 : i64} {
  func.func @_exp_body(%arg0: i32, %arg1: memref<2000x1xf32, #tpu.memory_space<vmem>>, %arg2: memref<8x128xf32, #tpu.memory_space<vmem>>, %arg3: memref<2000x1xf32, #tpu.memory_space<vmem>>) attributes {dimension_semantics = [#tpu.dimension_semantics<arbitrary>], iteration_bounds = array<i64: 160>, scalar_prefetch = 0 : i64, scratch_operands = 0 : i64, tpu.core_type = #tpu.core_type<tc>, window_params = [{transform_indices = @transform_0, window_bounds = array<i64: 2000, 1>}, {pipeline_mode = #tpu.pipeline_mode<synchronous>, transform_indices = @transform_1, window_bounds = array<i64: 8, 128>}, {transform_indices = @transform_2, window_bounds = array<i64: 2000, 1>}]} {
    %get3A = arith.constant 0 : index
    %get3A_0 = arith.constant 0 : index
    %get3A_1 = vector.load %arg1[%get3A, %get3A_0] : memref<2000x1xf32, #tpu.memory_space<vmem>>, vector<2000x1xf32>
    %get3A_2 = arith.constant 0 : index
    %get3A_3 = arith.constant 0 : index
    %get3A_4 = vector.load %arg2[%get3A_2, %get3A_3] : memref<8x128xf32, #tpu.memory_space<vmem>>, vector<1x1xf32>
    %get3A_5 = vector.extract %get3A_4[0, 0] : f32 from vector<1x1xf32>
    %sub3A = vector.broadcast %get3A_5 : f32 to vector<2000x1xf32>
    %sub3A_6 = arith.subf %get3A_1, %sub3A : vector<2000x1xf32>
    %exp3A = math.exp %sub3A_6 : vector<2000x1xf32>
    %swap3A = arith.constant 0 : index
    %swap3A_7 = arith.constant 0 : index
    %swap3A_8 = vector.load %arg3[%swap3A, %swap3A_7] : memref<2000x1xf32, #tpu.memory_space<vmem>>, vector<2000x1xf32>
    tpu.vector_store %arg3[%swap3A, %swap3A_7], %exp3A {strides = array<i32>} : memref<2000x1xf32, #tpu.memory_space<vmem>>, vector<2000x1xf32>,
    return
  }
  func.func @transform_0(%arg0: i32) -> (i32, i32) {
    %c0_i32 = arith.constant 0 : i32
    %c0_i32_0 = arith.constant 0 : i32
    return %arg0, %c0_i32 : i32, i32
  }
  func.func @transform_1(%arg0: i32) -> (i32, i32) {
    %c0_i32 = arith.constant 0 : i32
    %c0_i32_0 = arith.constant 0 : i32
    %c0_i32_1 = arith.constant 0 : i32
    return %c0_i32, %c0_i32_0 : i32, i32
  }
  func.func @transform_2(%arg0: i32) -> (i32, i32) {
    %c0_i32 = arith.constant 0 : i32
    %c0_i32_0 = arith.constant 0 : i32
    return %arg0, %c0_i32 : i32, i32
  }
}

module attributes {stable_mosaic.version = 14 : i64} {
  func.func @_mlp_body(%arg0: i32, %arg1: memref<640x128xf32, #tpu.memory_space<vmem>>, %arg2: memref<640x8xf32, #tpu.memory_space<vmem>>, %arg3: memref<128x128xf32, #tpu.memory_space<vmem>>, %arg4: memref<8x128xf32, #tpu.memory_space<vmem>>, %arg5: memref<1x128xf32, #tpu.memory_space<vmem>>, %arg6: memref<128x128xf32, #tpu.memory_space<vmem>>, %arg7: memref<1x128xf32, #tpu.memory_space<vmem>>, %arg8: memref<640x128xf32, #tpu.memory_space<vmem>>) attributes {dimension_semantics = [#tpu.dimension_semantics<arbitrary>], iteration_bounds = array<i64: 16>, scalar_prefetch = 0 : i64, scratch_operands = 0 : i64, tpu.core_type = #tpu.core_type<tc>, window_params = [{transform_indices = @transform_0, window_bounds = array<i64: 640, 128>}, {transform_indices = @transform_1, window_bounds = array<i64: 640, 8>}, {pipeline_mode = #tpu.pipeline_mode<synchronous>, transform_indices = @transform_2, window_bounds = array<i64: 128, 128>}, {pipeline_mode = #tpu.pipeline_mode<synchronous>, transform_indices = @transform_3, window_bounds = array<i64: 8, 128>}, {pipeline_mode = #tpu.pipeline_mode<synchronous>, transform_indices = @transform_4, window_bounds = array<i64: 1, 128>}, {pipeline_mode = #tpu.pipeline_mode<synchronous>, transform_indices = @transform_5, window_bounds = array<i64: 128, 128>}, {pipeline_mode = #tpu.pipeline_mode<synchronous>, transform_indices = @transform_6, window_bounds = array<i64: 1, 128>}, {transform_indices = @transform_7, window_bounds = array<i64: 640, 128>}]} {
    %get3A = arith.constant 0 : index
    %get3A_0 = arith.constant 0 : index
    %get3A_1 = vector.load %arg2[%get3A, %get3A_0] : memref<640x8xf32, #tpu.memory_space<vmem>>, vector<640x4xf32>
    %get3A_2 = arith.constant 0 : index
    %get3A_3 = arith.constant 4 : index
    %get3A_4 = vector.load %arg2[%get3A_2, %get3A_3] : memref<640x8xf32, #tpu.memory_space<vmem>>, vector<640x4xf32>
    %add3A = arith.addf %get3A_1, %get3A_4 : vector<640x4xf32>
    %slice3A = vector.extract_strided_slice %add3A {offsets = [0, 0], sizes = [640, 1], strides = [1, 1]} : vector<640x4xf32> to vector<640x1xf32>
    %gt3A = arith.constant 0.000000e+00 : f32
    %gt3A_5 = vector.broadcast %gt3A : f32 to vector<640x1xf32>
    %gt3A_6 = arith.cmpf ogt, %slice3A, %gt3A_5 : vector<640x1xf32>
    %jit3A = arith.constant 1.000000e+00 : f32
    %broadcast_in_dim3A = vector.broadcast %jit3A : f32 to vector<640x1xf32>
    %select_n3A = arith.select %gt3A_6, %slice3A, %broadcast_in_dim3A : vector<640x1xi1>, vector<640x1xf32>
    %div3A = arith.constant 1.000000e+00 : f32
    %div3A_7 = vector.broadcast %div3A : f32 to vector<640x1xf32>
    %div3A_8 = arith.divf %div3A_7, %select_n3A : vector<640x1xf32>
    %get3A_9 = arith.constant 0 : index
    %get3A_10 = arith.constant 0 : index
    %get3A_11 = vector.load %arg1[%get3A_9, %get3A_10] : memref<640x128xf32, #tpu.memory_space<vmem>>, vector<640x128xf32>
    %mul3A = vector.broadcast %div3A_8 : vector<640x1xf32> to vector<640x128xf32>
    %mul3A_12 = arith.mulf %get3A_11, %mul3A : vector<640x128xf32>
    %get3A_13 = arith.constant 0 : index
    %get3A_14 = arith.constant 0 : index
    %get3A_15 = vector.load %arg3[%get3A_13, %get3A_14] : memref<128x128xf32, #tpu.memory_space<vmem>>, vector<128x128xf32>
    %dot_general3A = arith.constant dense<0.000000e+00> : vector<640x128xf32>
    %dot_general3A_16 = tpu.matmul %mul3A_12, %get3A_15, %dot_general3A {dimension_numbers = #tpu.dot_dimension_numbers<[1], [0], [0], [1], [0, 0, 1, 1], [], []>, precision = #tpu.contract_precision<fp32>, transpose_lhs_hint = false} : vector<640x128xf32>, vector<128x128xf32>, vector<640x128xf32> -> vector<640x128xf32>
    %get3A_17 = arith.constant 0 : index
    %get3A_18 = arith.constant 0 : index
    %get3A_19 = vector.load %arg5[%get3A_17, %get3A_18] : memref<1x128xf32, #tpu.memory_space<vmem>>, vector<1x128xf32>
    %add3A_20 = vector.broadcast %get3A_19 : vector<1x128xf32> to vector<640x128xf32>
    %add3A_21 = arith.addf %dot_general3A_16, %add3A_20 : vector<640x128xf32>
    %slice3A_22 = vector.extract_strided_slice %add3A {offsets = [0, 1], sizes = [640, 1], strides = [1, 1]} : vector<640x4xf32> to vector<640x1xf32>
    %mul3A_23 = arith.mulf %slice3A_22, %div3A_8 : vector<640x1xf32>
    %get3A_24 = arith.constant 0 : index
    %get3A_25 = arith.constant 0 : index
    %get3A_26 = vector.load %arg4[%get3A_24, %get3A_25] : memref<8x128xf32, #tpu.memory_space<vmem>>, vector<1x128xf32>
    %mul3A_27 = vector.broadcast %mul3A_23 : vector<640x1xf32> to vector<640x128xf32>
    %mul3A_28 = vector.broadcast %get3A_26 : vector<1x128xf32> to vector<640x128xf32>
    %mul3A_29 = arith.mulf %mul3A_27, %mul3A_28 : vector<640x128xf32>
    %add3A_30 = arith.addf %add3A_21, %mul3A_29 : vector<640x128xf32>
    %slice3A_31 = vector.extract_strided_slice %add3A {offsets = [0, 2], sizes = [640, 1], strides = [1, 1]} : vector<640x4xf32> to vector<640x1xf32>
    %mul3A_32 = arith.mulf %slice3A_31, %div3A_8 : vector<640x1xf32>
    %get3A_33 = arith.constant 1 : index
    %get3A_34 = arith.constant 0 : index
    %get3A_35 = vector.load %arg4[%get3A_33, %get3A_34] : memref<8x128xf32, #tpu.memory_space<vmem>>, vector<1x128xf32>
    %mul3A_36 = vector.broadcast %mul3A_32 : vector<640x1xf32> to vector<640x128xf32>
    %mul3A_37 = vector.broadcast %get3A_35 : vector<1x128xf32> to vector<640x128xf32>
    %mul3A_38 = arith.mulf %mul3A_36, %mul3A_37 : vector<640x128xf32>
    %add3A_39 = arith.addf %add3A_30, %mul3A_38 : vector<640x128xf32>
    %slice3A_40 = vector.extract_strided_slice %add3A {offsets = [0, 3], sizes = [640, 1], strides = [1, 1]} : vector<640x4xf32> to vector<640x1xf32>
    %mul3A_41 = arith.mulf %slice3A_40, %div3A_8 : vector<640x1xf32>
    %get3A_42 = arith.constant 2 : index
    %get3A_43 = arith.constant 0 : index
    %get3A_44 = vector.load %arg4[%get3A_42, %get3A_43] : memref<8x128xf32, #tpu.memory_space<vmem>>, vector<1x128xf32>
    %mul3A_45 = vector.broadcast %mul3A_41 : vector<640x1xf32> to vector<640x128xf32>
    %mul3A_46 = vector.broadcast %get3A_44 : vector<1x128xf32> to vector<640x128xf32>
    %mul3A_47 = arith.mulf %mul3A_45, %mul3A_46 : vector<640x128xf32>
    %add3A_48 = arith.addf %add3A_39, %mul3A_47 : vector<640x128xf32>
    %max3A = arith.constant 0.000000e+00 : f32
    %max3A_49 = vector.broadcast %max3A : f32 to vector<640x128xf32>
    %max3A_50 = arith.maximumf %add3A_48, %max3A_49 : vector<640x128xf32>
    %get3A_51 = arith.constant 0 : index
    %get3A_52 = arith.constant 0 : index
    %get3A_53 = vector.load %arg6[%get3A_51, %get3A_52] : memref<128x128xf32, #tpu.memory_space<vmem>>, vector<128x128xf32>
    %dot_general3A_54 = arith.constant dense<0.000000e+00> : vector<640x128xf32>
    %dot_general3A_55 = tpu.matmul %max3A_50, %get3A_53, %dot_general3A_54 {dimension_numbers = #tpu.dot_dimension_numbers<[1], [0], [0], [1], [0, 0, 1, 1], [], []>, precision = #tpu.contract_precision<fp32>, transpose_lhs_hint = false} : vector<640x128xf32>, vector<128x128xf32>, vector<640x128xf32> -> vector<640x128xf32>
    %get3A_56 = arith.constant 0 : index
    %get3A_57 = arith.constant 0 : index
    %get3A_58 = vector.load %arg7[%get3A_56, %get3A_57] : memref<1x128xf32, #tpu.memory_space<vmem>>, vector<1x128xf32>
    %add3A_59 = vector.broadcast %get3A_58 : vector<1x128xf32> to vector<640x128xf32>
    %add3A_60 = arith.addf %dot_general3A_55, %add3A_59 : vector<640x128xf32>
    %max3A_61 = arith.constant 0.000000e+00 : f32
    %max3A_62 = vector.broadcast %max3A_61 : f32 to vector<640x128xf32>
    %max3A_63 = arith.maximumf %add3A_60, %max3A_62 : vector<640x128xf32>
    %swap3A = arith.constant 0 : index
    %swap3A_64 = arith.constant 0 : index
    %swap3A_65 = vector.load %arg8[%swap3A, %swap3A_64] : memref<640x128xf32, #tpu.memory_space<vmem>>, vector<640x128xf32>
    tpu.vector_store %arg8[%swap3A, %swap3A_64], %max3A_63 {strides = array<i32>} : memref<640x128xf32, #tpu.memory_space<vmem>>, vector<640x128xf32>,
    return
  }
  func.func @transform_0(%arg0: i32) -> (i32, i32) {
    %c0_i32 = arith.constant 0 : i32
    %c0_i32_0 = arith.constant 0 : i32
    return %arg0, %c0_i32 : i32, i32
  }
  func.func @transform_1(%arg0: i32) -> (i32, i32) {
    %c0_i32 = arith.constant 0 : i32
    %c0_i32_0 = arith.constant 0 : i32
    return %arg0, %c0_i32 : i32, i32
  }
  func.func @transform_2(%arg0: i32) -> (i32, i32) {
    %c0_i32 = arith.constant 0 : i32
    %c0_i32_0 = arith.constant 0 : i32
    %c0_i32_1 = arith.constant 0 : i32
    return %c0_i32, %c0_i32_0 : i32, i32
  }
  func.func @transform_3(%arg0: i32) -> (i32, i32) {
    %c0_i32 = arith.constant 0 : i32
    %c0_i32_0 = arith.constant 0 : i32
    %c0_i32_1 = arith.constant 0 : i32
    return %c0_i32, %c0_i32_0 : i32, i32
  }
  func.func @transform_4(%arg0: i32) -> (i32, i32) {
    %c0_i32 = arith.constant 0 : i32
    %c0_i32_0 = arith.constant 0 : i32
    %c0_i32_1 = arith.constant 0 : i32
    return %c0_i32, %c0_i32_0 : i32, i32
  }
  func.func @transform_5(%arg0: i32) -> (i32, i32) {
    %c0_i32 = arith.constant 0 : i32
    %c0_i32_0 = arith.constant 0 : i32
    %c0_i32_1 = arith.constant 0 : i32
    return %c0_i32, %c0_i32_0 : i32, i32
  }
  func.func @transform_6(%arg0: i32) -> (i32, i32) {
    %c0_i32 = arith.constant 0 : i32
    %c0_i32_0 = arith.constant 0 : i32
    %c0_i32_1 = arith.constant 0 : i32
    return %c0_i32, %c0_i32_0 : i32, i32
  }
  func.func @transform_7(%arg0: i32) -> (i32, i32) {
    %c0_i32 = arith.constant 0 : i32
    %c0_i32_0 = arith.constant 0 : i32
    return %arg0, %c0_i32 : i32, i32
  }
}

</mosaic_0001>

<sc_bundles>
// kernel: kernel.12.cloned.1.call-start
scs
__scs_entry_jumppad:
0x0: {  	(pc) =	sbr.rel $0x88, $3  }
0x1: {  	(tag) =	ssettag $0x0;
	lr =	simm.s32 $0x1  }
0x2: {  	[smem:$0x3F96] =	sst lr;
	_ =	strace $0xD0000000  }
0x3: {  	_ = 	snop  }
0x4: {  	_ = 	snop  }
0x5: {  	_ = 	snop  }
0x6: {  	_ = 	snop  }
0x7: {  	_ = 	snop  }
__scs_overlays_trampoline_lowered:
0x8: {  	[smem:$0x3FA5] =	sst s0  }
0x9: {  	[smem:$0x3FA6] =	sst s1  }
0xa: {  	[smem:$0x3FA7] =	sst s2  }
0xb: {  	[smem:$0x3FA8] =	sst s3  }
0xc: {  	[smem:$0x3FA9] =	sst s4  }
0xd: {  	[smem:$0x3FAA] =	sst s5  }
0xe: {  	[smem:$0x3FAB] =	sst s6  }
0xf: {  	[smem:$0x3FAC] =	sst s7  }
0x10: {  	[smem:$0x3FAD] =	sst s8  }
0x11: {  	[smem:$0x3FAE] =	sst s9;
	s0 =	simm.s32 @!p0 $0x0  }
0x12: {  	s1 =	sld [smem:$0x3F94];
	s0 =	simm.s32 @p0 $0x1  }
0x13: {  	[smem:$0x3FAF] =	sst s0;
	s0 =	simm.s32 @!p1 $0x0  }
0x14: {  	s2 =	sld [smem:$0x3F93];
	s0 =	simm.s32 @p1 $0x1  }
0x15: {  	[smem:$0x3FB0] =	sst s0;
	s0 =	simm.s32 @!p2 $0x0  }
0x16: {  	s3 =	sld [smem:$0x3FDB];
	s0 =	simm.s32 @p2 $0x1  }
0x17: {  	s4 =	simm.s32 $0x1BF5;
	[smem:$0x3FB2] =	sst s0  }
0x18: {  	s0 =	sld [smem:$0x3F95];
	_ =	swait.ge [sflag:s4], $0x0  }
0x19: {  	s7 =	sld [smem:$0x3F96]  }
0x1a: {  	s8 =	sadd.s32 $0xFFFFE003, lr  }
0x1b: {  	s9 =	sadd.s32 $0xFFFFFEF7, lr;
	s5 =	simm.s32 $0xFFFFFFFF;
	p2 =	slt.u32 s8, $0xFFFFF086  }
0x1c: {  	p1 =	slt.u32 s9, $0xF7A;
	s5 =	simm.s32 @!p2 $0x0  }
0x1d: {  	s5 =	simm.s32 @p1 $0x1;
	p0 =	seq.s32 s7, s2  }
0x1e: {  	s7 =	smul.u32 @!p0 $0xF7A, s2;
	p2 =	seq.s32 @!p0 s5, $0x0  }
0x1f: {  	s9 =	smul.u32 $0xF7A, s1;
	s8 =	simm.s32 @!p0 $0x1BF5;
	p2 =	por !p2, p0  }
0x20: {  	[sflag:s8] =	ssyncset.s32 @!p0 $0xFFFFF086;
	s6 =	sadd.s32 @!p0 s3, s7;
	s7 =	simm.s32 @!p0 $0x108  }
0x21: {  	s3 =	sadd.s32 s3, s9;
	s6 =	sadd.s32 @!p0 $0x88, s6;
	s7 =	simm.s32 @p2 $0x1082  }
0x22: {  	[simem:s7], [sflag:s8] =	dma.local @!p0 [hbm:s6], $0xF7A  }
0x23: {  	s9 =	sor.u32 $0xD0000000, s2;
	s6 =	simm.s32 $0x108;
	_ =	swait.ge @!p0 [sflag:s8], $0x0  }
0x24: {  	s3 =	sadd.s32 $0x88, s3;
	s6 =	simm.s32 @!p1 $0x1082;
	[sflag:s4] =	ssyncset.s32 $0xFFFFF086  }
0x25: {  	[simem:s6], [sflag:s4] =	dma.local [hbm:s3], $0xF7A  }
0x26: {  	[smem:$0x3F96] =	sst s1;
	(tag) =	ssettag s2;
	_ =	strace s9  }
0x27: {  	s1 =	sld [smem:$0x3FA6]  }
0x28: {  	s2 =	sld [smem:$0x3FA7]  }
0x29: {  	s4 =	sld [smem:$0x3FA9]  }
0x2a: {  	p0 =	seq.s32 s5, $0x0;
	s5 =	sld [smem:$0x3FAA]  }
0x2b: {  	s6 =	sld [smem:$0x3FAB]  }
0x2c: {  	s7 =	sld [smem:$0x3FAC]  }
0x2d: {  	s3 =	simm.s32 $0x108;
	s8 =	sld [smem:$0x3FAD]  }
0x2e: {  	s3 =	simm.s32 @!p0 $0x1082;
	s9 =	sld [smem:$0x3FAE]  }
0x2f: {  	lr =	sadd.s32 s0, s3;
	s0 =	sld [smem:$0x3FA5]  }
0x30: {  	s3 =	sld [smem:$0x3FA8]  }
0x31: {  	[smem:$0x3FB1] =	sst s10  }
0x32: {  	s10 =	sld [smem:$0x3FAF];
	_ =	sdelay $0x3  }
0x33: {  	p0 =	seq.s32 s10, $0x1;
	s10 =	sld [smem:$0x3FB1];
	_ =	sdelay $0x3  }
0x34: {  	[smem:$0x3FB1] =	sst s10  }
0x35: {  	s10 =	sld [smem:$0x3FB0];
	_ =	sdelay $0x3  }
0x36: {  	p1 =	seq.s32 s10, $0x1;
	s10 =	sld [smem:$0x3FB1];
	_ =	sdelay $0x3  }
0x37: {  	[smem:$0x3FB1] =	sst s10  }
0x38: {  	s10 =	sld [smem:$0x3FB2]  }
0x39: {  	_ = 	snop;
	(pc) =	sbr.ind lr, $3  }
0x3a: {  	_ = 	snop  }
0x3b: {  	_ = 	snop  }
0x3c: {  	p2 =	seq.s32 s10, $0x1;
	s10 =	sld [smem:$0x3FB1]  }
0x3d: {  	_ =	shalt  }
0x3e: {  	_ =	shalt  }
0x3f: {  	_ =	shalt  }
0x40: {  	_ =	shalt  }
0x41: {  	_ =	shalt  }
0x42: {  	_ =	shalt  }
0x43: {  	_ =	shalt  }
0x44: {  	_ =	shalt  }
0x45: {  	_ =	shalt  }
0x46: {  	_ =	shalt  }
0x47: {  	_ =	shalt  }
0x48: {  	_ =	shalt  }
0x49: {  	_ =	shalt  }
0x4a: {  	_ =	shalt  }
0x4b: {  	_ =	shalt  }
0x4c: {  	_ =	shalt  }
0x4d: {  	_ =	shalt  }
0x4e: {  	_ =	shalt  }
0x4f: {  	_ =	shalt  }
0x50: {  	_ =	shalt  }
0x51: {  	_ =	shalt  }
0x52: {  	_ =	shalt  }
0x53: {  	_ =	shalt  }
0x54: {  	_ =	shalt  }
0x55: {  	_ =	shalt  }
0x56: {  	_ =	shalt  }
0x57: {  	_ =	shalt  }
0x58: {  	_ =	shalt  }
0x59: {  	_ =	shalt  }
0x5a: {  	_ =	shalt  }
0x5b: {  	_ =	shalt  }
0x5c: {  	_ =	shalt  }
0x5d: {  	_ =	shalt  }
0x5e: {  	_ =	shalt  }
0x5f: {  	_ =	shalt  }
0x60: {  	_ =	shalt  }
0x61: {  	_ =	shalt  }
0x62: {  	_ =	shalt  }
0x63: {  	_ =	shalt  }
0x64: {  	_ =	shalt  }
0x65: {  	_ =	shalt  }
0x66: {  	_ =	shalt  }
0x67: {  	_ =	shalt  }
0x68: {  	_ =	shalt  }
0x69: {  	_ =	shalt  }
0x6a: {  	_ =	shalt  }
0x6b: {  	_ =	shalt  }
0x6c: {  	_ =	shalt  }
0x6d: {  	_ =	shalt  }
0x6e: {  	_ =	shalt  }
0x6f: {  	_ =	shalt  }
0x70: {  	_ =	shalt  }
0x71: {  	_ =	shalt  }
0x72: {  	_ =	shalt  }
0x73: {  	_ =	shalt  }
0x74: {  	_ =	shalt  }
0x75: {  	_ =	shalt  }
0x76: {  	_ =	shalt  }
0x77: {  	_ =	shalt  }
0x78: {  	_ =	shalt  }
0x79: {  	_ =	shalt  }
0x7a: {  	_ =	shalt  }
0x7b: {  	_ =	shalt  }
0x7c: {  	_ =	shalt  }
0x7d: {  	_ =	shalt  }
0x7e: {  	_ =	shalt  }
0x7f: {  	_ =	shalt  }
0x80: {  	_ =	shalt  }
0x81: {  	_ =	shalt  }
0x82: {  	_ =	shalt  }
0x83: {  	_ =	shalt  }
0x84: {  	_ =	shalt  }
0x85: {  	_ =	shalt  }
0x86: {  	_ =	shalt  }
0x87: {  	_ =	shalt  }
.Lfunc_end0:
.L_simem_size_0:
called_computation.1_lowered:
.L_overlay_start_0:
0x88: {  	s2 =	sld [smem:$0x3FD9]  }
0x89: {  	s3 =	sld [smem:$0x3FFE];
	_ =	sdelay $0x1  }
0x8a: {  	s1 =	srdreg.scid  }
0x8b: {  	s0 =	sand.u32 $0x1, s1  }
0x8c: {  	s17 =	sshll.u32 s0, $0xA;
	s2 =	sadd.s32 s3, s2  }
0x8d: {  	s2 =	sadd.s32 s2, s17  }
0x8e: {  	[smem:$0x3FBD] =	sst s2  }
0x8f: {  	_ = 	snop  }
0x90: {  	s18 =	sld [smem:$0x3FD0];
	(tm) =	ssettm $0x1  }
0x91: {  	s19 =	sld [smem:$0x3FFB];
	_ =	sdelay $0x3  }
0x92: {  	_ =	strace s19  }
0x93: {  	s2 =	sld [smem:$0x3FFC];
	_ =	sdelay $0x3  }
0x94: {  	_ =	strace s2  }
0x95: {  	s2 =	sld [smem:$0x3FFD];
	_ =	sdelay $0x3  }
0x96: {  	_ =	strace s2  }
0x97: {  	_ =	strace $0x8FFFFFFF  }
0x98: {  	s20 =	sld [smem:$0x3FDB];
	_ =	sdelay $0x1  }
0x99: {  	s4 =	simm.s32 $_scs_section_size  }
0x9a: {  	s5 =	simm.s32 $_size__tile_overlayer_lowered;
	s6 =	simm.s32 $_tile_overlayer_lowered  }
0x9b: {  	s7 =	simm.s32 $0x1BFF;
	s21 =	sshll.u32 s6, $0x1;
	s4 =	sadd.s32 s4, s20  }
0x9c: {  	s22 =	simm.s32 $0x0;
	s5 =	sshll.u32 s5, $0x1;
	s6 =	sadd.s32 s21, s4  }
0x9d: {  	[timem:s22], [sflag:s7] =	dma.local [hbm:s6], s5  }
0x9e: {  	_ =	swait.ge [sflag:s7], s5  }
0x9f: {  	s5 =	ssub.s32 $0x0, s5;
	[sflag:s7] =	ssyncset.done $0x0  }
0xa0: {  	[sflag:s7] =	ssyncadd.s32 s5;
	_ =	sdelay $0x1  }
0xa1: {  	s23 =	simm.s32 $0x1B8B  }
0xa2: {  	_ =	swait.ge [sflag:s23], $0x1  }
0xa3: {  	[sflag:s23] =	ssyncset.done $0x0  }
0xa4: {  	[sflag:s23] =	ssyncadd.s32 $0xFFFFFFFF  }
0xa5: {  	s5 =	sld [smem:$0x0]  }
0xa6: {  	s6 =	sand.u32 $0xFFFFFFFE, s1  }
0xa7: {  	p0 =	sne.s32 s1, s6  }
0xa8: {  	s6 =	sshll.u32 @p0 s6, $0xE  }
0xa9: {  	s6 =	sadd.s32 @p0 $0x11B8D, s6;
	s7 =	sshll.u32 @p0 s5, $0x11  }
0xaa: {  	s6 =	sor.u32 @p0 s7, s6  }
0xab: {  	[sflag:s6] =	ssyncadd.remote.s32 @p0 $0x1;
	_ =	sdelay $0x1  }
0xac: {  	s6 =	simm.s32 @p0 $0x1B8D  }
0xad: {  	_ =	swait.eq @p0 [sflag:s6], $0x1  }
0xae: {  	[sflag:s6] =	ssyncadd.s32 @p0 $0xFFFFFFFF  }
0xaf: {  	s7 =	sshll.u32 @!p0 s1, $0xE  }
0xb0: {  	s7 =	sor.u32 @!p0 $0x4000, s7;
	s6 =	simm.s32 @!p0 $0x1B8D  }
0xb1: {  	s5 =	sshll.u32 @!p0 s5, $0x11;
	s7 =	sadd.s32 @!p0 $0x11B8D, s7;
	_ =	swait.eq @!p0 [sflag:s6], $0x1  }
0xb2: {  	s5 =	sor.u32 @!p0 s5, s7;
	[sflag:s6] =	ssyncadd.s32 @!p0 $0xFFFFFFFF  }
0xb3: {  	s25 =	simm.s32 $0x1B8E;
	s24 =	sld [smem:$0x3FFE];
	[sflag:s5] =	ssyncadd.remote.s32 @!p0 $0x1  }
0xb4: {  	s26 =	simm.s32 $execute0_lowered;
	[smem:$0x3FD2] =	sst s25  }
0xb5: {  	s6 =	sshll.u32 s26, $0x1;
	_ =	strace $0x8000004C;
	[dreg:$0x1] =	wrdreg $0xFFFFFFFF  }
0xb6: {  	s28 =	simm.s32 $_size_execute0_lowered;
	s4 =	sadd.s32 s4, s6;
	[dreg:$0x0] =	wrdreg $0x0  }
0xb7: {  	s6 =	sshll.u32 s28, $0x1;
	[dreg:$0x2] =	wrdreg s4  }
0xb8: {  	[dreg:$0x3] =	wrdreg s6  }
0xb9: {  	[dreg:$0x4] =	wrdreg $0xC0  }
0xba: {  	_ =	task [dreg:s22], $0x5FFFF  }
0xbb: {  	[dreg:$0x1] =	wrdreg $0xFFFFFFFF  }
0xbc: {  	[dreg:$0x0] =	wrdreg $0x60  }
0xbd: {  	[dreg:$0x2] =	wrdreg s18  }
0xbe: {  	[dreg:$0x3] =	wrdreg s24  }
0xbf: {  	[dreg:$0x4] =	wrdreg $0xFE000  }
0xc0: {  	[dreg:$0x5] =	wrdreg $0x9  }
0xc1: {  	_ =	task.clear_ibuf [dreg:s22], $0x6FFFF;
	_ =	strace $0x9000004C  }
0xc2: {  	s29 =	simm.s32 $0x9;
	_ =	strace $0x8000004E  }
0xc3: {  	_ =	swait.ge [sflag:s29], $0x1  }
0xc4: {  	[sflag:s29] =	ssyncadd.s32 $0xFFFFFFFF  }
0xc5: {  	_ =	strace $0x9000004E  }
0xc6: {  	_ =	sfence  }
0xc7: {  	s30 =	sld [smem:$0x0];
	_ =	sdelay $0x2  }
0xc8: {  	s31 =	sshll.u32 s1, $0xD;
	s1 =	sshrl.u32 s1, $0x2  }
0xc9: {  	s4 =	sand.u32 $0x4000, s31;
	s1 =	sadd.s32 s1, s30  }
0xca: {  	s0 =	sor.u32 s4, s0;
	s1 =	sshll.u32 s1, $0x11  }
0xcb: {  	s0 =	sor.u32 s1, s0  }
0xcc: {  	s0 =	sadd.s32 $0x8F2B, s0  }
0xcd: {  	[sflag:s0] =	ssyncadd.remote.s32 $0x1  }
0xce: {  	_ =	sfence.sel $0xFFFF  }
0xcf: {  	[dreg:$0x0] =	wrdreg $0xFFFFFFFF;
	(pc) =	sbr.abs _section_cstart, $3  }
0xd0: {  	[dreg:$0x1] =	wrdreg $0xFFFFFFFF  }
0xd1: {  	_ =	task.clear_ibuf [dreg:s22], $0x2FFFF;
	_ =	strace $0x9FFFFFFF  }
0xd2: {  	(tm) =	ssettm $0x7FFFFFFF  }
0xd3: {  	_ =	shalt  }
tec
execute0_lowered:
.L_overlay_start_1:
0x0: {  	(tag) =	ssettag $0x1  }
0x1: {  	s1 =	rddreg [dreg:$0x0]  }
0x2: {  	s0 =	srdreg.scid;
	s3 =	rddreg [dreg:$0x1]  }
0x3: {  	s12 =	stileid.u32;
	s9 =	rddreg [dreg:$0x2]  }
0x4: {  	s4 =	simm.s32 $0x0;
	s15 =	simm.s32 $0x3;
	s17 =	simm.s32 $0xEF00  }
0x5: {  	s18 =	simm.s32 $0x1;
	s19 =	simm.s32 $0x4F00;
	s20 =	simm.s32 $0x2  }
0x6: {  	s21 =	simm.s32 $0xF400;
	s22 =	simm.s32 $0x80;
	s23 =	simm.s32 $0x400  }
0x7: {  	s31 =	simm.s32 $0x0;
	s0 =	sand.u32 $0x1, s0;
	[smem:$0x7FF] =	sst s4  }
0x8: {  	s8 =	smul.u32 $0xA00, s12;
	s4 =	sadd.s32 $0x56D800, s3;
	s11 =	sshrl.u32 s12, $0x3  }
0x9: {  	s28 =	smul.u32 $0x5000, s12;
	s29 =	sshll.u32 s12, $0x7;
	s2 =	sshll.u32 s0, $0x4  }
0xa: {  	s6 =	smul.u32 $0xA000, s0;
	_ =	strace $0x8000004D;
	s0 =	ssub.s32 $0x2, s0  }
0xb: {  	s25 =	smul.u32 $0x50000, s11;
	s30 =	sand.u32 $0x380, s29;
	s5 =	sor.u32 s12, s2  }
0xc: {  	s24 =	sshrl.u32 s0, $0x1;
	s2 =	smul.u32 $0x2710, s5;
	s6 =	sadd.s32 s8, s6  }
0xd: {  	s0 =	ssub.s32 s0, s24;
	s5 =	smul.u32 $0x4E20, s5;
	s8 =	sshrl.u32 s25, $0x2  }
0xe: {  	s24 =	simm.s32 $0xF900;
	s25 =	simm.s32 $0x200;
	s6 =	sshrl.u32 s6, $0x3  }
0xf: {  	s8 =	sadd.s32 s8, s9;
	s14 =	smax.u32 s0, $0x1;
	s7 =	sshrl.u32 s2, $0x3  }
0x10: {  	s8 =	sadd.s32 s30, s8;
	s10 =	sadd.s32 s7, s3;
	s1 =	sadd.s32 s1, s7  }
0x11: {  	s3 =	sadd.s32 s6, s3;
	s7 =	sadd.s32 s4, s5;
	[dreg:$0x4] =	wrdreg s1  }
0x12: {  	s26 =	sadd.s32 $0xB600, s10;
	s1 =	sshrl.u32 s28, $0x2;
	s10 =	sadd.s32 $0x15400, s3  }
0x13: {  	v1 =	vlaneseq.u32;
	s11 =	sadd.s32 $0x15410, s3;
	s12 =	sadd.s32 $0x15420, s3;
	s13 =	sadd.s32 $0x15430, s3  }
0x14: {  	v0 =	vimm.f32 $0.0e+00;
	v1 =	vmul.u32 $0x10, v1;
	[dreg:$0x5] =	wrdreg s26;
	s9 =	sadd.s32 s1, s9;
	s26 =	simm.s32 $0xFB80  }
.LBB2_1:
0x15: {  	s0 =	simm.s32 $0x0;
	s1 =	rddreg [dreg:$0x4]  }
0x16: {  	[tilespmem:s0], [sflag:$0x3] =	stream.linear.gather [hbm4b:s1+s0], $0x2710, $0x38;
	[tilespmem:$0x12600] =	vst v63  }
0x17: {  	_ =	swait.ge [sflag:s15], $0x2710  }
0x18: {  	[sflag:s15] =	ssyncset.done $0x0  }
0x19: {  	s3 =	simm.s32 $0x2780;
	s30 =	rddreg [dreg:$0x5];
	[sflag:s15] =	ssyncadd.s32 $0xFFFFD8F0  }
0x1a: {  	[tilespmem:s3], [sflag:$0x3] =	stream.linear.gather [hbm4b:s30+s0], $0x2710, $0x38;
	[tilespmem:$0x12600] =	vst v63  }
0x1b: {  	_ =	swait.ge [sflag:s15], $0x2710  }
0x1c: {  	[sflag:s15] =	ssyncset.done $0x0  }
0x1d: {  	s1 =	simm.s32 $0x0;
	s0 =	simm.s32 $0x40;
	[sflag:s15] =	ssyncadd.s32 $0xFFFFD8F0  }
.LBB2_2:
0x1e: {  	p0 =	sne.s32 s0, $0x27FC0;
	[tilespmem:s1+$0x4F00] =	vst v0;
	s1 =	smov.u32 s0;
	s0 =	sadd.s32 $0x40, s0  }
.Ltmp0:
0x1f: {  	(pc) =	sbr.rel @p0 .LBB2_2-.Ltmp0, $2  }
0x20: {  	_ =	sdelay $0x2  }
0x21: {  	s1 =	sshra.s32 s1, $0x2  }
.Ltmp1:
0x22: {  	(pc) =	sbr.rel .LBB2_4-.Ltmp1, $3  }
0x23: {  	_ =	sdelay $0x1  }
0x24: {  	[tilespmem:s1+$0x4F00] =	vst v0;
	s16 =	simm.s32 $0x0;
	s1 =	simm.s32 $0x2780;
	s0 =	simm.s32 $0x0  }
0x25: {  	[tilespmem:s17], [sflag:$0x1] =	stream.linear.gather [hbm4b:s7+s16], $0x500, $0x38;
	[tilespmem:$0x12600] =	vst v63  }
.LBB2_12:
0x26: {  	p0 =	sne.s32 s16, $0x7D  }
.Ltmp2:
0x27: {  	_ = 	snop;
	(pc) =	sbr.rel @!p0 .LBB2_13-.Ltmp2, $2  }
0x28: {  	_ =	sdelay $0x2  }
0x29: {  	s0 =	sadd.s32 $0x50, s0;
	s1 =	sadd.s32 $0x50, s1  }
.LBB2_4:
0x2a: {  	p0 =	seq.s32 s16, $0x7C;
	s28 =	sand.u32 $0x1, s16  }
0x2b: {  	p1 =	sne.s32 @!p0 s28, $0x0  }
0x2c: {  	s16 =	sadd.s32 $0x1, s16;
	p0 =	por p1, p0  }
0x2d: {  	s3 =	smul.u32 @!p0 $0x50, s16;
	_ =	sdelay $0x1  }
0x2e: {  	s3 =	sadd.s32 @!p0 s2, s3  }
0x2f: {  	s3 =	sshll.u32 @!p0 s3, $0x1  }
0x30: {  	p1 =	seq.s32 s28, $0x0;
	s5 =	simm.s32 @!p0 $0x0;
	s3 =	sand.u32 @!p0 $0x1FFFFFE0, s3  }
0x31: {  	s29 =	simm.s32 @!p0 $0xF400;
	s30 =	smul.u32 @!p1 $0x50, s16;
	s3 =	sadd.s32 @!p0 s4, s3  }
0x32: {  	[tilespmem:s29], [sflag:$0x2] =	stream.linear.gather @!p0 [hbm4b:s3+s5], $0x500, $0x38;
	[tilespmem:$0x12600] =	vst v63  }
0x33: {  	p0 =	sne.s32 s28, $0x0  }
.Ltmp3:
0x34: {  	s3 =	sadd.s32 @!p1 s2, s30;
	(pc) =	sbr.rel @p0 .LBB2_8-.Ltmp3, $4  }
0x35: {  	s3 =	sshll.u32 @!p1 s3, $0x1  }
0x36: {  	s3 =	sand.u32 @!p1 $0x1FFFFFE0, s3  }
0x37: {  	s5 =	simm.s32 @!p1 $0x0;
	s29 =	simm.s32 @!p1 $0xEF00;
	s3 =	sadd.s32 @!p1 s4, s3  }
0x38: {  	[tilespmem:s29], [sflag:$0x1] =	stream.linear.gather @!p1 [hbm4b:s3+s5], $0x500, $0x38;
	[tilespmem:$0x12600] =	vst v63  }
0x39: {  	_ =	swait.ge [sflag:s18], $0x500  }
0x3a: {  	[sflag:s18] =	ssyncset.done $0x0  }
0x3b: {  	[sflag:s18] =	ssyncadd.s32 $0xFFFFFB00  }
0x3c: {  	v3 =	vld [tilespmem:s1+$0x0]  }
0x3d: {  	s3 =	simm.s32 $0x0  }
0x3e: {  	v4 =	vmov s3  }
0x3f: {  	v4 =	vshll.u32 v4, $0x4;
	v2 =	vld [tilespmem:s0+$0x0]  }
0x40: {  	v7 =	vor.u32 v1, v4;
	_ =	sdelay $0x3  }
0x41: {  	[tilespmem:v3+s19+$0x0] =	vst.idx.add.f32.msk $0xffff, v2  }
0x42: {  	v5 =	vld.idx.msk [tilespmem:v7+s17+$0x0], $0xffff  }
0x43: {  	s3 =	sadd.s32 $0x10, s1  }
0x44: {  	v4 =	vld [tilespmem:s3+$0x0];
	v8 =	vadd.s32 $0x2800, v3  }
0x45: {  	s5 =	simm.s32 $0x10;
	v9 =	vor.u32 $0x1, v7  }
0x46: {  	s6 =	sadd.s32 $0x10, s0;
	v6 =	vmov s5  }
0x47: {  	v6 =	vshll.u32 v6, $0x4;
	v10 =	vmul.f32 v5, v2;
	v5 =	vld [tilespmem:s6+$0x0]  }
0x48: {  	v6 =	vor.u32 v1, v6  }
0x49: {  	[tilespmem:v8+s19+$0x0] =	vst.idx.add.f32.msk $0xffff, v10  }
0x4a: {  	v12 =	vld.idx.msk [tilespmem:v9+s17+$0x0], $0xffff;
	_ =	sdelay $0x1  }
0x4b: {  	v8 =	vadd.s32 $0x5000, v3;
	[tilespmem:v4+s19+$0x0] =	vst.idx.add.f32.msk $0xffff, v5  }
0x4c: {  	v9 =	vor.u32 $0x2, v7;
	v10 =	vld.idx.msk [tilespmem:v6+s17+$0x0], $0xffff  }
0x4d: {  	s29 =	sadd.s32 $0x10, s3  }
0x4e: {  	s30 =	simm.s32 $0x20;
	s5 =	simm.s32 $0x30;
	s3 =	sadd.s32 $0x10, s6;
	v11 =	vadd.s32 $0x2800, v4;
	v7 =	vld [tilespmem:s29+$0x0];
	v12 =	vmul.f32 v12, v2  }
.LBB2_6:
0x4f: {  	p0 =	sne.s32 s5, $0x40;
	v13 =	vld [tilespmem:s3+$0x0];
	v14 =	vor.u32 $0x1, v6  }
0x50: {  	v15 =	vmov s30;
	s30 =	smov.u32 s5;
	[tilespmem:v8+s19+$0x0] =	vst.idx.add.f32.msk $0xffff, v12  }
0x51: {  	v8 =	vshll.u32 v15, $0x4;
	v10 =	vmul.f32 v10, v5;
	v9 =	vld.idx.msk [tilespmem:v9+s17+$0x0], $0xffff  }
0x52: {  	v12 =	vor.u32 v1, v8  }
0x53: {  	[tilespmem:v11+s19+$0x0] =	vst.idx.add.f32.msk $0xffff, v10  }
0x54: {  	v11 =	vadd.s32 $0x7800, v3;
	v3 =	vmov v4;
	v4 =	vmov v7;
	v14 =	vld.idx.msk [tilespmem:v14+s17+$0x0], $0xffff;
	_ =	sdelay $0x1  }
.Ltmp4:
0x55: {  	[tilespmem:v7+s19+$0x0] =	vst.idx.add.f32.msk $0xffff, v13;
	(pc) =	sbr.rel @p0 .LBB2_6-.Ltmp4, $4  }
0x56: {  	v8 =	vadd.s32 $0x5000, v3;
	v7 =	vmul.f32 v9, v2;
	v2 =	vmovc v5;
	v5 =	vmov v13;
	v10 =	vld.idx.msk [tilespmem:v12+s17+$0x0], $0xffff  }
0x57: {  	v9 =	vor.u32 $0x2, v6;
	v6 =	vmov v12  }
0x58: {  	s29 =	sadd.s32 $0x10, s29;
	[tilespmem:v11+s19+$0x0] =	vst.idx.add.f32.msk $0xffff, v7  }
0x59: {  	s5 =	sadd.s32 $0x10, s5;
	s3 =	sadd.s32 $0x10, s3;
	v11 =	vadd.s32 $0x2800, v4;
	v12 =	vmul.f32 v14, v2;
	v7 =	vld [tilespmem:s29+$0x0]  }
0x5a: {  	_ =	sdelay $0x1  }
0x5b: {  	v13 =	vmov s30  }
0x5c: {  	v14 =	vld [tilespmem:s3+$0x0];
	v13 =	vshll.u32 v13, $0x4  }
0x5d: {  	v13 =	vor.u32 v1, v13;
	_ =	sdelay $0x3  }
0x5e: {  	[tilespmem:v7+s19+$0x0] =	vst.idx.add.f32.msk $0xffff, v14  }
0x5f: {  	v15 =	vld.idx.msk [tilespmem:v13+s17+$0x0], $0xffff  }
0x60: {  	v16 =	vor.u32 $0x1, v6  }
0x61: {  	v17 =	vadd.s32 $0x2800, v7  }
0x62: {  	v10 =	vmul.f32 v10, v5;
	v18 =	vor.u32 $0x1, v13;
	_ =	sdelay $0x1  }
0x63: {  	[tilespmem:v11+s19+$0x0] =	vst.idx.add.f32.msk $0xffff, v10;
	v53 =	vmul.f32 v15, v14  }
0x64: {  	v11 =	vld.idx.msk [tilespmem:v16+s17+$0x0], $0xffff  }
0x65: {  	[tilespmem:v17+s19+$0x0] =	vst.idx.add.f32.msk $0xffff, v53  }
0x66: {  	v54 =	vadd.s32 $0x5000, v4;
	v55 =	vld.idx.msk [tilespmem:v18+s17+$0x0], $0xffff  }
0x67: {  	v56 =	vor.u32 $0x2, v6  }
0x68: {  	v57 =	vadd.s32 $0x5000, v7  }
0x69: {  	[tilespmem:v8+s19+$0x0] =	vst.idx.add.f32.msk $0xffff, v12;
	v59 =	vor.u32 $0x2, v13;
	v58 =	vmul.f32 v11, v5  }
0x6a: {  	v9 =	vld.idx.msk [tilespmem:v9+s17+$0x0], $0xffff  }
0x6b: {  	[tilespmem:v54+s19+$0x0] =	vst.idx.add.f32.msk $0xffff, v58;
	v60 =	vmul.f32 v55, v14  }
0x6c: {  	v6 =	vld.idx.msk [tilespmem:v56+s17+$0x0], $0xffff  }
0x6d: {  	[tilespmem:v57+s19+$0x0] =	vst.idx.add.f32.msk $0xffff, v60  }
0x6e: {  	v3 =	vadd.s32 $0x7800, v3;
	v8 =	vld.idx.msk [tilespmem:v59+s17+$0x0], $0xffff  }
0x6f: {  	v61 =	vadd.s32 $0x7800, v4  }
0x70: {  	v62 =	vadd.s32 $0x7800, v7  }
0x71: {  	v2 =	vmul.f32 v9, v2  }
0x72: {  	v63 =	vmul.f32 v6, v5  }
0x73: {  	[tilespmem:v3+s19+$0x0] =	vst.idx.add.f32.msk $0xffff, v2;
	v2 =	vmul.f32 v8, v14  }
0x74: {  	[tilespmem:v61+s19+$0x0] =	vst.idx.add.f32.msk $0xffff, v63  }
0x75: {  	[tilespmem:v62+s19+$0x0] =	vst.idx.add.f32.msk $0xffff, v2  }
.LBB2_8:
0x76: {  	p0 =	seq.s32 s28, $0x1  }
.Ltmp5:
0x77: {  	_ = 	snop;
	(pc) =	sbr.rel @!p0 .LBB2_12-.Ltmp5, $1  }
0x78: {  	_ =	sdelay $0x3  }
0x79: {  	_ =	swait.ge [sflag:s20], $0x500  }
0x7a: {  	[sflag:s20] =	ssyncset.done $0x0  }
0x7b: {  	[sflag:s20] =	ssyncadd.s32 $0xFFFFFB00  }
0x7c: {  	v3 =	vld [tilespmem:s1+$0x0]  }
0x7d: {  	s3 =	simm.s32 $0x0  }
0x7e: {  	v4 =	vmov s3  }
0x7f: {  	v4 =	vshll.u32 v4, $0x4;
	v2 =	vld [tilespmem:s0+$0x0]  }
0x80: {  	v7 =	vor.u32 v1, v4;
	_ =	sdelay $0x3  }
0x81: {  	[tilespmem:v3+s19+$0x0] =	vst.idx.add.f32.msk $0xffff, v2  }
0x82: {  	v5 =	vld.idx.msk [tilespmem:v7+s21+$0x0], $0xffff  }
0x83: {  	s30 =	sadd.s32 $0x10, s1  }
0x84: {  	v4 =	vld [tilespmem:s30+$0x0];
	v8 =	vadd.s32 $0x2800, v3  }
0x85: {  	s5 =	simm.s32 $0x10;
	v9 =	vor.u32 $0x1, v7  }
0x86: {  	s6 =	sadd.s32 $0x10, s0;
	v6 =	vmov s5  }
0x87: {  	v6 =	vshll.u32 v6, $0x4;
	v10 =	vmul.f32 v5, v2;
	v5 =	vld [tilespmem:s6+$0x0]  }
0x88: {  	v6 =	vor.u32 v1, v6  }
0x89: {  	[tilespmem:v8+s19+$0x0] =	vst.idx.add.f32.msk $0xffff, v10  }
0x8a: {  	v12 =	vld.idx.msk [tilespmem:v9+s21+$0x0], $0xffff;
	_ =	sdelay $0x1  }
0x8b: {  	v8 =	vadd.s32 $0x5000, v3;
	[tilespmem:v4+s19+$0x0] =	vst.idx.add.f32.msk $0xffff, v5  }
0x8c: {  	v9 =	vor.u32 $0x2, v7;
	v10 =	vld.idx.msk [tilespmem:v6+s21+$0x0], $0xffff  }
0x8d: {  	s28 =	sadd.s32 $0x10, s30  }
0x8e: {  	s29 =	simm.s32 $0x20;
	s5 =	simm.s32 $0x30;
	s3 =	sadd.s32 $0x10, s6;
	v11 =	vadd.s32 $0x2800, v4;
	v7 =	vld [tilespmem:s28+$0x0];
	v12 =	vmul.f32 v12, v2  }
.LBB2_10:
0x8f: {  	p0 =	sne.s32 s5, $0x40;
	v13 =	vld [tilespmem:s3+$0x0];
	v14 =	vor.u32 $0x1, v6  }
0x90: {  	v15 =	vmov s29;
	s29 =	smov.u32 s5;
	[tilespmem:v8+s19+$0x0] =	vst.idx.add.f32.msk $0xffff, v12  }
0x91: {  	v8 =	vshll.u32 v15, $0x4;
	v10 =	vmul.f32 v10, v5;
	v9 =	vld.idx.msk [tilespmem:v9+s21+$0x0], $0xffff  }
0x92: {  	v12 =	vor.u32 v1, v8  }
0x93: {  	[tilespmem:v11+s19+$0x0] =	vst.idx.add.f32.msk $0xffff, v10  }
0x94: {  	v11 =	vadd.s32 $0x7800, v3;
	v3 =	vmov v4;
	v4 =	vmov v7;
	v14 =	vld.idx.msk [tilespmem:v14+s21+$0x0], $0xffff;
	_ =	sdelay $0x1  }
.Ltmp6:
0x95: {  	[tilespmem:v7+s19+$0x0] =	vst.idx.add.f32.msk $0xffff, v13;
	(pc) =	sbr.rel @p0 .LBB2_10-.Ltmp6, $4  }
0x96: {  	v8 =	vadd.s32 $0x5000, v3;
	v7 =	vmul.f32 v9, v2;
	v2 =	vmovc v5;
	v5 =	vmov v13;
	v10 =	vld.idx.msk [tilespmem:v12+s21+$0x0], $0xffff  }
0x97: {  	v9 =	vor.u32 $0x2, v6;
	v6 =	vmov v12  }
0x98: {  	s28 =	sadd.s32 $0x10, s28;
	[tilespmem:v11+s19+$0x0] =	vst.idx.add.f32.msk $0xffff, v7  }
0x99: {  	s5 =	sadd.s32 $0x10, s5;
	s3 =	sadd.s32 $0x10, s3;
	v11 =	vadd.s32 $0x2800, v4;
	v12 =	vmul.f32 v14, v2;
	v7 =	vld [tilespmem:s28+$0x0]  }
0x9a: {  	_ =	sdelay $0x1  }
0x9b: {  	v13 =	vmov s29  }
0x9c: {  	v14 =	vld [tilespmem:s3+$0x0];
	v13 =	vshll.u32 v13, $0x4  }
0x9d: {  	v13 =	vor.u32 v1, v13;
	_ =	sdelay $0x3  }
0x9e: {  	[tilespmem:v7+s19+$0x0] =	vst.idx.add.f32.msk $0xffff, v14  }
0x9f: {  	v15 =	vld.idx.msk [tilespmem:v13+s21+$0x0], $0xffff  }
0xa0: {  	v16 =	vor.u32 $0x1, v6  }
0xa1: {  	v17 =	vadd.s32 $0x2800, v7  }
0xa2: {  	v10 =	vmul.f32 v10, v5;
	v18 =	vor.u32 $0x1, v13;
	_ =	sdelay $0x1  }
0xa3: {  	[tilespmem:v11+s19+$0x0] =	vst.idx.add.f32.msk $0xffff, v10;
	v53 =	vmul.f32 v15, v14  }
0xa4: {  	v11 =	vld.idx.msk [tilespmem:v16+s21+$0x0], $0xffff  }
0xa5: {  	[tilespmem:v17+s19+$0x0] =	vst.idx.add.f32.msk $0xffff, v53  }
0xa6: {  	v54 =	vadd.s32 $0x5000, v4;
	v55 =	vld.idx.msk [tilespmem:v18+s21+$0x0], $0xffff  }
0xa7: {  	v56 =	vor.u32 $0x2, v6  }
0xa8: {  	v57 =	vadd.s32 $0x5000, v7  }
0xa9: {  	[tilespmem:v8+s19+$0x0] =	vst.idx.add.f32.msk $0xffff, v12;
	v59 =	vor.u32 $0x2, v13;
	v58 =	vmul.f32 v11, v5  }
0xaa: {  	v9 =	vld.idx.msk [tilespmem:v9+s21+$0x0], $0xffff  }
0xab: {  	[tilespmem:v54+s19+$0x0] =	vst.idx.add.f32.msk $0xffff, v58;
	v60 =	vmul.f32 v55, v14  }
0xac: {  	v6 =	vld.idx.msk [tilespmem:v56+s21+$0x0], $0xffff  }
0xad: {  	[tilespmem:v57+s19+$0x0] =	vst.idx.add.f32.msk $0xffff, v60  }
0xae: {  	v3 =	vadd.s32 $0x7800, v3;
	v8 =	vld.idx.msk [tilespmem:v59+s21+$0x0], $0xffff  }
0xaf: {  	v61 =	vadd.s32 $0x7800, v4  }
0xb0: {  	v62 =	vadd.s32 $0x7800, v7  }
.Ltmp7:
0xb1: {  	v2 =	vmul.f32 v9, v2;
	(pc) =	sbr.rel .LBB2_12-.Ltmp7, $4  }
0xb2: {  	v63 =	vmul.f32 v6, v5  }
0xb3: {  	[tilespmem:v3+s19+$0x0] =	vst.idx.add.f32.msk $0xffff, v2;
	v2 =	vmul.f32 v8, v14  }
0xb4: {  	[tilespmem:v61+s19+$0x0] =	vst.idx.add.f32.msk $0xffff, v63  }
0xb5: {  	[tilespmem:v62+s19+$0x0] =	vst.idx.add.f32.msk $0xffff, v2  }
.LBB2_13:
0xb6: {  	[spmem:s8] =	stream.strided.scatter [tilespmem:s19], [sflag:$0x3], $0x2800, s23, s22, $0x38;
	[tilespmem:$0x12600] =	vst v63  }
0xb7: {  	_ =	swait.ge [sflag:s15], $0x2800  }
0xb8: {  	[sflag:s15] =	ssyncset.done $0x0  }
0xb9: {  	[sflag:s15] =	ssyncadd.s32 $0xFFFFD800  }
0xba: {  	[bflag:$0x0] =	sbarrier.arrive $0xFFFF  }
0xbb: {  	[tilespmem:$0xFB80] =	vst v0  }
0xbc: {  	[tilespmem:$0xFB90] =	vst v0  }
0xbd: {  	[tilespmem:$0xFBA0] =	vst v0  }
0xbe: {  	[tilespmem:$0xFBB0] =	vst v0  }
0xbf: {  	[tilespmem:$0xFBC0] =	vst v0  }
0xc0: {  	[tilespmem:$0xFBD0] =	vst v0  }
0xc1: {  	[tilespmem:$0xFBE0] =	vst v0  }
0xc2: {  	[tilespmem:$0xFBF0] =	vst v0  }
0xc3: {  	[tilespmem:$0xFC00] =	vst v0  }
0xc4: {  	[tilespmem:$0xFC10] =	vst v0  }
0xc5: {  	[tilespmem:$0xFC20] =	vst v0  }
0xc6: {  	[tilespmem:$0xFC30] =	vst v0  }
0xc7: {  	[tilespmem:$0xFC40] =	vst v0  }
0xc8: {  	[tilespmem:$0xFC50] =	vst v0  }
0xc9: {  	[tilespmem:$0xFC60] =	vst v0  }
0xca: {  	[tilespmem:$0xFC70] =	vst v0  }
0xcb: {  	[tilespmem:$0xFC80] =	vst v0  }
0xcc: {  	[tilespmem:$0xFC90] =	vst v0  }
0xcd: {  	[tilespmem:$0xFCA0] =	vst v0  }
0xce: {  	[tilespmem:$0xFCB0] =	vst v0  }
0xcf: {  	[tilespmem:$0xFCC0] =	vst v0  }
0xd0: {  	[tilespmem:$0xFCD0] =	vst v0  }
0xd1: {  	[tilespmem:$0xFCE0] =	vst v0  }
0xd2: {  	[tilespmem:$0xFCF0] =	vst v0  }
0xd3: {  	[tilespmem:$0xFD00] =	vst v0  }
0xd4: {  	[tilespmem:$0xFD10] =	vst v0  }
0xd5: {  	[tilespmem:$0xFD20] =	vst v0  }
0xd6: {  	[tilespmem:$0xFD30] =	vst v0  }
0xd7: {  	[tilespmem:$0xFD40] =	vst v0  }
0xd8: {  	[tilespmem:$0xFD50] =	vst v0  }
0xd9: {  	[tilespmem:$0xFD60] =	vst v0  }
0xda: {  	[tilespmem:$0xFD70] =	vst v0  }
0xdb: {  	[tilespmem:$0xFD80] =	vst v0  }
0xdc: {  	[tilespmem:$0xFD90] =	vst v0  }
0xdd: {  	[tilespmem:$0xFDA0] =	vst v0  }
0xde: {  	[tilespmem:$0xFDB0] =	vst v0  }
0xdf: {  	[tilespmem:$0xFDC0] =	vst v0  }
0xe0: {  	[tilespmem:$0xFDD0] =	vst v0  }
0xe1: {  	[tilespmem:$0xFDE0] =	vst v0  }
0xe2: {  	s0 =	simm.s32 $0x0;
	[tilespmem:$0xFDF0] =	vst v0  }
.LBB2_14:
0xe3: {  	s1 =	sshrl.u32 s0, $0x3  }
0xe4: {  	s1 =	smul.u32 $0x50000, s1;
	_ =	sdelay $0x1  }
0xe5: {  	s3 =	sshll.u32 s0, $0x7;
	s1 =	sshra.s32 s1, $0x2  }
0xe6: {  	s3 =	sand.u32 $0x380, s3;
	s1 =	sadd.s32 s1, s9  }
0xe7: {  	s1 =	sadd.s32 s3, s1  }
0xe8: {  	[tilespmem:s24], [sflag:$0x3] =	stream.strided.gather [spmem:s1], $0x280, s23, s22, $0x38;
	[tilespmem:$0x12600] =	vst v63  }
0xe9: {  	_ =	swait.ge [sflag:s15], $0x280  }
0xea: {  	[sflag:s15] =	ssyncset.done $0x0  }
0xeb: {  	s1 =	simm.s32 $0x0;
	[sflag:s15] =	ssyncadd.s32 $0xFFFFFD80  }
0xec: {  	s3 =	simm.s32 $0x40;
	v2 =	vld [tilespmem:s1+$0xF900]  }
.LBB2_15:
0xed: {  	p0 =	sne.s32 s3, $0x9C0;
	v3 =	vld [tilespmem:s1+$0xFB80];
	_ =	sdelay $0x2  }
.Ltmp8:
0xee: {  	(pc) =	sbr.rel @p0 .LBB2_15-.Ltmp8, $4  }
0xef: {  	_ = 	snop  }
0xf0: {  	v3 =	vadd.f32 v2, v3  }
0xf1: {  	s5 =	sshra.s32 s3, $0x2  }
0xf2: {  	s3 =	sadd.s32 $0x40, s3;
	v2 =	vld [tilespmem:s5+$0xF900];
	[tilespmem:s1+$0xFB80] =	vst v3;
	s1 =	smov.u32 s5  }
0xf3: {  	v3 =	vld [tilespmem:s1+$0xFB80]  }
0xf4: {  	s0 =	sadd.s32 $0x1, s0  }
0xf5: {  	p0 =	sne.s32 s0, $0x10  }
.Ltmp9:
0xf6: {  	_ = 	snop;
	(pc) =	sbr.rel @p0 .LBB2_14-.Ltmp9, $3  }
0xf7: {  	_ = 	snop  }
0xf8: {  	v2 =	vadd.f32 v2, v3;
	_ =	sdelay $0x1  }
0xf9: {  	[tilespmem:s1+$0xFB80] =	vst v2  }
0xfa: {  	[hbm4b:s10+s22] =	stream.strided.scatter [tilespmem:s26], [sflag:$0x3], $0x280, s25, s22, $0x38;
	[tilespmem:$0x12600] =	vst v63  }
0xfb: {  	_ =	swait.ge [sflag:s15], $0x280  }
0xfc: {  	[sflag:s15] =	ssyncset.done $0x0  }
0xfd: {  	[sflag:s15] =	ssyncadd.s32 $0xFFFFFD80  }
0xfe: {  	s0 =	simm.s32 $0x7700;
	[bflag:$0x0] =	sbarrier.arrive $0xFFFF  }
0xff: {  	[spmem:s8] =	stream.strided.scatter [tilespmem:s0], [sflag:$0x3], $0x2800, s23, s22, $0x38;
	[tilespmem:$0x12600] =	vst v63  }
0x100: {  	_ =	swait.ge [sflag:s15], $0x2800  }
0x101: {  	[sflag:s15] =	ssyncset.done $0x0  }
0x102: {  	[sflag:s15] =	ssyncadd.s32 $0xFFFFD800  }
0x103: {  	[bflag:$0x0] =	sbarrier.arrive $0xFFFF  }
0x104: {  	[tilespmem:$0xFB80] =	vst v0  }
0x105: {  	[tilespmem:$0xFB90] =	vst v0  }
0x106: {  	[tilespmem:$0xFBA0] =	vst v0  }
0x107: {  	[tilespmem:$0xFBB0] =	vst v0  }
0x108: {  	[tilespmem:$0xFBC0] =	vst v0  }
0x109: {  	[tilespmem:$0xFBD0] =	vst v0  }
0x10a: {  	[tilespmem:$0xFBE0] =	vst v0  }
0x10b: {  	[tilespmem:$0xFBF0] =	vst v0  }
0x10c: {  	[tilespmem:$0xFC00] =	vst v0  }
0x10d: {  	[tilespmem:$0xFC10] =	vst v0  }
0x10e: {  	[tilespmem:$0xFC20] =	vst v0  }
0x10f: {  	[tilespmem:$0xFC30] =	vst v0  }
0x110: {  	[tilespmem:$0xFC40] =	vst v0  }
0x111: {  	[tilespmem:$0xFC50] =	vst v0  }
0x112: {  	[tilespmem:$0xFC60] =	vst v0  }
0x113: {  	[tilespmem:$0xFC70] =	vst v0  }
0x114: {  	[tilespmem:$0xFC80] =	vst v0  }
0x115: {  	[tilespmem:$0xFC90] =	vst v0  }
0x116: {  	[tilespmem:$0xFCA0] =	vst v0  }
0x117: {  	[tilespmem:$0xFCB0] =	vst v0  }
0x118: {  	[tilespmem:$0xFCC0] =	vst v0  }
0x119: {  	[tilespmem:$0xFCD0] =	vst v0  }
0x11a: {  	[tilespmem:$0xFCE0] =	vst v0  }
0x11b: {  	[tilespmem:$0xFCF0] =	vst v0  }
0x11c: {  	[tilespmem:$0xFD00] =	vst v0  }
0x11d: {  	[tilespmem:$0xFD10] =	vst v0  }
0x11e: {  	[tilespmem:$0xFD20] =	vst v0  }
0x11f: {  	[tilespmem:$0xFD30] =	vst v0  }
0x120: {  	[tilespmem:$0xFD40] =	vst v0  }
0x121: {  	[tilespmem:$0xFD50] =	vst v0  }
0x122: {  	[tilespmem:$0xFD60] =	vst v0  }
0x123: {  	[tilespmem:$0xFD70] =	vst v0  }
0x124: {  	[tilespmem:$0xFD80] =	vst v0  }
0x125: {  	[tilespmem:$0xFD90] =	vst v0  }
0x126: {  	[tilespmem:$0xFDA0] =	vst v0  }
0x127: {  	[tilespmem:$0xFDB0] =	vst v0  }
0x128: {  	[tilespmem:$0xFDC0] =	vst v0  }
0x129: {  	[tilespmem:$0xFDD0] =	vst v0  }
0x12a: {  	[tilespmem:$0xFDE0] =	vst v0  }
0x12b: {  	s0 =	simm.s32 $0x0;
	[tilespmem:$0xFDF0] =	vst v0  }
.LBB2_18:
0x12c: {  	s1 =	sshrl.u32 s0, $0x3  }
0x12d: {  	s1 =	smul.u32 $0x50000, s1;
	_ =	sdelay $0x1  }
0x12e: {  	s3 =	sshll.u32 s0, $0x7;
	s1 =	sshra.s32 s1, $0x2  }
0x12f: {  	s3 =	sand.u32 $0x380, s3;
	s1 =	sadd.s32 s1, s9  }
0x130: {  	s1 =	sadd.s32 s3, s1  }
0x131: {  	[tilespmem:s24], [sflag:$0x3] =	stream.strided.gather [spmem:s1], $0x280, s23, s22, $0x38;
	[tilespmem:$0x12600] =	vst v63  }
0x132: {  	_ =	swait.ge [sflag:s15], $0x280  }
0x133: {  	[sflag:s15] =	ssyncset.done $0x0  }
0x134: {  	s1 =	simm.s32 $0x0;
	[sflag:s15] =	ssyncadd.s32 $0xFFFFFD80  }
0x135: {  	s3 =	simm.s32 $0x40;
	v2 =	vld [tilespmem:s1+$0xF900]  }
.LBB2_19:
0x136: {  	p0 =	sne.s32 s3, $0x9C0;
	v3 =	vld [tilespmem:s1+$0xFB80];
	_ =	sdelay $0x2  }
.Ltmp10:
0x137: {  	(pc) =	sbr.rel @p0 .LBB2_19-.Ltmp10, $4  }
0x138: {  	_ = 	snop  }
0x139: {  	v3 =	vadd.f32 v2, v3  }
0x13a: {  	s5 =	sshra.s32 s3, $0x2  }
0x13b: {  	s3 =	sadd.s32 $0x40, s3;
	v2 =	vld [tilespmem:s5+$0xF900];
	[tilespmem:s1+$0xFB80] =	vst v3;
	s1 =	smov.u32 s5  }
0x13c: {  	v3 =	vld [tilespmem:s1+$0xFB80]  }
0x13d: {  	s0 =	sadd.s32 $0x1, s0  }
0x13e: {  	p0 =	sne.s32 s0, $0x10  }
.Ltmp11:
0x13f: {  	_ = 	snop;
	(pc) =	sbr.rel @p0 .LBB2_18-.Ltmp11, $3  }
0x140: {  	_ = 	snop  }
0x141: {  	v2 =	vadd.f32 v2, v3;
	_ =	sdelay $0x1  }
0x142: {  	[tilespmem:s1+$0xFB80] =	vst v2  }
0x143: {  	[hbm4b:s11+s22] =	stream.strided.scatter [tilespmem:s26], [sflag:$0x3], $0x280, s25, s22, $0x38;
	[tilespmem:$0x12600] =	vst v63  }
0x144: {  	_ =	swait.ge [sflag:s15], $0x280  }
0x145: {  	[sflag:s15] =	ssyncset.done $0x0  }
0x146: {  	[sflag:s15] =	ssyncadd.s32 $0xFFFFFD80  }
0x147: {  	s0 =	simm.s32 $0x9F00;
	[bflag:$0x0] =	sbarrier.arrive $0xFFFF  }
0x148: {  	[spmem:s8] =	stream.strided.scatter [tilespmem:s0], [sflag:$0x3], $0x2800, s23, s22, $0x38;
	[tilespmem:$0x12600] =	vst v63  }
0x149: {  	_ =	swait.ge [sflag:s15], $0x2800  }
0x14a: {  	[sflag:s15] =	ssyncset.done $0x0  }
0x14b: {  	[sflag:s15] =	ssyncadd.s32 $0xFFFFD800  }
0x14c: {  	[bflag:$0x0] =	sbarrier.arrive $0xFFFF  }
0x14d: {  	[tilespmem:$0xFB80] =	vst v0  }
0x14e: {  	[tilespmem:$0xFB90] =	vst v0  }
0x14f: {  	[tilespmem:$0xFBA0] =	vst v0  }
0x150: {  	[tilespmem:$0xFBB0] =	vst v0  }
0x151: {  	[tilespmem:$0xFBC0] =	vst v0  }
0x152: {  	[tilespmem:$0xFBD0] =	vst v0  }
0x153: {  	[tilespmem:$0xFBE0] =	vst v0  }
0x154: {  	[tilespmem:$0xFBF0] =	vst v0  }
0x155: {  	[tilespmem:$0xFC00] =	vst v0  }
0x156: {  	[tilespmem:$0xFC10] =	vst v0  }
0x157: {  	[tilespmem:$0xFC20] =	vst v0  }
0x158: {  	[tilespmem:$0xFC30] =	vst v0  }
0x159: {  	[tilespmem:$0xFC40] =	vst v0  }
0x15a: {  	[tilespmem:$0xFC50] =	vst v0  }
0x15b: {  	[tilespmem:$0xFC60] =	vst v0  }
0x15c: {  	[tilespmem:$0xFC70] =	vst v0  }
0x15d: {  	[tilespmem:$0xFC80] =	vst v0  }
0x15e: {  	[tilespmem:$0xFC90] =	vst v0  }
0x15f: {  	[tilespmem:$0xFCA0] =	vst v0  }
0x160: {  	[tilespmem:$0xFCB0] =	vst v0  }
0x161: {  	[tilespmem:$0xFCC0] =	vst v0  }
0x162: {  	[tilespmem:$0xFCD0] =	vst v0  }
0x163: {  	[tilespmem:$0xFCE0] =	vst v0  }
0x164: {  	[tilespmem:$0xFCF0] =	vst v0  }
0x165: {  	[tilespmem:$0xFD00] =	vst v0  }
0x166: {  	[tilespmem:$0xFD10] =	vst v0  }
0x167: {  	[tilespmem:$0xFD20] =	vst v0  }
0x168: {  	[tilespmem:$0xFD30] =	vst v0  }
0x169: {  	[tilespmem:$0xFD40] =	vst v0  }
0x16a: {  	[tilespmem:$0xFD50] =	vst v0  }
0x16b: {  	[tilespmem:$0xFD60] =	vst v0  }
0x16c: {  	[tilespmem:$0xFD70] =	vst v0  }
0x16d: {  	[tilespmem:$0xFD80] =	vst v0  }
0x16e: {  	[tilespmem:$0xFD90] =	vst v0  }
0x16f: {  	[tilespmem:$0xFDA0] =	vst v0  }
0x170: {  	[tilespmem:$0xFDB0] =	vst v0  }
0x171: {  	[tilespmem:$0xFDC0] =	vst v0  }
0x172: {  	[tilespmem:$0xFDD0] =	vst v0  }
0x173: {  	[tilespmem:$0xFDE0] =	vst v0  }
0x174: {  	s0 =	simm.s32 $0x0;
	[tilespmem:$0xFDF0] =	vst v0  }
.LBB2_22:
0x175: {  	s1 =	sshrl.u32 s0, $0x3  }
0x176: {  	s1 =	smul.u32 $0x50000, s1;
	_ =	sdelay $0x1  }
0x177: {  	s3 =	sshll.u32 s0, $0x7;
	s1 =	sshra.s32 s1, $0x2  }
0x178: {  	s3 =	sand.u32 $0x380, s3;
	s1 =	sadd.s32 s1, s9  }
0x179: {  	s1 =	sadd.s32 s3, s1  }
0x17a: {  	[tilespmem:s24], [sflag:$0x3] =	stream.strided.gather [spmem:s1], $0x280, s23, s22, $0x38;
	[tilespmem:$0x12600] =	vst v63  }
0x17b: {  	_ =	swait.ge [sflag:s15], $0x280  }
0x17c: {  	[sflag:s15] =	ssyncset.done $0x0  }
0x17d: {  	s1 =	simm.s32 $0x0;
	[sflag:s15] =	ssyncadd.s32 $0xFFFFFD80  }
0x17e: {  	s3 =	simm.s32 $0x40;
	v2 =	vld [tilespmem:s1+$0xF900]  }
.LBB2_23:
0x17f: {  	p0 =	sne.s32 s3, $0x9C0;
	v3 =	vld [tilespmem:s1+$0xFB80];
	_ =	sdelay $0x2  }
.Ltmp12:
0x180: {  	(pc) =	sbr.rel @p0 .LBB2_23-.Ltmp12, $4  }
0x181: {  	_ = 	snop  }
0x182: {  	v3 =	vadd.f32 v2, v3  }
0x183: {  	s5 =	sshra.s32 s3, $0x2  }
0x184: {  	s3 =	sadd.s32 $0x40, s3;
	v2 =	vld [tilespmem:s5+$0xF900];
	[tilespmem:s1+$0xFB80] =	vst v3;
	s1 =	smov.u32 s5  }
0x185: {  	v3 =	vld [tilespmem:s1+$0xFB80]  }
0x186: {  	s0 =	sadd.s32 $0x1, s0  }
0x187: {  	p0 =	sne.s32 s0, $0x10  }
.Ltmp13:
0x188: {  	_ = 	snop;
	(pc) =	sbr.rel @p0 .LBB2_22-.Ltmp13, $3  }
0x189: {  	_ = 	snop  }
0x18a: {  	v2 =	vadd.f32 v2, v3;
	_ =	sdelay $0x1  }
0x18b: {  	[tilespmem:s1+$0xFB80] =	vst v2  }
0x18c: {  	[hbm4b:s12+s22] =	stream.strided.scatter [tilespmem:s26], [sflag:$0x3], $0x280, s25, s22, $0x38;
	[tilespmem:$0x12600] =	vst v63  }
0x18d: {  	_ =	swait.ge [sflag:s15], $0x280  }
0x18e: {  	[sflag:s15] =	ssyncset.done $0x0  }
0x18f: {  	[sflag:s15] =	ssyncadd.s32 $0xFFFFFD80  }
0x190: {  	s0 =	simm.s32 $0xC700;
	[bflag:$0x0] =	sbarrier.arrive $0xFFFF  }
0x191: {  	[spmem:s8] =	stream.strided.scatter [tilespmem:s0], [sflag:$0x3], $0x2800, s23, s22, $0x38;
	[tilespmem:$0x12600] =	vst v63  }
0x192: {  	_ =	swait.ge [sflag:s15], $0x2800  }
0x193: {  	[sflag:s15] =	ssyncset.done $0x0  }
0x194: {  	[sflag:s15] =	ssyncadd.s32 $0xFFFFD800  }
0x195: {  	[bflag:$0x0] =	sbarrier.arrive $0xFFFF  }
0x196: {  	[tilespmem:$0xFB80] =	vst v0  }
0x197: {  	[tilespmem:$0xFB90] =	vst v0  }
0x198: {  	[tilespmem:$0xFBA0] =	vst v0  }
0x199: {  	[tilespmem:$0xFBB0] =	vst v0  }
0x19a: {  	[tilespmem:$0xFBC0] =	vst v0  }
0x19b: {  	[tilespmem:$0xFBD0] =	vst v0  }
0x19c: {  	[tilespmem:$0xFBE0] =	vst v0  }
0x19d: {  	[tilespmem:$0xFBF0] =	vst v0  }
0x19e: {  	[tilespmem:$0xFC00] =	vst v0  }
0x19f: {  	[tilespmem:$0xFC10] =	vst v0  }
0x1a0: {  	[tilespmem:$0xFC20] =	vst v0  }
0x1a1: {  	[tilespmem:$0xFC30] =	vst v0  }
0x1a2: {  	[tilespmem:$0xFC40] =	vst v0  }
0x1a3: {  	[tilespmem:$0xFC50] =	vst v0  }
0x1a4: {  	[tilespmem:$0xFC60] =	vst v0  }
0x1a5: {  	[tilespmem:$0xFC70] =	vst v0  }
0x1a6: {  	[tilespmem:$0xFC80] =	vst v0  }
0x1a7: {  	[tilespmem:$0xFC90] =	vst v0  }
0x1a8: {  	[tilespmem:$0xFCA0] =	vst v0  }
0x1a9: {  	[tilespmem:$0xFCB0] =	vst v0  }
0x1aa: {  	[tilespmem:$0xFCC0] =	vst v0  }
0x1ab: {  	[tilespmem:$0xFCD0] =	vst v0  }
0x1ac: {  	[tilespmem:$0xFCE0] =	vst v0  }
0x1ad: {  	[tilespmem:$0xFCF0] =	vst v0  }
0x1ae: {  	[tilespmem:$0xFD00] =	vst v0  }
0x1af: {  	[tilespmem:$0xFD10] =	vst v0  }
0x1b0: {  	[tilespmem:$0xFD20] =	vst v0  }
0x1b1: {  	[tilespmem:$0xFD30] =	vst v0  }
0x1b2: {  	[tilespmem:$0xFD40] =	vst v0  }
0x1b3: {  	[tilespmem:$0xFD50] =	vst v0  }
0x1b4: {  	[tilespmem:$0xFD60] =	vst v0  }
0x1b5: {  	[tilespmem:$0xFD70] =	vst v0  }
0x1b6: {  	[tilespmem:$0xFD80] =	vst v0  }
0x1b7: {  	[tilespmem:$0xFD90] =	vst v0  }
0x1b8: {  	[tilespmem:$0xFDA0] =	vst v0  }
0x1b9: {  	[tilespmem:$0xFDB0] =	vst v0  }
0x1ba: {  	[tilespmem:$0xFDC0] =	vst v0  }
0x1bb: {  	[tilespmem:$0xFDD0] =	vst v0  }
0x1bc: {  	[tilespmem:$0xFDE0] =	vst v0  }
0x1bd: {  	s0 =	simm.s32 $0x0;
	[tilespmem:$0xFDF0] =	vst v0  }
.LBB2_26:
0x1be: {  	s1 =	sshrl.u32 s0, $0x3  }
0x1bf: {  	s1 =	smul.u32 $0x50000, s1;
	_ =	sdelay $0x1  }
0x1c0: {  	s3 =	sshll.u32 s0, $0x7;
	s1 =	sshra.s32 s1, $0x2  }
0x1c1: {  	s3 =	sand.u32 $0x380, s3;
	s1 =	sadd.s32 s1, s9  }
0x1c2: {  	s1 =	sadd.s32 s3, s1  }
0x1c3: {  	[tilespmem:s24], [sflag:$0x3] =	stream.strided.gather [spmem:s1], $0x280, s23, s22, $0x38;
	[tilespmem:$0x12600] =	vst v63  }
0x1c4: {  	_ =	swait.ge [sflag:s15], $0x280  }
0x1c5: {  	[sflag:s15] =	ssyncset.done $0x0  }
0x1c6: {  	s1 =	simm.s32 $0x0;
	[sflag:s15] =	ssyncadd.s32 $0xFFFFFD80  }
0x1c7: {  	s3 =	simm.s32 $0x40;
	v2 =	vld [tilespmem:s1+$0xF900]  }
.LBB2_27:
0x1c8: {  	p0 =	sne.s32 s3, $0x9C0;
	v3 =	vld [tilespmem:s1+$0xFB80];
	_ =	sdelay $0x2  }
.Ltmp14:
0x1c9: {  	(pc) =	sbr.rel @p0 .LBB2_27-.Ltmp14, $4  }
0x1ca: {  	_ = 	snop  }
0x1cb: {  	v3 =	vadd.f32 v2, v3  }
0x1cc: {  	s5 =	sshra.s32 s3, $0x2  }
0x1cd: {  	s3 =	sadd.s32 $0x40, s3;
	v2 =	vld [tilespmem:s5+$0xF900];
	[tilespmem:s1+$0xFB80] =	vst v3;
	s1 =	smov.u32 s5  }
0x1ce: {  	v3 =	vld [tilespmem:s1+$0xFB80]  }
0x1cf: {  	s0 =	sadd.s32 $0x1, s0  }
0x1d0: {  	p0 =	sne.s32 s0, $0x10  }
.Ltmp15:
0x1d1: {  	_ = 	snop;
	(pc) =	sbr.rel @p0 .LBB2_26-.Ltmp15, $3  }
0x1d2: {  	_ = 	snop  }
0x1d3: {  	v2 =	vadd.f32 v2, v3;
	_ =	sdelay $0x1  }
0x1d4: {  	[tilespmem:s1+$0xFB80] =	vst v2  }
0x1d5: {  	[hbm4b:s13+s22] =	stream.strided.scatter [tilespmem:s26], [sflag:$0x3], $0x280, s25, s22, $0x38;
	[tilespmem:$0x12600] =	vst v63  }
0x1d6: {  	s31 =	sadd.s32 $0x1, s31  }
0x1d7: {  	p0 =	sne.s32 s31, s14  }
.Ltmp16:
0x1d8: {  	_ =	swait.ge [sflag:s15], $0x280;
	(pc) =	sbr.rel @p0 .LBB2_1-.Ltmp16, $3  }
0x1d9: {  	[sflag:s15] =	ssyncset.done $0x0  }
0x1da: {  	[sflag:s15] =	ssyncadd.s32 $0xFFFFFD80  }
0x1db: {  	[bflag:$0x0] =	sbarrier.arrive $0xFFFF;
	_ =	sdelay $0x1  }
0x1dc: {  	_ =	sfence.sel $0x180000  }
0x1dd: {  	[bflag:$0x0] =	sbarrier.arrive $0xFFFF  }
0x1de: {  	_ =	strace $0x9000004D  }
0x1df: {  	s0 =	stileid.u32;
	[bflag:$0x2] =	sbarrier.arrive $0xFFFF  }
0x1e0: {  	p0 =	sne.s32 s0, $0x0;
	s0 =	rddreg [dreg:$0x3]  }
0x1e1: {  	s0 =	sadd.s32 @!p0 $0x100000, s0  }
0x1e2: {  	[sflag:s0] =	ssyncadd.tile.s32 @!p0 $0x1;
	_ =	shalt  }
.Lfunc_end2:
_tile_overlayer_lowered:
.L_overlay_start_2:
0x1e3: {  	(tag) =	ssettag $0x2  }
0x1e4: {  	s0 =	rddreg [dreg:$0x0];
	s2 =	stileid.u32  }
0x1e5: {  	s1 =	rddreg [dreg:$0x1];
	p0 =	sne.s32 s2, $0x0  }
0x1e6: {  	s3 =	rddreg [dreg:$0x2];
	[bflag:$0x3] =	sbarrier.arrive $0xFFFF;
	s2 =	simm.s32 @!p0 $0x1C03  }
0x1e7: {  	[timem:s3], [sflag:s2] =	dma.local @!p0 [hbm:s0], s1  }
0x1e8: {  	s0 =	simm.s32 @!p0 $0x3  }
0x1e9: {  	_ =	swait.ge @!p0 [sflag:s0], s1  }
0x1ea: {  	s1 =	ssub.s32 @!p0 $0x0, s1;
	[sflag:s0] =	ssyncset.done @!p0 $0x0  }
0x1eb: {  	[sflag:s0] =	ssyncadd.s32 @!p0 s1  }
0x1ec: {  	[bflag:$0x3] =	sbarrier.arrive $0xFFFF  }
0x1ed: {  	_ =	shalt  }

// kernel: kernel.15.cloned.1.call-start
scs
__scs_entry_jumppad:
0x0: {  	(pc) =	sbr.rel $0x88, $3  }
0x1: {  	(tag) =	ssettag $0x0;
	lr =	simm.s32 $0x1  }
0x2: {  	[smem:$0x3F96] =	sst lr;
	_ =	strace $0xD0000000  }
0x3: {  	_ = 	snop  }
0x4: {  	_ = 	snop  }
0x5: {  	_ = 	snop  }
0x6: {  	_ = 	snop  }
0x7: {  	_ = 	snop  }
__scs_overlays_trampoline_lowered:
0x8: {  	[smem:$0x3FA5] =	sst s0  }
0x9: {  	[smem:$0x3FA6] =	sst s1  }
0xa: {  	[smem:$0x3FA7] =	sst s2  }
0xb: {  	[smem:$0x3FA8] =	sst s3  }
0xc: {  	[smem:$0x3FA9] =	sst s4  }
0xd: {  	[smem:$0x3FAA] =	sst s5  }
0xe: {  	[smem:$0x3FAB] =	sst s6  }
0xf: {  	[smem:$0x3FAC] =	sst s7  }
0x10: {  	[smem:$0x3FAD] =	sst s8  }
0x11: {  	[smem:$0x3FAE] =	sst s9;
	s0 =	simm.s32 @!p0 $0x0  }
0x12: {  	s1 =	sld [smem:$0x3F94];
	s0 =	simm.s32 @p0 $0x1  }
0x13: {  	[smem:$0x3FAF] =	sst s0;
	s0 =	simm.s32 @!p1 $0x0  }
0x14: {  	s2 =	sld [smem:$0x3F93];
	s0 =	simm.s32 @p1 $0x1  }
0x15: {  	[smem:$0x3FB0] =	sst s0;
	s0 =	simm.s32 @!p2 $0x0  }
0x16: {  	s3 =	sld [smem:$0x3FDB];
	s0 =	simm.s32 @p2 $0x1  }
0x17: {  	s4 =	simm.s32 $0x1BF5;
	[smem:$0x3FB2] =	sst s0  }
0x18: {  	s0 =	sld [smem:$0x3F95];
	_ =	swait.ge [sflag:s4], $0x0  }
0x19: {  	s7 =	sld [smem:$0x3F96]  }
0x1a: {  	s8 =	sadd.s32 $0xFFFFE003, lr  }
0x1b: {  	s9 =	sadd.s32 $0xFFFFFEF7, lr;
	s5 =	simm.s32 $0xFFFFFFFF;
	p2 =	slt.u32 s8, $0xFFFFF086  }
0x1c: {  	p1 =	slt.u32 s9, $0xF7A;
	s5 =	simm.s32 @!p2 $0x0  }
0x1d: {  	s5 =	simm.s32 @p1 $0x1;
	p0 =	seq.s32 s7, s2  }
0x1e: {  	s7 =	smul.u32 @!p0 $0xF7A, s2;
	p2 =	seq.s32 @!p0 s5, $0x0  }
0x1f: {  	s9 =	smul.u32 $0xF7A, s1;
	s8 =	simm.s32 @!p0 $0x1BF5;
	p2 =	por !p2, p0  }
0x20: {  	[sflag:s8] =	ssyncset.s32 @!p0 $0xFFFFF086;
	s6 =	sadd.s32 @!p0 s3, s7;
	s7 =	simm.s32 @!p0 $0x108  }
0x21: {  	s3 =	sadd.s32 s3, s9;
	s6 =	sadd.s32 @!p0 $0x88, s6;
	s7 =	simm.s32 @p2 $0x1082  }
0x22: {  	[simem:s7], [sflag:s8] =	dma.local @!p0 [hbm:s6], $0xF7A  }
0x23: {  	s9 =	sor.u32 $0xD0000000, s2;
	s6 =	simm.s32 $0x108;
	_ =	swait.ge @!p0 [sflag:s8], $0x0  }
0x24: {  	s3 =	sadd.s32 $0x88, s3;
	s6 =	simm.s32 @!p1 $0x1082;
	[sflag:s4] =	ssyncset.s32 $0xFFFFF086  }
0x25: {  	[simem:s6], [sflag:s4] =	dma.local [hbm:s3], $0xF7A  }
0x26: {  	[smem:$0x3F96] =	sst s1;
	(tag) =	ssettag s2;
	_ =	strace s9  }
0x27: {  	s1 =	sld [smem:$0x3FA6]  }
0x28: {  	s2 =	sld [smem:$0x3FA7]  }
0x29: {  	s4 =	sld [smem:$0x3FA9]  }
0x2a: {  	p0 =	seq.s32 s5, $0x0;
	s5 =	sld [smem:$0x3FAA]  }
0x2b: {  	s6 =	sld [smem:$0x3FAB]  }
0x2c: {  	s7 =	sld [smem:$0x3FAC]  }
0x2d: {  	s3 =	simm.s32 $0x108;
	s8 =	sld [smem:$0x3FAD]  }
0x2e: {  	s3 =	simm.s32 @!p0 $0x1082;
	s9 =	sld [smem:$0x3FAE]  }
0x2f: {  	lr =	sadd.s32 s0, s3;
	s0 =	sld [smem:$0x3FA5]  }
0x30: {  	s3 =	sld [smem:$0x3FA8]  }
0x31: {  	[smem:$0x3FB1] =	sst s10  }
0x32: {  	s10 =	sld [smem:$0x3FAF];
	_ =	sdelay $0x3  }
0x33: {  	p0 =	seq.s32 s10, $0x1;
	s10 =	sld [smem:$0x3FB1];
	_ =	sdelay $0x3  }
0x34: {  	[smem:$0x3FB1] =	sst s10  }
0x35: {  	s10 =	sld [smem:$0x3FB0];
	_ =	sdelay $0x3  }
0x36: {  	p1 =	seq.s32 s10, $0x1;
	s10 =	sld [smem:$0x3FB1];
	_ =	sdelay $0x3  }
0x37: {  	[smem:$0x3FB1] =	sst s10  }
0x38: {  	s10 =	sld [smem:$0x3FB2]  }
0x39: {  	_ = 	snop;
	(pc) =	sbr.ind lr, $3  }
0x3a: {  	_ = 	snop  }
0x3b: {  	_ = 	snop  }
0x3c: {  	p2 =	seq.s32 s10, $0x1;
	s10 =	sld [smem:$0x3FB1]  }
0x3d: {  	_ =	shalt  }
0x3e: {  	_ =	shalt  }
0x3f: {  	_ =	shalt  }
0x40: {  	_ =	shalt  }
0x41: {  	_ =	shalt  }
0x42: {  	_ =	shalt  }
0x43: {  	_ =	shalt  }
0x44: {  	_ =	shalt  }
0x45: {  	_ =	shalt  }
0x46: {  	_ =	shalt  }
0x47: {  	_ =	shalt  }
0x48: {  	_ =	shalt  }
0x49: {  	_ =	shalt  }
0x4a: {  	_ =	shalt  }
0x4b: {  	_ =	shalt  }
0x4c: {  	_ =	shalt  }
0x4d: {  	_ =	shalt  }
0x4e: {  	_ =	shalt  }
0x4f: {  	_ =	shalt  }
0x50: {  	_ =	shalt  }
0x51: {  	_ =	shalt  }
0x52: {  	_ =	shalt  }
0x53: {  	_ =	shalt  }
0x54: {  	_ =	shalt  }
0x55: {  	_ =	shalt  }
0x56: {  	_ =	shalt  }
0x57: {  	_ =	shalt  }
0x58: {  	_ =	shalt  }
0x59: {  	_ =	shalt  }
0x5a: {  	_ =	shalt  }
0x5b: {  	_ =	shalt  }
0x5c: {  	_ =	shalt  }
0x5d: {  	_ =	shalt  }
0x5e: {  	_ =	shalt  }
0x5f: {  	_ =	shalt  }
0x60: {  	_ =	shalt  }
0x61: {  	_ =	shalt  }
0x62: {  	_ =	shalt  }
0x63: {  	_ =	shalt  }
0x64: {  	_ =	shalt  }
0x65: {  	_ =	shalt  }
0x66: {  	_ =	shalt  }
0x67: {  	_ =	shalt  }
0x68: {  	_ =	shalt  }
0x69: {  	_ =	shalt  }
0x6a: {  	_ =	shalt  }
0x6b: {  	_ =	shalt  }
0x6c: {  	_ =	shalt  }
0x6d: {  	_ =	shalt  }
0x6e: {  	_ =	shalt  }
0x6f: {  	_ =	shalt  }
0x70: {  	_ =	shalt  }
0x71: {  	_ =	shalt  }
0x72: {  	_ =	shalt  }
0x73: {  	_ =	shalt  }
0x74: {  	_ =	shalt  }
0x75: {  	_ =	shalt  }
0x76: {  	_ =	shalt  }
0x77: {  	_ =	shalt  }
0x78: {  	_ =	shalt  }
0x79: {  	_ =	shalt  }
0x7a: {  	_ =	shalt  }
0x7b: {  	_ =	shalt  }
0x7c: {  	_ =	shalt  }
0x7d: {  	_ =	shalt  }
0x7e: {  	_ =	shalt  }
0x7f: {  	_ =	shalt  }
0x80: {  	_ =	shalt  }
0x81: {  	_ =	shalt  }
0x82: {  	_ =	shalt  }
0x83: {  	_ =	shalt  }
0x84: {  	_ =	shalt  }
0x85: {  	_ =	shalt  }
0x86: {  	_ =	shalt  }
0x87: {  	_ =	shalt  }
.Lfunc_end0:
.L_simem_size_0:
called_computation.2_lowered:
.L_overlay_start_0:
0x88: {  	s2 =	sld [smem:$0x3FD9]  }
0x89: {  	s3 =	sld [smem:$0x3FFE];
	_ =	sdelay $0x1  }
0x8a: {  	s1 =	srdreg.scid  }
0x8b: {  	s0 =	sand.u32 $0x1, s1  }
0x8c: {  	s17 =	sshll.u32 s0, $0xA;
	s2 =	sadd.s32 s3, s2  }
0x8d: {  	s2 =	sadd.s32 s2, s17  }
0x8e: {  	[smem:$0x3FBD] =	sst s2  }
0x8f: {  	_ = 	snop  }
0x90: {  	s2 =	sld [smem:$0x3FD0];
	(tm) =	ssettm $0x1  }
0x91: {  	s18 =	sld [smem:$0x3FFB];
	_ =	sdelay $0x3  }
0x92: {  	_ =	strace s18  }
0x93: {  	s3 =	sld [smem:$0x3FFC];
	_ =	sdelay $0x3  }
0x94: {  	_ =	strace s3  }
0x95: {  	s3 =	sld [smem:$0x3FFD];
	_ =	sdelay $0x3  }
0x96: {  	_ =	strace s3  }
0x97: {  	_ =	strace $0x8FFFFFFF  }
0x98: {  	s19 =	sld [smem:$0x3FDB];
	_ =	sdelay $0x1  }
0x99: {  	s4 =	simm.s32 $_scs_section_size  }
0x9a: {  	s5 =	simm.s32 $_size__tile_overlayer_lowered;
	s6 =	simm.s32 $_tile_overlayer_lowered  }
0x9b: {  	s22 =	simm.s32 $0x1BFF;
	s21 =	sshll.u32 s6, $0x1;
	s3 =	sadd.s32 s4, s19  }
0x9c: {  	s7 =	simm.s32 $0x0;
	s20 =	sshll.u32 s5, $0x1;
	s5 =	sadd.s32 s21, s3  }
0x9d: {  	[timem:s7], [sflag:s22] =	dma.local [hbm:s5], s20  }
0x9e: {  	_ =	swait.ge [sflag:s22], s20  }
0x9f: {  	s4 =	ssub.s32 $0x0, s20;
	[sflag:s22] =	ssyncset.done $0x0  }
0xa0: {  	[sflag:s22] =	ssyncadd.s32 s4;
	_ =	sdelay $0x1  }
0xa1: {  	s23 =	simm.s32 $0x1B8B  }
0xa2: {  	_ =	swait.ge [sflag:s23], $0x1  }
0xa3: {  	[sflag:s23] =	ssyncset.done $0x0  }
0xa4: {  	s25 =	simm.s32 $0x1B8E;
	s24 =	sld [smem:$0x3FFE];
	[sflag:s23] =	ssyncadd.s32 $0xFFFFFFFF  }
0xa5: {  	s26 =	simm.s32 $execute0_lowered;
	[smem:$0x3FD2] =	sst s25  }
0xa6: {  	s5 =	sshll.u32 s26, $0x1;
	_ =	strace $0x80000049;
	[dreg:$0x1] =	wrdreg $0xFFFFFFFF  }
0xa7: {  	s28 =	simm.s32 $_size_execute0_lowered;
	s3 =	sadd.s32 s3, s5;
	[dreg:$0x0] =	wrdreg $0x0  }
0xa8: {  	s5 =	sshll.u32 s28, $0x1;
	[dreg:$0x2] =	wrdreg s3  }
0xa9: {  	[dreg:$0x3] =	wrdreg s5  }
0xaa: {  	[dreg:$0x4] =	wrdreg $0xC0  }
0xab: {  	_ =	task [dreg:s7], $0x5FFFF  }
0xac: {  	[dreg:$0x1] =	wrdreg $0xFFFFFFFF  }
0xad: {  	[dreg:$0x0] =	wrdreg $0x60  }
0xae: {  	[dreg:$0x2] =	wrdreg s24  }
0xaf: {  	[dreg:$0x3] =	wrdreg s2  }
0xb0: {  	[dreg:$0x4] =	wrdreg $0xA  }
0xb1: {  	_ =	task.clear_ibuf [dreg:s7], $0x5FFFF;
	_ =	strace $0x90000049  }
0xb2: {  	s29 =	simm.s32 $0xA;
	_ =	strace $0x8000004B  }
0xb3: {  	_ =	swait.ge [sflag:s29], $0x1  }
0xb4: {  	[sflag:s29] =	ssyncadd.s32 $0xFFFFFFFF  }
0xb5: {  	_ =	strace $0x9000004B  }
0xb6: {  	_ =	sfence  }
0xb7: {  	s30 =	sld [smem:$0x0];
	_ =	sdelay $0x2  }
0xb8: {  	s31 =	sshll.u32 s1, $0xD;
	s1 =	sshrl.u32 s1, $0x2  }
0xb9: {  	s3 =	sand.u32 $0x4000, s31;
	s1 =	sadd.s32 s1, s30  }
0xba: {  	s0 =	sor.u32 s3, s0;
	s1 =	sshll.u32 s1, $0x11  }
0xbb: {  	s0 =	sor.u32 s1, s0  }
0xbc: {  	s0 =	sadd.s32 $0x8F2B, s0  }
0xbd: {  	[sflag:s0] =	ssyncadd.remote.s32 $0x1  }
0xbe: {  	_ =	sfence.sel $0xFFFF  }
0xbf: {  	[dreg:$0x0] =	wrdreg $0xFFFFFFFF;
	(pc) =	sbr.abs _section_cstart, $3  }
0xc0: {  	[dreg:$0x1] =	wrdreg $0xFFFFFFFF  }
0xc1: {  	_ =	task.clear_ibuf [dreg:s7], $0x2FFFF;
	_ =	strace $0x9FFFFFFF  }
0xc2: {  	(tm) =	ssettm $0x7FFFFFFF  }
0xc3: {  	_ =	shalt  }
tec
execute0_lowered:
.L_overlay_start_1:
0x0: {  	(tag) =	ssettag $0x1  }
0x1: {  	s0 =	srdreg.scid;
	s7 =	rddreg [dreg:$0x0]  }
0x2: {  	s2 =	rddreg [dreg:$0x1];
	s3 =	simm.s32 $0x0;
	s11 =	simm.s32 $0x800  }
0x3: {  	s12 =	simm.s32 $0x1000;
	s13 =	simm.s32 $0x1800;
	s14 =	simm.s32 $0x2000  }
0x4: {  	s15 =	simm.s32 $0x2800;
	s16 =	simm.s32 $0x1;
	s17 =	simm.s32 $0x2  }
0x5: {  	s18 =	simm.s32 $0x3;
	s19 =	simm.s32 $0xCC80;
	s20 =	simm.s32 $0x4  }
0x6: {  	s21 =	simm.s32 $0x5;
	s22 =	simm.s32 $0x6;
	s6 =	sand.u32 $0x1, s0  }
0x7: {  	s23 =	simm.s32 $0x80;
	s0 =	stileid.u32;
	s1 =	sshll.u32 s6, $0x4  }
0x8: {  	s24 =	simm.s32 $0x400;
	s25 =	simm.s32 $0x0;
	s5 =	sor.u32 s0, s1  }
0x9: {  	[smem:$0x7FF] =	sst s3;
	s29 =	sshll.u32 s0, $0x7;
	s4 =	sshrl.u32 s5, $0x3  }
0xa: {  	_ =	strace $0x8000004A;
	s6 =	ssub.s32 $0x2, s6;
	s8 =	smul.u32 $0x50000, s4  }
0xb: {  	s9 =	sand.u32 $0x380, s29;
	s31 =	sshrl.u32 s6, $0x1;
	s10 =	smul.u32 $0x1388, s5  }
0xc: {  	s5 =	sadd.s32 $0xB600, s7;
	s4 =	sadd.s32 $0x1800, s7;
	s8 =	sor.u32 s9, s8  }
0xd: {  	s30 =	sadd.s32 s10, s7;
	s10 =	simm.s32 $0x7;
	s8 =	sshrl.u32 s8, $0x3  }
0xe: {  	s9 =	simm.s32 $0x3000;
	s7 =	sadd.s32 s8, s7;
	s8 =	ssub.s32 s6, s31  }
0xf: {  	v0 =	vimm.f32 $0.0e+00;
	s6 =	sadd.s32 $0x51E600, s30;
	s7 =	sadd.s32 $0x545800, s7;
	s8 =	smax.u32 s8, $0x1  }
.LBB2_1:
0x10: {  	[tilespmem:s9], [sflag:$0x7] =	stream.linear.gather [hbm4b:s6+s3], $0x9C40, $0x38;
	[tilespmem:$0x16C80] =	vst v63  }
0x11: {  	_ =	swait.ge [sflag:s10], $0x9C40  }
0x12: {  	[sflag:s10] =	ssyncset.done $0x0  }
0x13: {  	s26 =	simm.s32 $0x40;
	s28 =	simm.s32 $0x0;
	[sflag:s10] =	ssyncadd.s32 $0xFFFF63C0  }
.LBB2_2:
0x14: {  	p0 =	sne.s32 s26, $0x27FC0;
	[tilespmem:s28+$0xCC80] =	vst v0;
	s28 =	smov.u32 s26;
	s26 =	sadd.s32 $0x40, s26  }
.Ltmp0:
0x15: {  	(pc) =	sbr.rel @p0 .LBB2_2-.Ltmp0, $2  }
0x16: {  	_ =	sdelay $0x2  }
0x17: {  	s28 =	sshra.s32 s28, $0x2  }
0x18: {  	[tilespmem:s28+$0xCC80] =	vst v0;
	s26 =	simm.s32 $0x0  }
0x19: {  	[tilespmem:s26], [sflag:$0x1] =	stream.linear.gather [hbm4b:s4+s26], $0x7D0, $0x38;
	[tilespmem:$0x16C80] =	vst v63  }
0x1a: {  	_ = 	snop  }
0x1b: {  	[tilespmem:s11], [sflag:$0x2] =	stream.linear.gather [hbm4b:s5+s26], $0x7D0, $0x38;
	[tilespmem:$0x16C80] =	vst v63  }
0x1c: {  	s28 =	simm.s32 $0x0  }
0x1d: {  	[tilespmem:s12], [sflag:$0x3] =	stream.linear.gather [hbm4b:s2+s26], $0x7D0, $0x38;
	[tilespmem:$0x16C80] =	vst v63  }
.LBB2_4:
0x1e: {  	s29 =	smul.u32 $0xFA0, s28;
	_ =	sdelay $0x1  }
0x1f: {  	s30 =	sshrl.u32 s29, $0x3  }
0x20: {  	s30 =	sadd.s32 $0xFA, s30  }
0x21: {  	s31 =	sadd.s32 s4, s30  }
0x22: {  	[tilespmem:s13], [sflag:$0x4] =	stream.linear.gather [hbm4b:s31+s26], $0x7D0, $0x38;
	[tilespmem:$0x16C80] =	vst v63  }
0x23: {  	s31 =	sadd.s32 s5, s30  }
0x24: {  	[tilespmem:s14], [sflag:$0x5] =	stream.linear.gather [hbm4b:s31+s26], $0x7D0, $0x38;
	[tilespmem:$0x16C80] =	vst v63  }
0x25: {  	s30 =	sadd.s32 s2, s30  }
0x26: {  	[tilespmem:s15], [sflag:$0x6] =	stream.linear.gather [hbm4b:s30+s26], $0x7D0, $0x38;
	[tilespmem:$0x16C80] =	vst v63  }
0x27: {  	_ =	swait.ge [sflag:s16], $0x7D0  }
0x28: {  	[sflag:s16] =	ssyncset.done $0x0  }
0x29: {  	[sflag:s16] =	ssyncadd.s32 $0xFFFFF830  }
0x2a: {  	_ =	swait.ge [sflag:s17], $0x7D0  }
0x2b: {  	[sflag:s17] =	ssyncset.done $0x0  }
0x2c: {  	[sflag:s17] =	ssyncadd.s32 $0xFFFFF830  }
0x2d: {  	_ =	swait.ge [sflag:s18], $0x7D0  }
0x2e: {  	[sflag:s18] =	ssyncset.done $0x0  }
0x2f: {  	s30 =	simm.s32 $0x0;
	[sflag:s18] =	ssyncadd.s32 $0xFFFFF830  }
0x30: {  	v5 =	vld [tilespmem:s30+$0x0];
	_ =	sdelay $0x5  }
0x31: {  	v2 =	vld [tilespmem:s30+$0x800]  }
0x32: {  	v1 =	vld [tilespmem:s30+$0x1000]  }
0x33: {  	s30 =	simm.s32 $0x10;
	v3 =	vld.idx.msk [tilespmem:v5+s9+$0x0], $0xffff  }
0x34: {  	v6 =	vld [tilespmem:s30+$0x0];
	_ =	sdelay $0x1  }
0x35: {  	v4 =	vadd.s32 $0x2710, v5;
	_ =	sdelay $0x1  }
0x36: {  	v3 =	vmul.f32 v3, v1;
	_ =	sdelay $0x1  }
0x37: {  	[tilespmem:v2+s19+$0x0] =	vst.idx.add.f32.msk $0xffff, v3  }
0x38: {  	v7 =	vld.idx.msk [tilespmem:v4+s9+$0x0], $0xffff  }
0x39: {  	v9 =	vld.idx.msk [tilespmem:v6+s9+$0x0], $0xffff  }
0x3a: {  	v10 =	vadd.s32 $0x2800, v2;
	v4 =	vld [tilespmem:s30+$0x800]  }
0x3b: {  	v3 =	vld [tilespmem:s30+$0x1000]  }
0x3c: {  	v11 =	vadd.s32 $0x4E20, v5;
	s30 =	simm.s32 $0x20  }
0x3d: {  	v8 =	vld [tilespmem:s30+$0x0];
	v7 =	vmul.f32 v7, v1  }
0x3e: {  	v12 =	vadd.s32 $0x2710, v6  }
0x3f: {  	[tilespmem:v10+s19+$0x0] =	vst.idx.add.f32.msk $0xffff, v7  }
0x40: {  	v9 =	vmul.f32 v9, v3;
	v7 =	vld [tilespmem:s30+$0x800]  }
0x41: {  	v14 =	vld.idx.msk [tilespmem:v11+s9+$0x0], $0xffff  }
0x42: {  	[tilespmem:v4+s19+$0x0] =	vst.idx.add.f32.msk $0xffff, v9  }
0x43: {  	v10 =	vadd.s32 $0x5000, v2;
	v11 =	vld.idx.msk [tilespmem:v12+s9+$0x0], $0xffff  }
0x44: {  	v9 =	vadd.s32 $0x7530, v5;
	v5 =	vld [tilespmem:s30+$0x1000]  }
0x45: {  	v13 =	vld.idx.msk [tilespmem:v8+s9+$0x0], $0xffff;
	v12 =	vadd.s32 $0x2800, v4  }
0x46: {  	s31 =	simm.s32 $0x100;
	v15 =	vadd.s32 $0x4E20, v6;
	s30 =	simm.s32 $0x30;
	v14 =	vmul.f32 v14, v1  }
.LBB2_5:
0x47: {  	p0 =	sne.s32 s31, $0x1F00;
	v16 =	vld [tilespmem:s30+$0x0]  }
0x48: {  	v17 =	vadd.s32 $0x2710, v8;
	v11 =	vmul.f32 v11, v3;
	[tilespmem:v10+s19+$0x0] =	vst.idx.add.f32.msk $0xffff, v14  }
0x49: {  	v14 =	vld.idx.msk [tilespmem:v9+s9+$0x0], $0xffff  }
0x4a: {  	v9 =	vmul.f32 v13, v5;
	[tilespmem:v12+s19+$0x0] =	vst.idx.add.f32.msk $0xffff, v11  }
0x4b: {  	v18 =	vld.idx.msk [tilespmem:v15+s9+$0x0], $0xffff  }
0x4c: {  	v19 =	vadd.s32 $0x7800, v2;
	v2 =	vmov v4;
	v4 =	vmov v7;
	[tilespmem:v7+s19+$0x0] =	vst.idx.add.f32.msk $0xffff, v9  }
.Ltmp1:
0x4d: {  	v11 =	vld.idx.msk [tilespmem:v17+s9+$0x0], $0xffff;
	(pc) =	sbr.rel @p0 .LBB2_5-.Ltmp1, $4  }
0x4e: {  	v10 =	vadd.s32 $0x5000, v2;
	v7 =	vld [tilespmem:s30+$0x800]  }
0x4f: {  	v9 =	vadd.s32 $0x7530, v6;
	v6 =	vmovc v8;
	v8 =	vmovc v16;
	v17 =	vmul.f32 v14, v1;
	v1 =	vmov v3;
	v13 =	vld.idx.msk [tilespmem:v16+s9+$0x0], $0xffff  }
0x50: {  	v12 =	vadd.s32 $0x2800, v4;
	v3 =	vmov v5;
	v5 =	vld [tilespmem:s30+$0x1000]  }
0x51: {  	v15 =	vadd.s32 $0x4E20, v6;
	s30 =	sshra.s32 s31, $0x2;
	s31 =	sadd.s32 $0x40, s31;
	v14 =	vmul.f32 v18, v1;
	[tilespmem:v19+s19+$0x0] =	vst.idx.add.f32.msk $0xffff, v17  }
0x52: {  	v16 =	vld [tilespmem:s30+$0x0];
	_ =	sdelay $0x5  }
0x53: {  	v17 =	vld [tilespmem:s30+$0x800]  }
0x54: {  	v19 =	vld [tilespmem:s30+$0x1000]  }
0x55: {  	v18 =	vld.idx.msk [tilespmem:v16+s9+$0x0], $0xffff  }
0x56: {  	v20 =	vadd.s32 $0x2710, v8;
	_ =	sdelay $0x1  }
0x57: {  	v13 =	vmul.f32 v13, v5;
	v21 =	vadd.s32 $0x2710, v16;
	_ =	sdelay $0x1  }
0x58: {  	[tilespmem:v7+s19+$0x0] =	vst.idx.add.f32.msk $0xffff, v13;
	v13 =	vmul.f32 v18, v19  }
0x59: {  	v59 =	vld.idx.msk [tilespmem:v20+s9+$0x0], $0xffff  }
0x5a: {  	[tilespmem:v17+s19+$0x0] =	vst.idx.add.f32.msk $0xffff, v13  }
0x5b: {  	v11 =	vmul.f32 v11, v3;
	v13 =	vadd.s32 $0x2800, v7;
	v60 =	vld.idx.msk [tilespmem:v21+s9+$0x0], $0xffff  }
0x5c: {  	v61 =	vadd.s32 $0x4E20, v8  }
0x5d: {  	[tilespmem:v12+s19+$0x0] =	vst.idx.add.f32.msk $0xffff, v11;
	v11 =	vadd.s32 $0x2800, v17  }
0x5e: {  	v12 =	vld.idx.msk [tilespmem:v15+s9+$0x0], $0xffff;
	v62 =	vadd.s32 $0x4E20, v16;
	v15 =	vmul.f32 v59, v5;
	_ =	sdelay $0x1  }
0x5f: {  	[tilespmem:v13+s19+$0x0] =	vst.idx.add.f32.msk $0xffff, v15;
	v15 =	vmul.f32 v60, v19  }
0x60: {  	v13 =	vadd.s32 $0x5000, v4;
	v63 =	vld.idx.msk [tilespmem:v61+s9+$0x0], $0xffff  }
0x61: {  	v6 =	vadd.s32 $0x7530, v6;
	[tilespmem:v11+s19+$0x0] =	vst.idx.add.f32.msk $0xffff, v15  }
0x62: {  	v11 =	vmul.f32 v12, v3;
	v12 =	vadd.s32 $0x5000, v7;
	v15 =	vld.idx.msk [tilespmem:v62+s9+$0x0], $0xffff  }
0x63: {  	v8 =	vadd.s32 $0x7530, v8;
	[tilespmem:v10+s19+$0x0] =	vst.idx.add.f32.msk $0xffff, v14  }
0x64: {  	v9 =	vld.idx.msk [tilespmem:v9+s9+$0x0], $0xffff;
	v10 =	vadd.s32 $0x5000, v17  }
0x65: {  	[tilespmem:v13+s19+$0x0] =	vst.idx.add.f32.msk $0xffff, v11;
	v13 =	vadd.s32 $0x7530, v16;
	v11 =	vmul.f32 v63, v5  }
0x66: {  	v6 =	vld.idx.msk [tilespmem:v6+s9+$0x0], $0xffff  }
0x67: {  	[tilespmem:v12+s19+$0x0] =	vst.idx.add.f32.msk $0xffff, v11;
	v11 =	vmul.f32 v15, v19  }
0x68: {  	v8 =	vld.idx.msk [tilespmem:v8+s9+$0x0], $0xffff  }
0x69: {  	v2 =	vadd.s32 $0x7800, v2;
	[tilespmem:v10+s19+$0x0] =	vst.idx.add.f32.msk $0xffff, v11  }
0x6a: {  	v4 =	vadd.s32 $0x7800, v4;
	v10 =	vld.idx.msk [tilespmem:v13+s9+$0x0], $0xffff  }
0x6b: {  	v7 =	vadd.s32 $0x7800, v7  }
0x6c: {  	v1 =	vmul.f32 v9, v1;
	v9 =	vadd.s32 $0x7800, v17  }
0x6d: {  	v3 =	vmul.f32 v6, v3  }
0x6e: {  	p0 =	seq.s32 s28, $0x4F;
	[tilespmem:v2+s19+$0x0] =	vst.idx.add.f32.msk $0xffff, v1;
	v1 =	vmul.f32 v8, v5  }
0x6f: {  	s29 =	sshrl.u32 @!p0 s29, $0x3;
	[tilespmem:v4+s19+$0x0] =	vst.idx.add.f32.msk $0xffff, v3;
	v2 =	vmul.f32 v10, v19  }
0x70: {  	s29 =	sadd.s32 @!p0 $0x1F4, s29;
	[tilespmem:v7+s19+$0x0] =	vst.idx.add.f32.msk $0xffff, v1  }
0x71: {  	s31 =	simm.s32 @!p0 $0x0;
	s30 =	sadd.s32 @!p0 s4, s29;
	[tilespmem:v9+s19+$0x0] =	vst.idx.add.f32.msk $0xffff, v2  }
0x72: {  	[tilespmem:s31], [sflag:$0x1] =	stream.linear.gather @!p0 [hbm4b:s30+s31], $0x7D0, $0x38;
	[tilespmem:$0x16C80] =	vst v63  }
0x73: {  	s1 =	simm.s32 @!p0 $0x800;
	s30 =	sadd.s32 @!p0 s5, s29  }
0x74: {  	[tilespmem:s1], [sflag:$0x2] =	stream.linear.gather @!p0 [hbm4b:s30+s31], $0x7D0, $0x38;
	[tilespmem:$0x16C80] =	vst v63  }
0x75: {  	s1 =	sadd.s32 @!p0 s2, s29;
	s29 =	simm.s32 @!p0 $0x1000  }
0x76: {  	[tilespmem:s29], [sflag:$0x3] =	stream.linear.gather @!p0 [hbm4b:s1+s31], $0x7D0, $0x38;
	[tilespmem:$0x16C80] =	vst v63  }
0x77: {  	_ =	swait.ge [sflag:s20], $0x7D0  }
0x78: {  	[sflag:s20] =	ssyncset.done $0x0  }
0x79: {  	[sflag:s20] =	ssyncadd.s32 $0xFFFFF830  }
0x7a: {  	_ =	swait.ge [sflag:s21], $0x7D0  }
0x7b: {  	[sflag:s21] =	ssyncset.done $0x0  }
0x7c: {  	[sflag:s21] =	ssyncadd.s32 $0xFFFFF830  }
0x7d: {  	_ =	swait.ge [sflag:s22], $0x7D0  }
0x7e: {  	[sflag:s22] =	ssyncset.done $0x0  }
0x7f: {  	s31 =	simm.s32 $0x0;
	[sflag:s22] =	ssyncadd.s32 $0xFFFFF830  }
0x80: {  	v5 =	vld [tilespmem:s31+$0x1800];
	_ =	sdelay $0x5  }
0x81: {  	v2 =	vld [tilespmem:s31+$0x2000]  }
0x82: {  	v1 =	vld [tilespmem:s31+$0x2800]  }
0x83: {  	s31 =	simm.s32 $0x10;
	v3 =	vld.idx.msk [tilespmem:v5+s9+$0x0], $0xffff  }
0x84: {  	v6 =	vld [tilespmem:s31+$0x1800];
	_ =	sdelay $0x1  }
0x85: {  	v4 =	vadd.s32 $0x2710, v5;
	_ =	sdelay $0x1  }
0x86: {  	v3 =	vmul.f32 v3, v1;
	_ =	sdelay $0x1  }
0x87: {  	[tilespmem:v2+s19+$0x0] =	vst.idx.add.f32.msk $0xffff, v3  }
0x88: {  	v7 =	vld.idx.msk [tilespmem:v4+s9+$0x0], $0xffff  }
0x89: {  	v9 =	vld.idx.msk [tilespmem:v6+s9+$0x0], $0xffff  }
0x8a: {  	v10 =	vadd.s32 $0x2800, v2;
	v4 =	vld [tilespmem:s31+$0x2000]  }
0x8b: {  	v3 =	vld [tilespmem:s31+$0x2800]  }
0x8c: {  	v11 =	vadd.s32 $0x4E20, v5;
	s31 =	simm.s32 $0x20  }
0x8d: {  	v8 =	vld [tilespmem:s31+$0x1800];
	v7 =	vmul.f32 v7, v1  }
0x8e: {  	v12 =	vadd.s32 $0x2710, v6  }
0x8f: {  	[tilespmem:v10+s19+$0x0] =	vst.idx.add.f32.msk $0xffff, v7  }
0x90: {  	v9 =	vmul.f32 v9, v3;
	v7 =	vld [tilespmem:s31+$0x2000]  }
0x91: {  	v14 =	vld.idx.msk [tilespmem:v11+s9+$0x0], $0xffff  }
0x92: {  	[tilespmem:v4+s19+$0x0] =	vst.idx.add.f32.msk $0xffff, v9  }
0x93: {  	v10 =	vadd.s32 $0x5000, v2;
	v11 =	vld.idx.msk [tilespmem:v12+s9+$0x0], $0xffff  }
0x94: {  	v9 =	vadd.s32 $0x7530, v5;
	v5 =	vld [tilespmem:s31+$0x2800]  }
0x95: {  	v13 =	vld.idx.msk [tilespmem:v8+s9+$0x0], $0xffff;
	v12 =	vadd.s32 $0x2800, v4  }
0x96: {  	s30 =	simm.s32 $0x100;
	s29 =	simm.s32 $0x30;
	v15 =	vadd.s32 $0x4E20, v6;
	v14 =	vmul.f32 v14, v1  }
.LBB2_7:
0x97: {  	p0 =	sne.s32 s30, $0x1F00;
	v16 =	vld [tilespmem:s29+$0x1800]  }
0x98: {  	v17 =	vadd.s32 $0x2710, v8;
	v11 =	vmul.f32 v11, v3;
	[tilespmem:v10+s19+$0x0] =	vst.idx.add.f32.msk $0xffff, v14  }
0x99: {  	v14 =	vld.idx.msk [tilespmem:v9+s9+$0x0], $0xffff  }
0x9a: {  	v9 =	vmul.f32 v13, v5;
	[tilespmem:v12+s19+$0x0] =	vst.idx.add.f32.msk $0xffff, v11  }
0x9b: {  	v18 =	vld.idx.msk [tilespmem:v15+s9+$0x0], $0xffff  }
0x9c: {  	v19 =	vadd.s32 $0x7800, v2;
	v2 =	vmov v4;
	v4 =	vmov v7;
	[tilespmem:v7+s19+$0x0] =	vst.idx.add.f32.msk $0xffff, v9  }
.Ltmp2:
0x9d: {  	v11 =	vld.idx.msk [tilespmem:v17+s9+$0x0], $0xffff;
	(pc) =	sbr.rel @p0 .LBB2_7-.Ltmp2, $4  }
0x9e: {  	v10 =	vadd.s32 $0x5000, v2;
	v7 =	vld [tilespmem:s29+$0x2000]  }
0x9f: {  	v9 =	vadd.s32 $0x7530, v6;
	v6 =	vmovc v8;
	v8 =	vmovc v16;
	v17 =	vmul.f32 v14, v1;
	v1 =	vmov v3;
	v13 =	vld.idx.msk [tilespmem:v16+s9+$0x0], $0xffff  }
0xa0: {  	v12 =	vadd.s32 $0x2800, v4;
	v3 =	vmov v5;
	v5 =	vld [tilespmem:s29+$0x2800]  }
0xa1: {  	v15 =	vadd.s32 $0x4E20, v6;
	s29 =	sshra.s32 s30, $0x2;
	s30 =	sadd.s32 $0x40, s30;
	v14 =	vmul.f32 v18, v1;
	[tilespmem:v19+s19+$0x0] =	vst.idx.add.f32.msk $0xffff, v17  }
0xa2: {  	v16 =	vld [tilespmem:s29+$0x1800];
	_ =	sdelay $0x5  }
0xa3: {  	v17 =	vld [tilespmem:s29+$0x2000]  }
0xa4: {  	v19 =	vld [tilespmem:s29+$0x2800]  }
0xa5: {  	v18 =	vld.idx.msk [tilespmem:v16+s9+$0x0], $0xffff  }
0xa6: {  	v20 =	vadd.s32 $0x2710, v8;
	_ =	sdelay $0x1  }
0xa7: {  	v13 =	vmul.f32 v13, v5;
	v21 =	vadd.s32 $0x2710, v16;
	_ =	sdelay $0x1  }
0xa8: {  	[tilespmem:v7+s19+$0x0] =	vst.idx.add.f32.msk $0xffff, v13;
	v43 =	vmul.f32 v18, v19  }
0xa9: {  	v44 =	vld.idx.msk [tilespmem:v20+s9+$0x0], $0xffff  }
0xaa: {  	[tilespmem:v17+s19+$0x0] =	vst.idx.add.f32.msk $0xffff, v43  }
0xab: {  	v45 =	vadd.s32 $0x2800, v7;
	v46 =	vld.idx.msk [tilespmem:v21+s9+$0x0], $0xffff  }
0xac: {  	v11 =	vmul.f32 v11, v3;
	v47 =	vadd.s32 $0x4E20, v8  }
0xad: {  	v48 =	vadd.s32 $0x2800, v17  }
0xae: {  	[tilespmem:v12+s19+$0x0] =	vst.idx.add.f32.msk $0xffff, v11;
	v50 =	vadd.s32 $0x4E20, v16;
	v49 =	vmul.f32 v44, v5  }
0xaf: {  	v12 =	vld.idx.msk [tilespmem:v15+s9+$0x0], $0xffff  }
0xb0: {  	[tilespmem:v45+s19+$0x0] =	vst.idx.add.f32.msk $0xffff, v49;
	v52 =	vmul.f32 v46, v19  }
0xb1: {  	v51 =	vadd.s32 $0x5000, v4;
	v53 =	vld.idx.msk [tilespmem:v47+s9+$0x0], $0xffff  }
0xb2: {  	v6 =	vadd.s32 $0x7530, v6;
	[tilespmem:v48+s19+$0x0] =	vst.idx.add.f32.msk $0xffff, v52  }
0xb3: {  	v55 =	vadd.s32 $0x5000, v7;
	v15 =	vld.idx.msk [tilespmem:v50+s9+$0x0], $0xffff  }
0xb4: {  	v56 =	vadd.s32 $0x7530, v8;
	[tilespmem:v10+s19+$0x0] =	vst.idx.add.f32.msk $0xffff, v14;
	v54 =	vmul.f32 v12, v3  }
0xb5: {  	v9 =	vld.idx.msk [tilespmem:v9+s9+$0x0], $0xffff;
	v57 =	vadd.s32 $0x5000, v17  }
0xb6: {  	v59 =	vadd.s32 $0x7530, v16;
	[tilespmem:v51+s19+$0x0] =	vst.idx.add.f32.msk $0xffff, v54;
	v58 =	vmul.f32 v53, v5  }
0xb7: {  	v6 =	vld.idx.msk [tilespmem:v6+s9+$0x0], $0xffff  }
0xb8: {  	[tilespmem:v55+s19+$0x0] =	vst.idx.add.f32.msk $0xffff, v58;
	v60 =	vmul.f32 v15, v19  }
0xb9: {  	v8 =	vld.idx.msk [tilespmem:v56+s9+$0x0], $0xffff  }
0xba: {  	v2 =	vadd.s32 $0x7800, v2;
	[tilespmem:v57+s19+$0x0] =	vst.idx.add.f32.msk $0xffff, v60  }
0xbb: {  	v61 =	vadd.s32 $0x7800, v4;
	v10 =	vld.idx.msk [tilespmem:v59+s9+$0x0], $0xffff  }
0xbc: {  	s28 =	sadd.s32 $0x1, s28;
	v62 =	vadd.s32 $0x7800, v7  }
0xbd: {  	p0 =	sne.s32 s28, $0x50;
	v63 =	vadd.s32 $0x7800, v17;
	v1 =	vmul.f32 v9, v1  }
.Ltmp3:
0xbe: {  	v3 =	vmul.f32 v6, v3;
	(pc) =	sbr.rel @p0 .LBB2_4-.Ltmp3, $4  }
0xbf: {  	[tilespmem:v2+s19+$0x0] =	vst.idx.add.f32.msk $0xffff, v1;
	v1 =	vmul.f32 v8, v5  }
0xc0: {  	[tilespmem:v61+s19+$0x0] =	vst.idx.add.f32.msk $0xffff, v3;
	v2 =	vmul.f32 v10, v19  }
0xc1: {  	[tilespmem:v62+s19+$0x0] =	vst.idx.add.f32.msk $0xffff, v1  }
0xc2: {  	[tilespmem:v63+s19+$0x0] =	vst.idx.add.f32.msk $0xffff, v2  }
0xc3: {  	s25 =	sadd.s32 $0x1, s25  }
0xc4: {  	p0 =	sne.s32 s25, s8  }
.Ltmp4:
0xc5: {  	_ = 	snop;
	(pc) =	sbr.rel @p0 .LBB2_1-.Ltmp4, $4  }
0xc6: {  	[hbm4b:s7+s23] =	stream.strided.scatter [tilespmem:s19], [sflag:$0x7], $0xA000, s24, s23, $0x38;
	[tilespmem:$0x16C80] =	vst v63  }
0xc7: {  	_ =	swait.ge [sflag:s10], $0xA000  }
0xc8: {  	[sflag:s10] =	ssyncset.done $0x0  }
0xc9: {  	[sflag:s10] =	ssyncadd.s32 $0xFFFF6000  }
0xca: {  	_ =	sfence.sel $0x180000  }
0xcb: {  	[bflag:$0x0] =	sbarrier.arrive $0xFFFF  }
0xcc: {  	_ =	strace $0x9000004A  }
0xcd: {  	[bflag:$0x2] =	sbarrier.arrive $0xFFFF  }
0xce: {  	p0 =	sne.s32 s0, $0x0;
	s0 =	rddreg [dreg:$0x2]  }
0xcf: {  	s0 =	sadd.s32 @!p0 $0x100000, s0  }
0xd0: {  	[sflag:s0] =	ssyncadd.tile.s32 @!p0 $0x1;
	_ =	shalt  }
.Lfunc_end2:
_tile_overlayer_lowered:
.L_overlay_start_2:
0xd1: {  	(tag) =	ssettag $0x2  }
0xd2: {  	s0 =	rddreg [dreg:$0x0];
	s2 =	stileid.u32  }
0xd3: {  	s1 =	rddreg [dreg:$0x1];
	p0 =	sne.s32 s2, $0x0  }
0xd4: {  	s3 =	rddreg [dreg:$0x2];
	[bflag:$0x3] =	sbarrier.arrive $0xFFFF;
	s2 =	simm.s32 @!p0 $0x1C07  }
0xd5: {  	[timem:s3], [sflag:s2] =	dma.local @!p0 [hbm:s0], s1  }
0xd6: {  	s0 =	simm.s32 @!p0 $0x7  }
0xd7: {  	_ =	swait.ge @!p0 [sflag:s0], s1  }
0xd8: {  	s1 =	ssub.s32 @!p0 $0x0, s1;
	[sflag:s0] =	ssyncset.done @!p0 $0x0  }
0xd9: {  	[sflag:s0] =	ssyncadd.s32 @!p0 s1  }
0xda: {  	[bflag:$0x3] =	sbarrier.arrive $0xFFFF  }
0xdb: {  	_ =	shalt  }

// kernel: kernel.9.cloned.1.call-start
scs
__scs_entry_jumppad:
0x0: {  	(pc) =	sbr.rel $0x88, $3  }
0x1: {  	(tag) =	ssettag $0x0;
	lr =	simm.s32 $0x1  }
0x2: {  	[smem:$0x3F96] =	sst lr;
	_ =	strace $0xD0000000  }
0x3: {  	_ = 	snop  }
0x4: {  	_ = 	snop  }
0x5: {  	_ = 	snop  }
0x6: {  	_ = 	snop  }
0x7: {  	_ = 	snop  }
__scs_overlays_trampoline_lowered:
0x8: {  	[smem:$0x3FA5] =	sst s0  }
0x9: {  	[smem:$0x3FA6] =	sst s1  }
0xa: {  	[smem:$0x3FA7] =	sst s2  }
0xb: {  	[smem:$0x3FA8] =	sst s3  }
0xc: {  	[smem:$0x3FA9] =	sst s4  }
0xd: {  	[smem:$0x3FAA] =	sst s5  }
0xe: {  	[smem:$0x3FAB] =	sst s6  }
0xf: {  	[smem:$0x3FAC] =	sst s7  }
0x10: {  	[smem:$0x3FAD] =	sst s8  }
0x11: {  	[smem:$0x3FAE] =	sst s9;
	s0 =	simm.s32 @!p0 $0x0  }
0x12: {  	s1 =	sld [smem:$0x3F94];
	s0 =	simm.s32 @p0 $0x1  }
0x13: {  	[smem:$0x3FAF] =	sst s0;
	s0 =	simm.s32 @!p1 $0x0  }
0x14: {  	s2 =	sld [smem:$0x3F93];
	s0 =	simm.s32 @p1 $0x1  }
0x15: {  	[smem:$0x3FB0] =	sst s0;
	s0 =	simm.s32 @!p2 $0x0  }
0x16: {  	s3 =	sld [smem:$0x3FDB];
	s0 =	simm.s32 @p2 $0x1  }
0x17: {  	s4 =	simm.s32 $0x1BF5;
	[smem:$0x3FB2] =	sst s0  }
0x18: {  	s0 =	sld [smem:$0x3F95];
	_ =	swait.ge [sflag:s4], $0x0  }
0x19: {  	s7 =	sld [smem:$0x3F96]  }
0x1a: {  	s8 =	sadd.s32 $0xFFFFE003, lr  }
0x1b: {  	s9 =	sadd.s32 $0xFFFFFEF7, lr;
	s5 =	simm.s32 $0xFFFFFFFF;
	p2 =	slt.u32 s8, $0xFFFFF086  }
0x1c: {  	p1 =	slt.u32 s9, $0xF7A;
	s5 =	simm.s32 @!p2 $0x0  }
0x1d: {  	s5 =	simm.s32 @p1 $0x1;
	p0 =	seq.s32 s7, s2  }
0x1e: {  	s7 =	smul.u32 @!p0 $0xF7A, s2;
	p2 =	seq.s32 @!p0 s5, $0x0  }
0x1f: {  	s9 =	smul.u32 $0xF7A, s1;
	s8 =	simm.s32 @!p0 $0x1BF5;
	p2 =	por !p2, p0  }
0x20: {  	[sflag:s8] =	ssyncset.s32 @!p0 $0xFFFFF086;
	s6 =	sadd.s32 @!p0 s3, s7;
	s7 =	simm.s32 @!p0 $0x108  }
0x21: {  	s3 =	sadd.s32 s3, s9;
	s6 =	sadd.s32 @!p0 $0x88, s6;
	s7 =	simm.s32 @p2 $0x1082  }
0x22: {  	[simem:s7], [sflag:s8] =	dma.local @!p0 [hbm:s6], $0xF7A  }
0x23: {  	s9 =	sor.u32 $0xD0000000, s2;
	s6 =	simm.s32 $0x108;
	_ =	swait.ge @!p0 [sflag:s8], $0x0  }
0x24: {  	s3 =	sadd.s32 $0x88, s3;
	s6 =	simm.s32 @!p1 $0x1082;
	[sflag:s4] =	ssyncset.s32 $0xFFFFF086  }
0x25: {  	[simem:s6], [sflag:s4] =	dma.local [hbm:s3], $0xF7A  }
0x26: {  	[smem:$0x3F96] =	sst s1;
	(tag) =	ssettag s2;
	_ =	strace s9  }
0x27: {  	s1 =	sld [smem:$0x3FA6]  }
0x28: {  	s2 =	sld [smem:$0x3FA7]  }
0x29: {  	s4 =	sld [smem:$0x3FA9]  }
0x2a: {  	p0 =	seq.s32 s5, $0x0;
	s5 =	sld [smem:$0x3FAA]  }
0x2b: {  	s6 =	sld [smem:$0x3FAB]  }
0x2c: {  	s7 =	sld [smem:$0x3FAC]  }
0x2d: {  	s3 =	simm.s32 $0x108;
	s8 =	sld [smem:$0x3FAD]  }
0x2e: {  	s3 =	simm.s32 @!p0 $0x1082;
	s9 =	sld [smem:$0x3FAE]  }
0x2f: {  	lr =	sadd.s32 s0, s3;
	s0 =	sld [smem:$0x3FA5]  }
0x30: {  	s3 =	sld [smem:$0x3FA8]  }
0x31: {  	[smem:$0x3FB1] =	sst s10  }
0x32: {  	s10 =	sld [smem:$0x3FAF];
	_ =	sdelay $0x3  }
0x33: {  	p0 =	seq.s32 s10, $0x1;
	s10 =	sld [smem:$0x3FB1];
	_ =	sdelay $0x3  }
0x34: {  	[smem:$0x3FB1] =	sst s10  }
0x35: {  	s10 =	sld [smem:$0x3FB0];
	_ =	sdelay $0x3  }
0x36: {  	p1 =	seq.s32 s10, $0x1;
	s10 =	sld [smem:$0x3FB1];
	_ =	sdelay $0x3  }
0x37: {  	[smem:$0x3FB1] =	sst s10  }
0x38: {  	s10 =	sld [smem:$0x3FB2]  }
0x39: {  	_ = 	snop;
	(pc) =	sbr.ind lr, $3  }
0x3a: {  	_ = 	snop  }
0x3b: {  	_ = 	snop  }
0x3c: {  	p2 =	seq.s32 s10, $0x1;
	s10 =	sld [smem:$0x3FB1]  }
0x3d: {  	_ =	shalt  }
0x3e: {  	_ =	shalt  }
0x3f: {  	_ =	shalt  }
0x40: {  	_ =	shalt  }
0x41: {  	_ =	shalt  }
0x42: {  	_ =	shalt  }
0x43: {  	_ =	shalt  }
0x44: {  	_ =	shalt  }
0x45: {  	_ =	shalt  }
0x46: {  	_ =	shalt  }
0x47: {  	_ =	shalt  }
0x48: {  	_ =	shalt  }
0x49: {  	_ =	shalt  }
0x4a: {  	_ =	shalt  }
0x4b: {  	_ =	shalt  }
0x4c: {  	_ =	shalt  }
0x4d: {  	_ =	shalt  }
0x4e: {  	_ =	shalt  }
0x4f: {  	_ =	shalt  }
0x50: {  	_ =	shalt  }
0x51: {  	_ =	shalt  }
0x52: {  	_ =	shalt  }
0x53: {  	_ =	shalt  }
0x54: {  	_ =	shalt  }
0x55: {  	_ =	shalt  }
0x56: {  	_ =	shalt  }
0x57: {  	_ =	shalt  }
0x58: {  	_ =	shalt  }
0x59: {  	_ =	shalt  }
0x5a: {  	_ =	shalt  }
0x5b: {  	_ =	shalt  }
0x5c: {  	_ =	shalt  }
0x5d: {  	_ =	shalt  }
0x5e: {  	_ =	shalt  }
0x5f: {  	_ =	shalt  }
0x60: {  	_ =	shalt  }
0x61: {  	_ =	shalt  }
0x62: {  	_ =	shalt  }
0x63: {  	_ =	shalt  }
0x64: {  	_ =	shalt  }
0x65: {  	_ =	shalt  }
0x66: {  	_ =	shalt  }
0x67: {  	_ =	shalt  }
0x68: {  	_ =	shalt  }
0x69: {  	_ =	shalt  }
0x6a: {  	_ =	shalt  }
0x6b: {  	_ =	shalt  }
0x6c: {  	_ =	shalt  }
0x6d: {  	_ =	shalt  }
0x6e: {  	_ =	shalt  }
0x6f: {  	_ =	shalt  }
0x70: {  	_ =	shalt  }
0x71: {  	_ =	shalt  }
0x72: {  	_ =	shalt  }
0x73: {  	_ =	shalt  }
0x74: {  	_ =	shalt  }
0x75: {  	_ =	shalt  }
0x76: {  	_ =	shalt  }
0x77: {  	_ =	shalt  }
0x78: {  	_ =	shalt  }
0x79: {  	_ =	shalt  }
0x7a: {  	_ =	shalt  }
0x7b: {  	_ =	shalt  }
0x7c: {  	_ =	shalt  }
0x7d: {  	_ =	shalt  }
0x7e: {  	_ =	shalt  }
0x7f: {  	_ =	shalt  }
0x80: {  	_ =	shalt  }
0x81: {  	_ =	shalt  }
0x82: {  	_ =	shalt  }
0x83: {  	_ =	shalt  }
0x84: {  	_ =	shalt  }
0x85: {  	_ =	shalt  }
0x86: {  	_ =	shalt  }
0x87: {  	_ =	shalt  }
.Lfunc_end0:
.L_simem_size_0:
called_computation_lowered:
.L_overlay_start_0:
0x88: {  	s2 =	sld [smem:$0x3FD9]  }
0x89: {  	s3 =	sld [smem:$0x3FFE];
	_ =	sdelay $0x1  }
0x8a: {  	s1 =	srdreg.scid  }
0x8b: {  	s0 =	sand.u32 $0x1, s1  }
0x8c: {  	s17 =	sshll.u32 s0, $0xA;
	s2 =	sadd.s32 s3, s2  }
0x8d: {  	s2 =	sadd.s32 s2, s17  }
0x8e: {  	[smem:$0x3FBD] =	sst s2  }
0x8f: {  	_ = 	snop  }
0x90: {  	s2 =	sld [smem:$0x3FD0];
	(tm) =	ssettm $0x1  }
0x91: {  	s18 =	sld [smem:$0x3FFB];
	_ =	sdelay $0x3  }
0x92: {  	_ =	strace s18  }
0x93: {  	s3 =	sld [smem:$0x3FFC];
	_ =	sdelay $0x3  }
0x94: {  	_ =	strace s3  }
0x95: {  	s3 =	sld [smem:$0x3FFD];
	_ =	sdelay $0x3  }
0x96: {  	_ =	strace s3  }
0x97: {  	_ =	strace $0x8FFFFFFF  }
0x98: {  	s19 =	sld [smem:$0x3FDB];
	_ =	sdelay $0x1  }
0x99: {  	s4 =	simm.s32 $_scs_section_size  }
0x9a: {  	s5 =	simm.s32 $_size__tile_overlayer_lowered;
	s6 =	simm.s32 $_tile_overlayer_lowered  }
0x9b: {  	s22 =	simm.s32 $0x1BFF;
	s21 =	sshll.u32 s6, $0x1;
	s3 =	sadd.s32 s4, s19  }
0x9c: {  	s7 =	simm.s32 $0x0;
	s20 =	sshll.u32 s5, $0x1;
	s5 =	sadd.s32 s21, s3  }
0x9d: {  	[timem:s7], [sflag:s22] =	dma.local [hbm:s5], s20  }
0x9e: {  	_ =	swait.ge [sflag:s22], s20  }
0x9f: {  	s4 =	ssub.s32 $0x0, s20;
	[sflag:s22] =	ssyncset.done $0x0  }
0xa0: {  	[sflag:s22] =	ssyncadd.s32 s4;
	_ =	sdelay $0x1  }
0xa1: {  	s23 =	simm.s32 $0x1B8B  }
0xa2: {  	_ =	swait.ge [sflag:s23], $0x1  }
0xa3: {  	[sflag:s23] =	ssyncset.done $0x0  }
0xa4: {  	s25 =	simm.s32 $0x1B8E;
	s24 =	sld [smem:$0x3FFE];
	[sflag:s23] =	ssyncadd.s32 $0xFFFFFFFF  }
0xa5: {  	s26 =	simm.s32 $execute0_lowered;
	[smem:$0x3FD2] =	sst s25  }
0xa6: {  	s5 =	sshll.u32 s26, $0x1;
	_ =	strace $0x80000046;
	[dreg:$0x1] =	wrdreg $0xFFFFFFFF  }
0xa7: {  	s28 =	simm.s32 $_size_execute0_lowered;
	s3 =	sadd.s32 s3, s5;
	[dreg:$0x0] =	wrdreg $0x0  }
0xa8: {  	s5 =	sshll.u32 s28, $0x1;
	[dreg:$0x2] =	wrdreg s3  }
0xa9: {  	[dreg:$0x3] =	wrdreg s5  }
0xaa: {  	[dreg:$0x4] =	wrdreg $0xC0  }
0xab: {  	_ =	task [dreg:s7], $0x5FFFF  }
0xac: {  	[dreg:$0x1] =	wrdreg $0xFFFFFFFF  }
0xad: {  	[dreg:$0x0] =	wrdreg $0x60  }
0xae: {  	[dreg:$0x2] =	wrdreg s2  }
0xaf: {  	[dreg:$0x3] =	wrdreg s24  }
0xb0: {  	[dreg:$0x4] =	wrdreg $0x9  }
0xb1: {  	_ =	task.clear_ibuf [dreg:s7], $0x5FFFF;
	_ =	strace $0x90000046  }
0xb2: {  	s29 =	simm.s32 $0x9;
	_ =	strace $0x80000048  }
0xb3: {  	_ =	swait.ge [sflag:s29], $0x1  }
0xb4: {  	[sflag:s29] =	ssyncadd.s32 $0xFFFFFFFF  }
0xb5: {  	_ =	strace $0x90000048  }
0xb6: {  	_ =	sfence  }
0xb7: {  	s30 =	sld [smem:$0x0];
	_ =	sdelay $0x2  }
0xb8: {  	s31 =	sshll.u32 s1, $0xD;
	s1 =	sshrl.u32 s1, $0x2  }
0xb9: {  	s3 =	sand.u32 $0x4000, s31;
	s1 =	sadd.s32 s1, s30  }
0xba: {  	s0 =	sor.u32 s3, s0;
	s1 =	sshll.u32 s1, $0x11  }
0xbb: {  	s0 =	sor.u32 s1, s0  }
0xbc: {  	s0 =	sadd.s32 $0x8F2B, s0  }
0xbd: {  	[sflag:s0] =	ssyncadd.remote.s32 $0x1  }
0xbe: {  	_ =	sfence.sel $0xFFFF  }
0xbf: {  	[dreg:$0x0] =	wrdreg $0xFFFFFFFF;
	(pc) =	sbr.abs _section_cstart, $3  }
0xc0: {  	[dreg:$0x1] =	wrdreg $0xFFFFFFFF  }
0xc1: {  	_ =	task.clear_ibuf [dreg:s7], $0x2FFFF;
	_ =	strace $0x9FFFFFFF  }
0xc2: {  	(tm) =	ssettm $0x7FFFFFFF  }
0xc3: {  	_ =	shalt  }
tec
execute0_lowered:
.L_overlay_start_1:
0x0: {  	(tag) =	ssettag $0x1  }
0x1: {  	s1 =	rddreg [dreg:$0x0]  }
0x2: {  	s0 =	rddreg [dreg:$0x1]  }
0x3: {  	s2 =	srdreg.scid;
	s3 =	simm.s32 $0x0;
	s5 =	stileid.u32  }
0x4: {  	s15 =	simm.s32 $0x5;
	s16 =	simm.s32 $0x80;
	s17 =	simm.s32 $0x50  }
0x5: {  	s18 =	simm.s32 $0x100;
	s19 =	simm.s32 $0x2900;
	s20 =	simm.s32 $0x5100  }
0x6: {  	s21 =	simm.s32 $0x5180;
	s22 =	simm.s32 $0x5200;
	s23 =	simm.s32 $0x7A00  }
0x7: {  	s24 =	simm.s32 $0x1;
	s25 =	simm.s32 $0x2;
	s28 =	simm.s32 $0x4  }
0x8: {  	s29 =	simm.s32 $0x0;
	s2 =	sand.u32 $0x1, s2;
	[smem:$0x7FF] =	sst s3  }
0x9: {  	s6 =	sadd.s32 $0x1800, s0;
	s8 =	sadd.s32 $0x3C600, s0;
	s4 =	sshll.u32 s2, $0x4  }
0xa: {  	_ =	strace $0x80000047;
	s2 =	ssub.s32 $0x2, s2;
	s7 =	sor.u32 s5, s4  }
0xb: {  	s4 =	sadd.s32 $0x15400, s0;
	s26 =	sshrl.u32 s2, $0x1;
	s5 =	smul.u32 $0x2710, s7  }
0xc: {  	s9 =	smul.u32 $0x138800, s7;
	s7 =	sadd.s32 $0xB600, s0;
	s0 =	ssub.s32 s2, s26  }
0xd: {  	s26 =	simm.s32 $0x3;
	s14 =	smax.u32 s0, $0x1;
	s30 =	sshrl.u32 s5, $0x3  }
0xe: {  	s9 =	sshrl.u32 s9, $0x3;
	s11 =	sadd.s32 $0x50, s5;
	s10 =	sadd.s32 s6, s30  }
0xf: {  	s2 =	sadd.s32 s7, s30;
	s31 =	sadd.s32 s8, s9;
	[dreg:$0x3] =	wrdreg s10  }
0x10: {  	s12 =	sadd.s32 $0xA0, s5;
	[dreg:$0x4] =	wrdreg s2;
	s13 =	sadd.s32 $0x26C00, s31  }
.LBB2_1:
0x11: {  	s0 =	rddreg [dreg:$0x3]  }
0x12: {  	[tilespmem:s3], [sflag:$0x5] =	stream.linear.gather [hbm4b:s0+s3], $0x50, $0x38;
	[tilespmem:$0xA200] =	vst v63  }
0x13: {  	_ =	swait.ge [sflag:s15], $0x50  }
0x14: {  	[sflag:s15] =	ssyncset.done $0x0  }
0x15: {  	s31 =	rddreg [dreg:$0x4];
	[sflag:s15] =	ssyncadd.s32 $0xFFFFFFB0  }
0x16: {  	[tilespmem:s16], [sflag:$0x5] =	stream.linear.gather [hbm4b:s31+s3], $0x50, $0x38;
	[tilespmem:$0xA200] =	vst v63  }
0x17: {  	_ =	swait.ge [sflag:s15], $0x50  }
0x18: {  	[sflag:s15] =	ssyncset.done $0x0  }
0x19: {  	[sflag:s15] =	ssyncadd.s32 $0xFFFFFFB0  }
0x1a: {  	[tilespmem:s18], [sflag:$0x1] =	stream.indirect.gather [hbm4b:s1+s17], $0x80, s3, s17, $0xb8;
	[tilespmem:$0xA200] =	vst v63  }
0x1b: {  	s30 =	simm.s32 $0x0  }
0x1c: {  	[tilespmem:s19], [sflag:$0x2] =	stream.indirect.gather [hbm4b:s4+s17], $0x80, s16, s17, $0xb8;
	[tilespmem:$0xA200] =	vst v63  }
.LBB2_2:
0x1d: {  	s0 =	smul.u32 $0xA0, s30;
	_ =	sdelay $0x1  }
0x1e: {  	s31 =	sadd.s32 s0, s11  }
0x1f: {  	s2 =	sshrl.u32 s31, $0x3  }
0x20: {  	s10 =	simm.s32 $0x0;
	s9 =	sadd.s32 s6, s2  }
0x21: {  	[tilespmem:s20], [sflag:$0x5] =	stream.linear.gather [hbm4b:s9+s10], $0x50, $0x38;
	[tilespmem:$0xA200] =	vst v63  }
0x22: {  	_ =	swait.ge [sflag:s15], $0x50  }
0x23: {  	[sflag:s15] =	ssyncset.done $0x0  }
0x24: {  	s2 =	sadd.s32 s7, s2;
	[sflag:s15] =	ssyncadd.s32 $0xFFFFFFB0  }
0x25: {  	[tilespmem:s21], [sflag:$0x5] =	stream.linear.gather [hbm4b:s2+s10], $0x50, $0x38;
	[tilespmem:$0xA200] =	vst v63  }
0x26: {  	_ =	swait.ge [sflag:s15], $0x50  }
0x27: {  	[sflag:s15] =	ssyncset.done $0x0  }
0x28: {  	[sflag:s15] =	ssyncadd.s32 $0xFFFFFFB0  }
0x29: {  	[tilespmem:s22], [sflag:$0x3] =	stream.indirect.gather [hbm4b:s1+s17], $0x80, s20, s17, $0xb8;
	[tilespmem:$0xA200] =	vst v63  }
0x2a: {  	_ = 	snop  }
0x2b: {  	[tilespmem:s23], [sflag:$0x4] =	stream.indirect.gather [hbm4b:s4+s17], $0x80, s21, s17, $0xb8;
	[tilespmem:$0xA200] =	vst v63  }
0x2c: {  	_ =	swait.ge [sflag:s24], $0x2800  }
0x2d: {  	[sflag:s24] =	ssyncset.done $0x0  }
0x2e: {  	[sflag:s24] =	ssyncadd.s32 $0xFFFFD800  }
0x2f: {  	_ =	swait.ge [sflag:s25], $0x2800  }
0x30: {  	[sflag:s25] =	ssyncset.done $0x0  }
0x31: {  	s2 =	simm.s32 $0x0;
	[sflag:s25] =	ssyncadd.s32 $0xFFFFD800  }
0x32: {  	v0 =	vld [tilespmem:s2+$0x170]  }
0x33: {  	v1 =	vld [tilespmem:s2+$0x2970]  }
0x34: {  	v2 =	vld [tilespmem:s2+$0x100]  }
0x35: {  	v3 =	vld [tilespmem:s2+$0x2900]  }
0x36: {  	v4 =	vld [tilespmem:s2+$0x110]  }
0x37: {  	v5 =	vld [tilespmem:s2+$0x2910]  }
0x38: {  	v6 =	vld [tilespmem:s2+$0x120]  }
0x39: {  	v7 =	vld [tilespmem:s2+$0x130]  }
0x3a: {  	v0 =	vadd.f32 v1, v0;
	v1 =	vld [tilespmem:s2+$0x2920]  }
0x3b: {  	v2 =	vadd.f32 v3, v2;
	v3 =	vld [tilespmem:s2+$0x2930]  }
0x3c: {  	v8 =	vld [tilespmem:s2+$0x2940]  }
0x3d: {  	[tilespmem:s2+$0x170] =	vst v0;
	v0 =	vadd.f32 v5, v4;
	v4 =	vld [tilespmem:s2+$0x140]  }
0x3e: {  	[tilespmem:s2+$0x100] =	vst v2;
	v2 =	vld [tilespmem:s2+$0x2950]  }
0x3f: {  	[tilespmem:s2+$0x110] =	vst v0;
	v0 =	vld [tilespmem:s2+$0x150];
	v1 =	vadd.f32 v1, v6  }
0x40: {  	v6 =	vadd.f32 v3, v7;
	v3 =	vld [tilespmem:s2+$0x2960]  }
0x41: {  	s9 =	simm.s32 $0x80;
	[tilespmem:s2+$0x120] =	vst v1;
	v1 =	vld [tilespmem:s2+$0x160]  }
0x42: {  	s10 =	simm.s32 $0x400;
	v5 =	vld [tilespmem:s9+$0x170];
	[tilespmem:s2+$0x130] =	vst v6;
	v4 =	vadd.f32 v8, v4  }
.LBB2_3:
0x43: {  	p0 =	sne.s32 s10, $0x9E00;
	v6 =	vld [tilespmem:s9+$0x2970]  }
0x44: {  	v7 =	vld [tilespmem:s9+$0x100];
	[tilespmem:s2+$0x140] =	vst v4;
	v0 =	vadd.f32 v2, v0  }
0x45: {  	v2 =	vld [tilespmem:s9+$0x2900]  }
0x46: {  	v4 =	vld [tilespmem:s9+$0x110];
	[tilespmem:s2+$0x150] =	vst v0;
	v0 =	vadd.f32 v3, v1  }
0x47: {  	v1 =	vld [tilespmem:s9+$0x2910]  }
0x48: {  	v3 =	vld [tilespmem:s9+$0x120];
	v5 =	vadd.f32 v6, v5;
	[tilespmem:s2+$0x160] =	vst v0;
	s2 =	smov.u32 s9  }
0x49: {  	v0 =	vld [tilespmem:s2+$0x2920]  }
0x4a: {  	v2 =	vadd.f32 v2, v7;
	v6 =	vld [tilespmem:s2+$0x130];
	[tilespmem:s2+$0x170] =	vst v5  }
0x4b: {  	v5 =	vld [tilespmem:s2+$0x2930]  }
0x4c: {  	[tilespmem:s2+$0x100] =	vst v2;
	v1 =	vadd.f32 v1, v4;
	v4 =	vld [tilespmem:s2+$0x140]  }
0x4d: {  	v7 =	vld [tilespmem:s2+$0x2940]  }
.Ltmp0:
0x4e: {  	[tilespmem:s2+$0x110] =	vst v1;
	v1 =	vadd.f32 v0, v3;
	v0 =	vld [tilespmem:s2+$0x150];
	(pc) =	sbr.rel @p0 .LBB2_3-.Ltmp0, $4  }
0x4f: {  	v2 =	vld [tilespmem:s2+$0x2950]  }
0x50: {  	[tilespmem:s2+$0x120] =	vst v1;
	v6 =	vadd.f32 v5, v6;
	v1 =	vld [tilespmem:s2+$0x160]  }
0x51: {  	s9 =	sshra.s32 s10, $0x2;
	v3 =	vld [tilespmem:s2+$0x2960]  }
0x52: {  	s10 =	sadd.s32 $0x200, s10;
	v5 =	vld [tilespmem:s9+$0x170];
	[tilespmem:s2+$0x130] =	vst v6;
	v4 =	vadd.f32 v7, v4  }
0x53: {  	v6 =	vld [tilespmem:s9+$0x2970]  }
0x54: {  	v7 =	vld [tilespmem:s9+$0x100]  }
0x55: {  	v8 =	vld [tilespmem:s9+$0x2900]  }
0x56: {  	v9 =	vld [tilespmem:s9+$0x110]  }
0x57: {  	v10 =	vld [tilespmem:s9+$0x2910]  }
0x58: {  	v11 =	vld [tilespmem:s9+$0x120]  }
0x59: {  	v12 =	vld [tilespmem:s9+$0x130]  }
0x5a: {  	v5 =	vadd.f32 v6, v5;
	v6 =	vld [tilespmem:s9+$0x2920]  }
0x5b: {  	v60 =	vld [tilespmem:s9+$0x140]  }
0x5c: {  	v61 =	vld [tilespmem:s9+$0x2940];
	v7 =	vadd.f32 v8, v7  }
0x5d: {  	v62 =	vld [tilespmem:s9+$0x2950];
	[tilespmem:s9+$0x170] =	vst v5  }
0x5e: {  	v5 =	vld [tilespmem:s9+$0x2930];
	[tilespmem:s9+$0x100] =	vst v7;
	v7 =	vadd.f32 v10, v9  }
0x5f: {  	v0 =	vadd.f32 v2, v0;
	v2 =	vld [tilespmem:s9+$0x2960];
	v6 =	vadd.f32 v6, v11  }
0x60: {  	[tilespmem:s9+$0x110] =	vst v7;
	v7 =	vld [tilespmem:s9+$0x150]  }
0x61: {  	[tilespmem:s9+$0x120] =	vst v6;
	v6 =	vld [tilespmem:s9+$0x160]  }
0x62: {  	[tilespmem:s2+$0x140] =	vst v4;
	v1 =	vadd.f32 v3, v1  }
0x63: {  	[tilespmem:s2+$0x150] =	vst v0;
	v0 =	vadd.f32 v5, v12  }
0x64: {  	[tilespmem:s2+$0x160] =	vst v1;
	v1 =	vadd.f32 v61, v60  }
0x65: {  	[tilespmem:s9+$0x130] =	vst v0;
	v0 =	vadd.f32 v62, v7  }
0x66: {  	s10 =	sadd.s32 s5, s0;
	[tilespmem:s9+$0x140] =	vst v1;
	v1 =	vadd.f32 v2, v6  }
0x67: {  	s2 =	sshll.u32 s10, $0x4;
	[tilespmem:s9+$0x150] =	vst v0  }
0x68: {  	s2 =	sadd.s32 s8, s2;
	[tilespmem:s9+$0x160] =	vst v1;
	s9 =	simm.s32 $0x0  }
0x69: {  	[hbm4b:s2+s9] =	stream.linear.scatter [tilespmem:s18], [sflag:$0x5], $0x2800, $0x38;
	[tilespmem:$0xA200] =	vst v63  }
0x6a: {  	s2 =	sadd.s32 s0, s12;
	_ =	swait.ge [sflag:s15], $0x2800  }
0x6b: {  	s0 =	sshrl.u32 s2, $0x3;
	[sflag:s15] =	ssyncset.done $0x0  }
0x6c: {  	s10 =	sadd.s32 s6, s0;
	[sflag:s15] =	ssyncadd.s32 $0xFFFFD800  }
0x6d: {  	[tilespmem:s9], [sflag:$0x5] =	stream.linear.gather [hbm4b:s10+s9], $0x50, $0x38;
	[tilespmem:$0xA200] =	vst v63  }
0x6e: {  	_ =	swait.ge [sflag:s15], $0x50  }
0x6f: {  	[sflag:s15] =	ssyncset.done $0x0  }
0x70: {  	s0 =	sadd.s32 s7, s0;
	[sflag:s15] =	ssyncadd.s32 $0xFFFFFFB0  }
0x71: {  	[tilespmem:s16], [sflag:$0x5] =	stream.linear.gather [hbm4b:s0+s9], $0x50, $0x38;
	[tilespmem:$0xA200] =	vst v63  }
0x72: {  	_ =	swait.ge [sflag:s15], $0x50  }
0x73: {  	[sflag:s15] =	ssyncset.done $0x0  }
0x74: {  	[sflag:s15] =	ssyncadd.s32 $0xFFFFFFB0  }
0x75: {  	[tilespmem:s18], [sflag:$0x1] =	stream.indirect.gather [hbm4b:s1+s17], $0x80, s9, s17, $0xb8;
	[tilespmem:$0xA200] =	vst v63  }
0x76: {  	_ = 	snop  }
0x77: {  	[tilespmem:s19], [sflag:$0x2] =	stream.indirect.gather [hbm4b:s4+s17], $0x80, s16, s17, $0xb8;
	[tilespmem:$0xA200] =	vst v63  }
0x78: {  	_ =	swait.ge [sflag:s26], $0x2800  }
0x79: {  	[sflag:s26] =	ssyncset.done $0x0  }
0x7a: {  	[sflag:s26] =	ssyncadd.s32 $0xFFFFD800  }
0x7b: {  	_ =	swait.ge [sflag:s28], $0x2800  }
0x7c: {  	[sflag:s28] =	ssyncset.done $0x0  }
0x7d: {  	s0 =	simm.s32 $0x0;
	[sflag:s28] =	ssyncadd.s32 $0xFFFFD800  }
0x7e: {  	v0 =	vld [tilespmem:s0+$0x5270]  }
0x7f: {  	v1 =	vld [tilespmem:s0+$0x7A70]  }
0x80: {  	v2 =	vld [tilespmem:s0+$0x5200]  }
0x81: {  	v3 =	vld [tilespmem:s0+$0x7A00]  }
0x82: {  	v4 =	vld [tilespmem:s0+$0x5210]  }
0x83: {  	v5 =	vld [tilespmem:s0+$0x7A10]  }
0x84: {  	v6 =	vld [tilespmem:s0+$0x5220]  }
0x85: {  	v7 =	vld [tilespmem:s0+$0x5230]  }
0x86: {  	v0 =	vadd.f32 v1, v0;
	v1 =	vld [tilespmem:s0+$0x7A20]  }
0x87: {  	v2 =	vadd.f32 v3, v2;
	v3 =	vld [tilespmem:s0+$0x7A30]  }
0x88: {  	v63 =	vld [tilespmem:s0+$0x7A40]  }
0x89: {  	[tilespmem:s0+$0x5270] =	vst v0;
	v0 =	vadd.f32 v5, v4;
	v4 =	vld [tilespmem:s0+$0x5240]  }
0x8a: {  	[tilespmem:s0+$0x5200] =	vst v2;
	v2 =	vld [tilespmem:s0+$0x7A50]  }
0x8b: {  	[tilespmem:s0+$0x5210] =	vst v0;
	v0 =	vld [tilespmem:s0+$0x5250];
	v1 =	vadd.f32 v1, v6  }
0x8c: {  	v6 =	vadd.f32 v3, v7;
	v3 =	vld [tilespmem:s0+$0x7A60]  }
0x8d: {  	s2 =	simm.s32 $0x80;
	[tilespmem:s0+$0x5220] =	vst v1;
	v1 =	vld [tilespmem:s0+$0x5260]  }
0x8e: {  	s9 =	simm.s32 $0x400;
	v5 =	vld [tilespmem:s2+$0x5270];
	[tilespmem:s0+$0x5230] =	vst v6;
	v4 =	vadd.f32 v63, v4  }
.LBB2_5:
0x8f: {  	p0 =	sne.s32 s9, $0x9E00;
	v6 =	vld [tilespmem:s2+$0x7A70]  }
0x90: {  	v7 =	vld [tilespmem:s2+$0x5200];
	[tilespmem:s0+$0x5240] =	vst v4;
	v0 =	vadd.f32 v2, v0  }
0x91: {  	v2 =	vld [tilespmem:s2+$0x7A00]  }
0x92: {  	v4 =	vld [tilespmem:s2+$0x5210];
	[tilespmem:s0+$0x5250] =	vst v0;
	v0 =	vadd.f32 v3, v1  }
0x93: {  	v1 =	vld [tilespmem:s2+$0x7A10]  }
0x94: {  	v3 =	vld [tilespmem:s2+$0x5220];
	v5 =	vadd.f32 v6, v5;
	[tilespmem:s0+$0x5260] =	vst v0;
	s0 =	smov.u32 s2  }
0x95: {  	v0 =	vld [tilespmem:s0+$0x7A20]  }
0x96: {  	v2 =	vadd.f32 v2, v7;
	v6 =	vld [tilespmem:s0+$0x5230];
	[tilespmem:s0+$0x5270] =	vst v5  }
0x97: {  	v5 =	vld [tilespmem:s0+$0x7A30]  }
0x98: {  	[tilespmem:s0+$0x5200] =	vst v2;
	v1 =	vadd.f32 v1, v4;
	v4 =	vld [tilespmem:s0+$0x5240]  }
0x99: {  	v7 =	vld [tilespmem:s0+$0x7A40]  }
.Ltmp1:
0x9a: {  	[tilespmem:s0+$0x5210] =	vst v1;
	v1 =	vadd.f32 v0, v3;
	v0 =	vld [tilespmem:s0+$0x5250];
	(pc) =	sbr.rel @p0 .LBB2_5-.Ltmp1, $4  }
0x9b: {  	v2 =	vld [tilespmem:s0+$0x7A50]  }
0x9c: {  	[tilespmem:s0+$0x5220] =	vst v1;
	v6 =	vadd.f32 v5, v6;
	v1 =	vld [tilespmem:s0+$0x5260]  }
0x9d: {  	s2 =	sshra.s32 s9, $0x2;
	v3 =	vld [tilespmem:s0+$0x7A60]  }
0x9e: {  	s9 =	sadd.s32 $0x200, s9;
	v5 =	vld [tilespmem:s2+$0x5270];
	[tilespmem:s0+$0x5230] =	vst v6;
	v4 =	vadd.f32 v7, v4  }
0x9f: {  	v6 =	vld [tilespmem:s2+$0x7A70]  }
0xa0: {  	v7 =	vld [tilespmem:s2+$0x5200]  }
0xa1: {  	v8 =	vld [tilespmem:s2+$0x7A00]  }
0xa2: {  	v9 =	vld [tilespmem:s2+$0x5210]  }
0xa3: {  	v10 =	vld [tilespmem:s2+$0x7A10]  }
0xa4: {  	v11 =	vld [tilespmem:s2+$0x5220]  }
0xa5: {  	v51 =	vld [tilespmem:s2+$0x7A20]  }
0xa6: {  	v12 =	vld [tilespmem:s2+$0x5230]  }
0xa7: {  	v52 =	vld [tilespmem:s2+$0x7A30]  }
0xa8: {  	v54 =	vld [tilespmem:s2+$0x5240]  }
0xa9: {  	v55 =	vld [tilespmem:s2+$0x7A40];
	v0 =	vadd.f32 v2, v0  }
0xaa: {  	v56 =	vld [tilespmem:s2+$0x5250];
	[tilespmem:s0+$0x5240] =	vst v4;
	v1 =	vadd.f32 v3, v1  }
0xab: {  	v57 =	vld [tilespmem:s2+$0x7A50];
	[tilespmem:s0+$0x5250] =	vst v0;
	v5 =	vadd.f32 v6, v5  }
0xac: {  	v58 =	vld [tilespmem:s2+$0x5260];
	v7 =	vadd.f32 v8, v7;
	[tilespmem:s0+$0x5260] =	vst v1  }
0xad: {  	v59 =	vld [tilespmem:s2+$0x7A60];
	v53 =	vadd.f32 v10, v9;
	[tilespmem:s2+$0x5270] =	vst v5  }
0xae: {  	v6 =	vadd.f32 v51, v11;
	[tilespmem:s2+$0x5200] =	vst v7  }
0xaf: {  	v60 =	vadd.f32 v52, v12;
	[tilespmem:s2+$0x5210] =	vst v53  }
0xb0: {  	v61 =	vadd.f32 v55, v54;
	[tilespmem:s2+$0x5220] =	vst v6  }
0xb1: {  	v62 =	vadd.f32 v57, v56;
	[tilespmem:s2+$0x5230] =	vst v60  }
0xb2: {  	s30 =	sadd.s32 $0x1, s30;
	v63 =	vadd.f32 v59, v58;
	[tilespmem:s2+$0x5240] =	vst v61  }
0xb3: {  	s31 =	sshll.u32 s31, $0x4;
	p0 =	sne.s32 s30, $0x3E;
	[tilespmem:s2+$0x5250] =	vst v62  }
.Ltmp2:
0xb4: {  	s0 =	sadd.s32 s8, s31;
	[tilespmem:s2+$0x5260] =	vst v63;
	(pc) =	sbr.rel @p0 .LBB2_2-.Ltmp2, $4  }
0xb5: {  	[hbm4b:s0+s3] =	stream.linear.scatter [tilespmem:s22], [sflag:$0x5], $0x2800, $0x38;
	[tilespmem:$0xA200] =	vst v63  }
0xb6: {  	_ =	swait.ge [sflag:s15], $0x2800  }
0xb7: {  	[sflag:s15] =	ssyncset.done $0x0  }
0xb8: {  	[sflag:s15] =	ssyncadd.s32 $0xFFFFD800  }
0xb9: {  	_ =	swait.ge [sflag:s24], $0x2800  }
0xba: {  	[sflag:s24] =	ssyncset.done $0x0  }
0xbb: {  	[sflag:s24] =	ssyncadd.s32 $0xFFFFD800  }
0xbc: {  	_ =	swait.ge [sflag:s25], $0x2800  }
0xbd: {  	[sflag:s25] =	ssyncset.done $0x0  }
0xbe: {  	s0 =	simm.s32 $0x0;
	[sflag:s25] =	ssyncadd.s32 $0xFFFFD800  }
0xbf: {  	v0 =	vld [tilespmem:s0+$0x170]  }
0xc0: {  	v1 =	vld [tilespmem:s0+$0x2970]  }
0xc1: {  	v2 =	vld [tilespmem:s0+$0x100]  }
0xc2: {  	v3 =	vld [tilespmem:s0+$0x2900]  }
0xc3: {  	v4 =	vld [tilespmem:s0+$0x110]  }
0xc4: {  	v5 =	vld [tilespmem:s0+$0x2910]  }
0xc5: {  	v6 =	vld [tilespmem:s0+$0x120]  }
0xc6: {  	v7 =	vld [tilespmem:s0+$0x130]  }
0xc7: {  	v0 =	vadd.f32 v1, v0;
	v1 =	vld [tilespmem:s0+$0x2920]  }
0xc8: {  	v2 =	vadd.f32 v3, v2;
	v3 =	vld [tilespmem:s0+$0x2930]  }
0xc9: {  	v8 =	vld [tilespmem:s0+$0x2940]  }
0xca: {  	[tilespmem:s0+$0x170] =	vst v0;
	v0 =	vadd.f32 v5, v4;
	v4 =	vld [tilespmem:s0+$0x140]  }
0xcb: {  	[tilespmem:s0+$0x100] =	vst v2;
	v2 =	vld [tilespmem:s0+$0x2950]  }
0xcc: {  	[tilespmem:s0+$0x110] =	vst v0;
	v0 =	vld [tilespmem:s0+$0x150];
	v1 =	vadd.f32 v1, v6  }
0xcd: {  	v6 =	vadd.f32 v3, v7;
	v3 =	vld [tilespmem:s0+$0x2960]  }
0xce: {  	s2 =	simm.s32 $0x80;
	[tilespmem:s0+$0x120] =	vst v1;
	v1 =	vld [tilespmem:s0+$0x160]  }
0xcf: {  	s9 =	simm.s32 $0x400;
	v5 =	vld [tilespmem:s2+$0x170];
	[tilespmem:s0+$0x130] =	vst v6;
	v4 =	vadd.f32 v8, v4  }
.LBB2_8:
0xd0: {  	p0 =	sne.s32 s9, $0x9E00;
	v6 =	vld [tilespmem:s2+$0x2970]  }
0xd1: {  	v7 =	vld [tilespmem:s2+$0x100];
	[tilespmem:s0+$0x140] =	vst v4;
	v0 =	vadd.f32 v2, v0  }
0xd2: {  	v2 =	vld [tilespmem:s2+$0x2900]  }
0xd3: {  	v4 =	vld [tilespmem:s2+$0x110];
	[tilespmem:s0+$0x150] =	vst v0;
	v0 =	vadd.f32 v3, v1  }
0xd4: {  	v1 =	vld [tilespmem:s2+$0x2910]  }
0xd5: {  	v3 =	vld [tilespmem:s2+$0x120];
	v5 =	vadd.f32 v6, v5;
	[tilespmem:s0+$0x160] =	vst v0;
	s0 =	smov.u32 s2  }
0xd6: {  	v0 =	vld [tilespmem:s0+$0x2920]  }
0xd7: {  	v2 =	vadd.f32 v2, v7;
	v6 =	vld [tilespmem:s0+$0x130];
	[tilespmem:s0+$0x170] =	vst v5  }
0xd8: {  	v5 =	vld [tilespmem:s0+$0x2930]  }
0xd9: {  	[tilespmem:s0+$0x100] =	vst v2;
	v1 =	vadd.f32 v1, v4;
	v4 =	vld [tilespmem:s0+$0x140]  }
0xda: {  	v7 =	vld [tilespmem:s0+$0x2940]  }
.Ltmp3:
0xdb: {  	[tilespmem:s0+$0x110] =	vst v1;
	v1 =	vadd.f32 v0, v3;
	v0 =	vld [tilespmem:s0+$0x150];
	(pc) =	sbr.rel @p0 .LBB2_8-.Ltmp3, $4  }
0xdc: {  	v2 =	vld [tilespmem:s0+$0x2950]  }
0xdd: {  	[tilespmem:s0+$0x120] =	vst v1;
	v6 =	vadd.f32 v5, v6;
	v1 =	vld [tilespmem:s0+$0x160]  }
0xde: {  	s2 =	sshra.s32 s9, $0x2;
	v3 =	vld [tilespmem:s0+$0x2960]  }
0xdf: {  	s9 =	sadd.s32 $0x200, s9;
	v5 =	vld [tilespmem:s2+$0x170];
	[tilespmem:s0+$0x130] =	vst v6;
	v4 =	vadd.f32 v7, v4  }
0xe0: {  	v6 =	vld [tilespmem:s2+$0x2970]  }
0xe1: {  	v7 =	vld [tilespmem:s2+$0x100]  }
0xe2: {  	v8 =	vld [tilespmem:s2+$0x2900]  }
0xe3: {  	v9 =	vld [tilespmem:s2+$0x110]  }
0xe4: {  	v10 =	vld [tilespmem:s2+$0x2910]  }
0xe5: {  	v11 =	vld [tilespmem:s2+$0x120]  }
0xe6: {  	v51 =	vld [tilespmem:s2+$0x2920]  }
0xe7: {  	v12 =	vld [tilespmem:s2+$0x130]  }
0xe8: {  	v52 =	vld [tilespmem:s2+$0x2930]  }
0xe9: {  	v54 =	vld [tilespmem:s2+$0x140]  }
0xea: {  	v55 =	vld [tilespmem:s2+$0x2940];
	v0 =	vadd.f32 v2, v0  }
0xeb: {  	v56 =	vld [tilespmem:s2+$0x150];
	[tilespmem:s0+$0x140] =	vst v4;
	v1 =	vadd.f32 v3, v1  }
0xec: {  	v57 =	vld [tilespmem:s2+$0x2950];
	[tilespmem:s0+$0x150] =	vst v0;
	v5 =	vadd.f32 v6, v5  }
0xed: {  	v58 =	vld [tilespmem:s2+$0x160];
	v7 =	vadd.f32 v8, v7;
	[tilespmem:s0+$0x160] =	vst v1  }
0xee: {  	v59 =	vld [tilespmem:s2+$0x2960];
	v53 =	vadd.f32 v10, v9;
	[tilespmem:s2+$0x170] =	vst v5  }
0xef: {  	v6 =	vadd.f32 v51, v11;
	[tilespmem:s2+$0x100] =	vst v7  }
0xf0: {  	v60 =	vadd.f32 v52, v12;
	[tilespmem:s2+$0x110] =	vst v53  }
0xf1: {  	v61 =	vadd.f32 v55, v54;
	[tilespmem:s2+$0x120] =	vst v6  }
0xf2: {  	v62 =	vadd.f32 v57, v56;
	[tilespmem:s2+$0x130] =	vst v60  }
0xf3: {  	s29 =	sadd.s32 $0x1, s29;
	v63 =	vadd.f32 v59, v58;
	[tilespmem:s2+$0x140] =	vst v61  }
0xf4: {  	p0 =	sne.s32 s29, s14;
	[tilespmem:s2+$0x150] =	vst v62  }
.Ltmp4:
0xf5: {  	[tilespmem:s2+$0x160] =	vst v63;
	(pc) =	sbr.rel @p0 .LBB2_1-.Ltmp4, $4  }
0xf6: {  	[hbm4b:s13+s3] =	stream.linear.scatter [tilespmem:s18], [sflag:$0x5], $0x2800, $0x38;
	[tilespmem:$0xA200] =	vst v63  }
0xf7: {  	_ =	swait.ge [sflag:s15], $0x2800  }
0xf8: {  	[sflag:s15] =	ssyncset.done $0x0  }
0xf9: {  	[sflag:s15] =	ssyncadd.s32 $0xFFFFD800  }
0xfa: {  	_ =	sfence.sel $0x180000  }
0xfb: {  	[bflag:$0x0] =	sbarrier.arrive $0xFFFF  }
0xfc: {  	_ =	strace $0x90000047  }
0xfd: {  	s0 =	stileid.u32;
	[bflag:$0x2] =	sbarrier.arrive $0xFFFF  }
0xfe: {  	p0 =	sne.s32 s0, $0x0;
	s0 =	rddreg [dreg:$0x2]  }
0xff: {  	s0 =	sadd.s32 @!p0 $0x100000, s0  }
0x100: {  	[sflag:s0] =	ssyncadd.tile.s32 @!p0 $0x1;
	_ =	shalt  }
.Lfunc_end2:
_tile_overlayer_lowered:
.L_overlay_start_2:
0x101: {  	(tag) =	ssettag $0x2  }
0x102: {  	s0 =	rddreg [dreg:$0x0];
	s2 =	stileid.u32  }
0x103: {  	s1 =	rddreg [dreg:$0x1];
	p0 =	sne.s32 s2, $0x0  }
0x104: {  	s3 =	rddreg [dreg:$0x2];
	[bflag:$0x3] =	sbarrier.arrive $0xFFFF;
	s2 =	simm.s32 @!p0 $0x1C05  }
0x105: {  	[timem:s3], [sflag:s2] =	dma.local @!p0 [hbm:s0], s1  }
0x106: {  	s0 =	simm.s32 @!p0 $0x5  }
0x107: {  	_ =	swait.ge @!p0 [sflag:s0], s1  }
0x108: {  	s1 =	ssub.s32 @!p0 $0x0, s1;
	[sflag:s0] =	ssyncset.done @!p0 $0x0  }
0x109: {  	[sflag:s0] =	ssyncadd.s32 @!p0 s1  }
0x10a: {  	[bflag:$0x3] =	sbarrier.arrive $0xFFFF  }
0x10b: {  	_ =	shalt  }

</sc_bundles>
